<compile_context>
chip_gen: v7x
topology: tpu7x:2x2x1
jax: 0.10.2.dev20260603
libtpu: 0.0.44.dev20260713+nightly
codegen_flags: <defaults>
</compile_context>

<pallas_src>
import functools

import jax
import jax.numpy as jnp
from jax import lax
from jax.experimental import pallas as pl
from jax.experimental.pallas import tpu as pltpu
from jax.experimental.pallas import tpu_sc as plsc

_N = 10000
_NACC = 10240
_D = 128
_NCLS = 40
_DC = 48
_E = 320000
_EPAD = 327680
_NC = 2
_NS = 16
_NW = _NC * _NS
_EPT = _EPAD // _NW
_C = 128
_NCH = _EPT // _C
_RPT = _NACC // _NS
_L2 = 2 * _NACC
_EPT2 = 2 * _EPT
_NCH2 = _EPT2 // _C
_RPT2 = _L2 // _NS
_BR = 512
_GRID = _NACC // _BR


def _sc_mesh():
    return plsc.VectorSubcoreMesh(core_axis_name="c", subcore_axis_name="s")


_NBUF = 4
_NCHF = _EPAD // _NS // _C


def _agg_feature_split():
    D = _D // 2
    G = _NCHF // (2 * _NBUF)

    @functools.partial(
        pl.kernel,
        out_type=jax.ShapeDtypeStruct((_NACC, _D), jnp.float32),
        mesh=_sc_mesh(),
        compiler_params=pltpu.CompilerParams(use_tc_tiling_on_sc=False),
        scratch_types=(
            [pltpu.VMEM((_NCHF, _C), jnp.int32)] * 2
            + [pltpu.VMEM((_C, D), jnp.float32)] * _NBUF
            + [pltpu.VMEM_SHARED((_NACC, D), jnp.float32)]
            + [pltpu.SemaphoreType.DMA] * (2 * _NBUF)
        ),
    )
    def agg(table, s2lo, s2hi, dstp2, zeros, out, sidx, didx, *scr):
        rows = scr[:_NBUF]
        acc = scr[_NBUF]
        gsem = scr[_NBUF + 1:2 * _NBUF + 1]
        ssem = scr[2 * _NBUF + 1:]
        c = lax.axis_index("c")
        s = lax.axis_index("s")
        rbase = s * _RPT
        pltpu.sync_copy(zeros.at[pl.ds(rbase, _RPT)], acc.at[pl.ds(rbase, _RPT)])
        pl.when(c == 0)(
            lambda: pltpu.sync_copy(s2lo.at[pl.ds(s * _NCHF, _NCHF)], sidx))
        pl.when(c == 1)(
            lambda: pltpu.sync_copy(s2hi.at[pl.ds(s * _NCHF, _NCHF)], sidx))
        pltpu.sync_copy(dstp2.at[pl.ds(s * _NCHF, _NCHF)], didx)
        plsc.subcore_barrier()

        def gather(j, b):
            pltpu.async_copy(table.at[sidx.at[j]], rows[b], gsem[b])

        def gwait_scat(j, b):
            pltpu.make_async_copy(table.at[sidx.at[j]], rows[b], gsem[b]).wait()
            pltpu.async_copy(rows[b], acc.at[didx.at[j]], ssem[b], add=True)

        def swait(j, b):
            pltpu.make_async_copy(rows[b], acc.at[didx.at[j]], ssem[b]).wait()

        def group(g, carry):
            ja = g * 2 * _NBUF
            jb = ja + _NBUF
            for b in range(_NBUF):
                gather(ja + b, b)
            for b in range(_NBUF):
                gwait_scat(ja + b, b)
            for b in range(_NBUF):
                swait(ja + b, b)
                gather(jb + b, b)
            for b in range(_NBUF):
                gwait_scat(jb + b, b)
            for b in range(_NBUF):
                swait(jb + b, b)
            return carry

        lax.fori_loop(0, G, group, 0)
        plsc.subcore_barrier()
        pltpu.sync_copy(acc.at[pl.ds(rbase, _RPT)],
                        out.at[pl.ds(rbase, _RPT), pl.ds(c * D, D)])

    return agg


@functools.lru_cache(maxsize=None)
def _make_agg(D):
    G = _NCH // _NBUF

    @functools.partial(
        pl.kernel,
        out_type=jax.ShapeDtypeStruct((_NACC, _D), jnp.float32),
        mesh=_sc_mesh(),
        compiler_params=pltpu.CompilerParams(use_tc_tiling_on_sc=(D % 128 == 0)),
        scratch_types=(
            [pltpu.VMEM((_NCH, _C), jnp.int32)] * 2
            + [pltpu.VMEM((_C, D), jnp.float32)] * _NBUF
            + [pltpu.VMEM_SHARED((_NACC, D), jnp.float32)]
            + [pltpu.SemaphoreType.DMA] * (2 * _NBUF)
        ),
    )
    def agg(table, srcp2, dstp2, zeros, out, sidx, didx, *scr):
        rows = scr[:_NBUF]
        acc = scr[_NBUF]
        gsem = scr[_NBUF + 1:2 * _NBUF + 1]
        ssem = scr[2 * _NBUF + 1:]
        c = lax.axis_index("c")
        s = lax.axis_index("s")
        wid = c * _NS + s
        rbase = s * _RPT
        pltpu.sync_copy(zeros.at[pl.ds(rbase, _RPT)], acc.at[pl.ds(rbase, _RPT)])
        pltpu.sync_copy(srcp2.at[pl.ds(wid * _NCH, _NCH)], sidx)
        pltpu.sync_copy(dstp2.at[pl.ds(wid * _NCH, _NCH)], didx)
        plsc.subcore_barrier()

        def gather(j, b):
            pltpu.async_copy(table.at[sidx.at[j]], rows[b], gsem[b])

        def gwait_scat(j, b):
            pltpu.make_async_copy(table.at[sidx.at[j]], rows[b], gsem[b]).wait()
            pltpu.async_copy(rows[b], acc.at[didx.at[j]], ssem[b], add=True)

        def swait(j, b):
            pltpu.make_async_copy(rows[b], acc.at[didx.at[j]], ssem[b]).wait()

        def group(g, carry):
            ja = g * 2 * _NBUF
            jb = ja + _NBUF
            for b in range(_NBUF):
                gather(ja + b, b)
            for b in range(_NBUF):
                gwait_scat(ja + b, b)
            for b in range(_NBUF):
                swait(ja + b, b)
                gather(jb + b, b)
            for b in range(_NBUF):
                gwait_scat(jb + b, b)
            for b in range(_NBUF):
                swait(jb + b, b)
            return carry

        lax.fori_loop(0, _NCH // (2 * _NBUF), group, 0)
        plsc.subcore_barrier()
        pltpu.sync_copy(acc.at[pl.ds(rbase, _RPT)],
                        out.at[pl.ds(rbase, _RPT), pl.ds(c * 64, D)])

    return agg


_DEGK = 8


@functools.partial(
    pl.kernel,
    out_type=jax.ShapeDtypeStruct((_NACC, 128), jnp.float32),
    mesh=_sc_mesh(),
    compiler_params=pltpu.CompilerParams(use_tc_tiling_on_sc=False),
    scratch_types=[
        pltpu.VMEM((_NCHF, _C), jnp.int32),
        pltpu.VMEM((_C, 16), jnp.float32),
        pltpu.VMEM_SHARED((_NACC, 16), jnp.float32),
        pltpu.SemaphoreType.DMA,
        pltpu.SemaphoreType.DMA,
    ],
)
def _deg_kernel(srcp2, dstp2, ones, zeros, out, idxbuf, ones_v,
                acc, sem0, sem1):
    sems = (sem0, sem1)
    c = lax.axis_index("c")
    s = lax.axis_index("s")
    rbase = s * _RPT
    pltpu.sync_copy(ones, ones_v)
    pltpu.sync_copy(zeros.at[pl.ds(rbase, _RPT)], acc.at[pl.ds(rbase, _RPT)])

    def load_idx(idx2):
        pltpu.sync_copy(idx2.at[pl.ds(s * _NCHF, _NCHF)], idxbuf)

    pl.when(c == 0)(lambda: load_idx(srcp2))
    pl.when(c == 1)(lambda: load_idx(dstp2))
    plsc.subcore_barrier()
    NG = _NCHF // _DEGK

    def dgroup(g, carry):
        for k in range(_DEGK):
            pltpu.async_copy(ones_v, acc.at[idxbuf.at[g * _DEGK + k]],
                             sems[k % 2], add=True)
        for k in range(_DEGK):
            pltpu.make_async_copy(
                ones_v, acc.at[idxbuf.at[g * _DEGK + k]], sems[k % 2]).wait()
        return carry

    lax.fori_loop(0, NG, dgroup, 0)
    plsc.subcore_barrier()
    pltpu.sync_copy(acc.at[pl.ds(rbase, _RPT)],
                    out.at[pl.ds(rbase, _RPT), pl.ds(c * 64, 16)])


def _tc_norm_scale(xpad, deg):

    def body(x_ref, d_ref, xs_ref, ns_ref, nd_ref):
        ns = lax.rsqrt(jnp.maximum(d_ref[:, 0:1], 1.0))
        nd = lax.rsqrt(jnp.maximum(d_ref[:, 64:65], 1.0))
        xs_ref[...] = x_ref[...] * ns
        ns_ref[...] = ns
        nd_ref[...] = nd

    return pl.pallas_call(
        body,
        grid=(_GRID,),
        in_specs=[
            pl.BlockSpec((_BR, _D), lambda i: (i, 0)),
            pl.BlockSpec((_BR, 128), lambda i: (i, 0)),
        ],
        out_specs=[
            pl.BlockSpec((_BR, _D), lambda i: (i, 0)),
            pl.BlockSpec((_BR, 1), lambda i: (i, 0)),
            pl.BlockSpec((_BR, 1), lambda i: (i, 0)),
        ],
        out_shape=[
            jax.ShapeDtypeStruct((_NACC, _D), jnp.float32),
            jax.ShapeDtypeStruct((_NACC, 1), jnp.float32),
            jax.ShapeDtypeStruct((_NACC, 1), jnp.float32),
        ],
    )(xpad, deg)


def _tc_layer(p, nd, ns, W, b):

    def body(p_ref, nd_ref, ns_ref, w_ref, b_ref, o_ref):
        h = p_ref[...] * nd_ref[...]
        z = jnp.dot(h, w_ref[...], preferred_element_type=jnp.float32) + b_ref[...]
        o_ref[...] = jnp.where(z > 0.0, z, jnp.exp(z) - 1.0) * ns_ref[...]

    return pl.pallas_call(
        body,
        grid=(_GRID,),
        in_specs=[
            pl.BlockSpec((_BR, _D), lambda i: (i, 0)),
            pl.BlockSpec((_BR, 1), lambda i: (i, 0)),
            pl.BlockSpec((_BR, 1), lambda i: (i, 0)),
            pl.BlockSpec((_D, _D), lambda i: (0, 0)),
            pl.BlockSpec((1, _D), lambda i: (0, 0)),
        ],
        out_specs=pl.BlockSpec((_BR, _D), lambda i: (i, 0)),
        out_shape=jax.ShapeDtypeStruct((_NACC, _D), jnp.float32),
    )(p, nd, ns, W, b)


def _tc_layer_premat(p, nd, ns, W, b, W2p):

    def body(p_ref, nd_ref, ns_ref, w_ref, b_ref, w2_ref, o_ref):
        h = p_ref[...] * nd_ref[...]
        z = jnp.dot(h, w_ref[...], preferred_element_type=jnp.float32) + b_ref[...]
        h2 = jnp.where(z > 0.0, z, jnp.exp(z) - 1.0) * ns_ref[...]
        o_ref[...] = jnp.dot(h2, w2_ref[...], preferred_element_type=jnp.float32)

    return pl.pallas_call(
        body,
        grid=(_GRID,),
        in_specs=[
            pl.BlockSpec((_BR, _D), lambda i: (i, 0)),
            pl.BlockSpec((_BR, 1), lambda i: (i, 0)),
            pl.BlockSpec((_BR, 1), lambda i: (i, 0)),
            pl.BlockSpec((_D, _D), lambda i: (0, 0)),
            pl.BlockSpec((1, _D), lambda i: (0, 0)),
            pl.BlockSpec((_D, _DC), lambda i: (0, 0)),
        ],
        out_specs=pl.BlockSpec((_BR, _DC), lambda i: (i, 0)),
        out_shape=jax.ShapeDtypeStruct((_NACC, _DC), jnp.float32),
    )(p, nd, ns, W, b, W2p)


def _tc_final(p2, nd, b2p):

    def body(p_ref, nd_ref, b_ref, o_ref):
        p = p_ref[...]
        z = (p[:, :_DC] + p[:, 64:64 + _DC]) * nd_ref[...] + b_ref[...]
        o_ref[...] = z[:, :_NCLS]

    return pl.pallas_call(
        body,
        grid=(_GRID,),
        in_specs=[
            pl.BlockSpec((_BR, 128), lambda i: (i, 0)),
            pl.BlockSpec((_BR, 1), lambda i: (i, 0)),
            pl.BlockSpec((1, _DC), lambda i: (0, 0)),
        ],
        out_specs=pl.BlockSpec((_BR, _NCLS), lambda i: (i, 0)),
        out_shape=jax.ShapeDtypeStruct((_N, _NCLS), jnp.float32),
    )(p2, nd, b2p)


def kernel(x, edge_index, W0, b0, W1, b1, W2, b2):
    src = edge_index[0]
    dst = edge_index[1]
    padi = _N + (jnp.arange(_EPAD - _E, dtype=jnp.int32) % (_NACC - _N))
    srcp2 = jnp.concatenate([src, padi]).reshape(_NW * _NCH, _C)
    dstp2 = jnp.concatenate([dst, padi]).reshape(_NW * _NCH, _C)
    ones16 = jnp.ones((_C, 16), jnp.float32)
    zdeg = jnp.zeros((_NACC, 16), jnp.float32)
    z64 = jnp.zeros((_NACC, _D // 2), jnp.float32)
    z48 = jnp.zeros((_NACC, _DC), jnp.float32)

    srcp = jnp.concatenate([src, padi])
    s2lo = (2 * srcp).reshape(_NW * _NCH, _C)
    s2hi = (2 * srcp + 1).reshape(_NW * _NCH, _C)

    deg = _deg_kernel(srcp2, dstp2, ones16, zdeg)
    xpad = jnp.pad(x, ((0, _NACC - _N), (0, 0)))
    xs, ns, nd = _tc_norm_scale(xpad, deg)

    aggf = _agg_feature_split()
    p0 = aggf(xs.reshape(2 * _NACC, _D // 2), s2lo, s2hi, dstp2, z64)
    h1 = _tc_layer(p0, nd, ns, W0, b0.reshape(1, _D))
    p1 = aggf(h1.reshape(2 * _NACC, _D // 2), s2lo, s2hi, dstp2, z64)
    W2p = jnp.pad(W2, ((0, 0), (0, _DC - _NCLS)))
    z2 = _tc_layer_premat(p1, nd, ns, W1, b1.reshape(1, _D), W2p)
    p2 = _make_agg(_DC)(z2, srcp2, dstp2, z48)
    b2p = jnp.pad(b2, (0, _DC - _NCLS)).reshape(1, _DC)
    return _tc_final(p2, nd, b2p)

# --- scband reference (transcript-rebuilt; emitter-appended) ---
"""Pipeline reference for scband-gcn-4037269259014 (READ-ONLY COPY).

The authoritative reference and input builder live on the scoring server;
editing this copy changes nothing except your own understanding.
"""

import jax, jax.numpy as jnp
import numpy as np

N = 10000
E = 320000
IN_FEATS = 128
H_FEATS = 128
NUM_CLASSES = 40


def _glorot(key, shape):
    fan_in, fan_out = shape[0], shape[1]
    limit = np.sqrt(6.0 / (fan_in + fan_out))
    return jax.random.uniform(key, shape, dtype=jnp.float32, minval=-limit, maxval=limit)


def setup_inputs(seed: int = 0) -> dict:
    key = jax.random.key(seed)
    ks = jax.random.split(key, 8)
    x = jax.random.normal(ks[0], (N, IN_FEATS), dtype=jnp.float32)
    edge_index = jax.random.randint(ks[1], (2, E), 0, N, dtype=jnp.int32)
    W0 = _glorot(ks[2], (IN_FEATS, H_FEATS))
    b0 = jnp.zeros((H_FEATS,), dtype=jnp.float32)
    W1 = _glorot(ks[3], (H_FEATS, H_FEATS))
    b1 = jnp.zeros((H_FEATS,), dtype=jnp.float32)
    W2 = _glorot(ks[4], (H_FEATS, NUM_CLASSES))
    b2 = jnp.zeros((NUM_CLASSES,), dtype=jnp.float32)
    return {"x": x, "edge_index": edge_index, "W0": W0, "b0": b0, "W1": W1, "b1": b1, "W2": W2, "b2": b2}


def reference(x, edge_index, W0, b0, W1, b1, W2, b2):
    # DGL GraphConv with norm='both': h' = D_in^{-1/2} A D_out^{-1/2} h W + b
    # Degrees clamped to min 1 (DGL clamp(min=1)). Dropout is identity at inference.
    src = edge_index[0]
    dst = edge_index[1]
    ones = jnp.ones((E,), dtype=jnp.float32)
    deg_out = jnp.maximum(jax.ops.segment_sum(ones, src, num_segments=N), 1.0)
    deg_in = jnp.maximum(jax.ops.segment_sum(ones, dst, num_segments=N), 1.0)
    norm_src = deg_out ** -0.5
    norm_dst = deg_in ** -0.5

    def conv(h, W, b):
        h = h * norm_src[:, None]
        msg = jnp.take(h, src, axis=0)
        agg = jax.ops.segment_sum(msg, dst, num_segments=N)
        agg = agg * norm_dst[:, None]
        return agg @ W + b

    h = jax.nn.elu(conv(x, W0, b0))
    h = jax.nn.elu(conv(h, W1, b1))
    out = conv(h, W2, b2)
    return out

if __name__ == "__main__":
    import jax
    _d = setup_inputs()
    print(jax.jit(kernel)(*tuple(_d.values())))

</pallas_src>

<mosaic_0001>
#map = affine_map<(d0, d1) -> (0, 0)>
module attributes {stable_mosaic.version = 14 : i64} {
  func.func @agg(%arg0: i32, %arg1: i32, %arg2: memref<10240x48xf32, #tpu.memory_space<hbm>>, %arg3: memref<2560x128xi32, #tpu.memory_space<hbm>>, %arg4: memref<2560x128xi32, #tpu.memory_space<hbm>>, %arg5: memref<10240x48xf32, #tpu.memory_space<hbm>>, %arg6: memref<10240x128xf32, #tpu.memory_space<hbm>>, %arg7: memref<80x128xi32, #tpu.memory_space<vmem>>, %arg8: memref<80x128xi32, #tpu.memory_space<vmem>>, %arg9: memref<128x48xf32, #tpu.memory_space<vmem>>, %arg10: memref<128x48xf32, #tpu.memory_space<vmem>>, %arg11: memref<128x48xf32, #tpu.memory_space<vmem>>, %arg12: memref<128x48xf32, #tpu.memory_space<vmem>>, %arg13: memref<10240x48xf32, #tpu.memory_space<vmem_shared>>, %arg14: memref<!tpu.dma_semaphore, #tpu.memory_space<semaphore_mem>>, %arg15: memref<!tpu.dma_semaphore, #tpu.memory_space<semaphore_mem>>, %arg16: memref<!tpu.dma_semaphore, #tpu.memory_space<semaphore_mem>>, %arg17: memref<!tpu.dma_semaphore, #tpu.memory_space<semaphore_mem>>, %arg18: memref<!tpu.dma_semaphore, #tpu.memory_space<semaphore_mem>>, %arg19: memref<!tpu.dma_semaphore, #tpu.memory_space<semaphore_mem>>, %arg20: memref<!tpu.dma_semaphore, #tpu.memory_space<semaphore_mem>>, %arg21: memref<!tpu.dma_semaphore, #tpu.memory_space<semaphore_mem>>) attributes {dimension_semantics = [#tpu.dimension_semantics<core_parallel>, #tpu.dimension_semantics<subcore_parallel>], iteration_bounds = array<i64: 2, 16>, scalar_prefetch = 0 : i64, scratch_operands = 15 : i64, tpu.core_type = #tpu.core_type<sc_vector_subcore>, window_params = [{transform_indices = #map}, {transform_indices = #map}, {transform_indices = #map}, {transform_indices = #map}, {transform_indices = #map}]} {
    %mul3A = arith.constant 16 : i32
    %mul3A_0 = arith.muli %arg0, %mul3A : i32
    %add3A = arith.addi %mul3A_0, %arg1 : i32
    %mul3A_1 = arith.constant 640 : i32
    %mul3A_2 = arith.muli %arg1, %mul3A_1 : i32
    "tpu.region"() ({
      %run_scoped3A = tpu.sem_alloc : memref<!tpu.dma_semaphore, #tpu.memory_space<semaphore_mem>>
      %dma_start3A = arith.constant 0 : i32
      %dma_start3A_15 = tpu.memref_slice %arg13[%mul3A_2, %dma_start3A] : memref<10240x48xf32, #tpu.memory_space<vmem_shared>> -> memref<640x48xf32, #tpu.memory_space<vmem_shared>>
      %dma_start3A_16 = arith.constant 0 : i32
      %dma_start3A_17 = tpu.memref_slice %arg5[%mul3A_2, %dma_start3A_16] : memref<10240x48xf32, #tpu.memory_space<hbm>> -> memref<640x48xf32, #tpu.memory_space<hbm>>
      tpu.enqueue_dma source(%dma_start3A_17 : memref<640x48xf32, #tpu.memory_space<hbm>>) target(%dma_start3A_15 : memref<640x48xf32, #tpu.memory_space<vmem_shared>>) target_semaphore(%run_scoped3A : memref<!tpu.dma_semaphore, #tpu.memory_space<semaphore_mem>>)
      %dma_wait3A = arith.constant 0 : i32
      %dma_wait3A_18 = tpu.memref_slice %arg13[%mul3A_2, %dma_wait3A] : memref<10240x48xf32, #tpu.memory_space<vmem_shared>> -> memref<640x48xf32, #tpu.memory_space<vmem_shared>>
      %dma_wait3A_19 = arith.constant 0 : i32
      %dma_wait3A_20 = tpu.memref_slice %arg5[%mul3A_2, %dma_wait3A_19] : memref<10240x48xf32, #tpu.memory_space<hbm>> -> memref<640x48xf32, #tpu.memory_space<hbm>>
      tpu.wait_dma2 semaphore(%run_scoped3A : memref<!tpu.dma_semaphore, #tpu.memory_space<semaphore_mem>>) src(%dma_wait3A_20 : memref<640x48xf32, #tpu.memory_space<hbm>>) dst(%dma_wait3A_18 : memref<640x48xf32, #tpu.memory_space<vmem_shared>>)
      tpu.yield
    }) : () -> ()
    %mul3A_3 = arith.constant 80 : i32
    %mul3A_4 = arith.muli %add3A, %mul3A_3 : i32
    "tpu.region"() ({
      %run_scoped3A = tpu.sem_alloc : memref<!tpu.dma_semaphore, #tpu.memory_space<semaphore_mem>>
      %dma_start3A = arith.constant 0 : i32
      %dma_start3A_15 = tpu.memref_slice %arg3[%mul3A_4, %dma_start3A] : memref<2560x128xi32, #tpu.memory_space<hbm>> -> memref<80x128xi32, #tpu.memory_space<hbm>>
      %dma_start3A_16 = arith.constant 0 : i32
      %dma_start3A_17 = tpu.memref_slice %arg3[%mul3A_4, %dma_start3A_16] : memref<2560x128xi32, #tpu.memory_space<hbm>> -> memref<80x128xi32, #tpu.memory_space<hbm>>
      tpu.enqueue_dma source(%dma_start3A_17 : memref<80x128xi32, #tpu.memory_space<hbm>>) target(%arg7 : memref<80x128xi32, #tpu.memory_space<vmem>>) target_semaphore(%run_scoped3A : memref<!tpu.dma_semaphore, #tpu.memory_space<semaphore_mem>>)
      %dma_wait3A = arith.constant 0 : i32
      %dma_wait3A_18 = tpu.memref_slice %arg3[%mul3A_4, %dma_wait3A] : memref<2560x128xi32, #tpu.memory_space<hbm>> -> memref<80x128xi32, #tpu.memory_space<hbm>>
      %dma_wait3A_19 = arith.constant 0 : i32
      %dma_wait3A_20 = tpu.memref_slice %arg3[%mul3A_4, %dma_wait3A_19] : memref<2560x128xi32, #tpu.memory_space<hbm>> -> memref<80x128xi32, #tpu.memory_space<hbm>>
      tpu.wait_dma2 semaphore(%run_scoped3A : memref<!tpu.dma_semaphore, #tpu.memory_space<semaphore_mem>>) src(%dma_wait3A_20 : memref<80x128xi32, #tpu.memory_space<hbm>>) dst(%arg7 : memref<80x128xi32, #tpu.memory_space<vmem>>)
      tpu.yield
    }) : () -> ()
    %mul3A_5 = arith.constant 80 : i32
    %mul3A_6 = arith.muli %add3A, %mul3A_5 : i32
    "tpu.region"() ({
      %run_scoped3A = tpu.sem_alloc : memref<!tpu.dma_semaphore, #tpu.memory_space<semaphore_mem>>
      %dma_start3A = arith.constant 0 : i32
      %dma_start3A_15 = tpu.memref_slice %arg4[%mul3A_6, %dma_start3A] : memref<2560x128xi32, #tpu.memory_space<hbm>> -> memref<80x128xi32, #tpu.memory_space<hbm>>
      %dma_start3A_16 = arith.constant 0 : i32
      %dma_start3A_17 = tpu.memref_slice %arg4[%mul3A_6, %dma_start3A_16] : memref<2560x128xi32, #tpu.memory_space<hbm>> -> memref<80x128xi32, #tpu.memory_space<hbm>>
      tpu.enqueue_dma source(%dma_start3A_17 : memref<80x128xi32, #tpu.memory_space<hbm>>) target(%arg8 : memref<80x128xi32, #tpu.memory_space<vmem>>) target_semaphore(%run_scoped3A : memref<!tpu.dma_semaphore, #tpu.memory_space<semaphore_mem>>)
      %dma_wait3A = arith.constant 0 : i32
      %dma_wait3A_18 = tpu.memref_slice %arg4[%mul3A_6, %dma_wait3A] : memref<2560x128xi32, #tpu.memory_space<hbm>> -> memref<80x128xi32, #tpu.memory_space<hbm>>
      %dma_wait3A_19 = arith.constant 0 : i32
      %dma_wait3A_20 = tpu.memref_slice %arg4[%mul3A_6, %dma_wait3A_19] : memref<2560x128xi32, #tpu.memory_space<hbm>> -> memref<80x128xi32, #tpu.memory_space<hbm>>
      tpu.wait_dma2 semaphore(%run_scoped3A : memref<!tpu.dma_semaphore, #tpu.memory_space<semaphore_mem>>) src(%dma_wait3A_20 : memref<80x128xi32, #tpu.memory_space<hbm>>) dst(%arg8 : memref<80x128xi32, #tpu.memory_space<vmem>>)
      tpu.yield
    }) : () -> ()
    %barrier3A = arith.constant 0 : index
    tpu.barrier barrier_id(%barrier3A)
    %scan3A = arith.constant 0 : i32
    %scan3A_7 = arith.constant 0 : i32
    %scan3A_8 = arith.constant 10 : i32
    %scan3A_9 = arith.addi %scan3A_7, %scan3A_8 : i32
    %scan3A_10 = arith.constant 1 : i32
    scf.for %scan3A_15 = %scan3A_7 to %scan3A_9 step %scan3A_10  : i32 {
      %mul3A_16 = arith.constant 2 : i32
      %mul3A_17 = arith.muli %scan3A_15, %mul3A_16 : i32
      %mul3A_18 = arith.constant 4 : i32
      %mul3A_19 = arith.muli %mul3A_17, %mul3A_18 : i32
      %add3A_20 = arith.constant 4 : i32
      %add3A_21 = arith.addi %mul3A_19, %add3A_20 : i32
      %add3A_22 = arith.constant 0 : i32
      %add3A_23 = arith.addi %mul3A_19, %add3A_22 : i32
      %dma_start3A = arith.constant 0 : i32
      %dma_start3A_24 = tpu.memref_slice %arg7[%add3A_23, %dma_start3A] : memref<80x128xi32, #tpu.memory_space<vmem>> -> memref<1x128xi32, #tpu.memory_space<vmem>>
      %dma_start3A_25 = tpu.memref_squeeze %dma_start3A_24 : memref<1x128xi32, #tpu.memory_space<vmem>> -> memref<128xi32, #tpu.memory_space<vmem>>
      %dma_start3A_26 = arith.constant 0 : i32
      %dma_start3A_27 = arith.constant 0 : i32
      %dma_start3A_28 = tpu.memref_slice %arg2[%dma_start3A_26, %dma_start3A_27] : memref<10240x48xf32, #tpu.memory_space<hbm>> -> memref<10240x48xf32, #tpu.memory_space<hbm>>
      tpu.enqueue_indirect_dma source(%dma_start3A_28 : memref<10240x48xf32, #tpu.memory_space<hbm>>) target(%arg9 : memref<128x48xf32, #tpu.memory_space<vmem>>) offsets(%dma_start3A_25 : memref<128xi32, #tpu.memory_space<vmem>>) semaphore(%arg14 : memref<!tpu.dma_semaphore, #tpu.memory_space<semaphore_mem>>)
      %add3A_29 = arith.constant 1 : i32
      %add3A_30 = arith.addi %mul3A_19, %add3A_29 : i32
      %dma_start3A_31 = arith.constant 0 : i32
      %dma_start3A_32 = tpu.memref_slice %arg7[%add3A_30, %dma_start3A_31] : memref<80x128xi32, #tpu.memory_space<vmem>> -> memref<1x128xi32, #tpu.memory_space<vmem>>
      %dma_start3A_33 = tpu.memref_squeeze %dma_start3A_32 : memref<1x128xi32, #tpu.memory_space<vmem>> -> memref<128xi32, #tpu.memory_space<vmem>>
      %dma_start3A_34 = arith.constant 0 : i32
      %dma_start3A_35 = arith.constant 0 : i32
      %dma_start3A_36 = tpu.memref_slice %arg2[%dma_start3A_34, %dma_start3A_35] : memref<10240x48xf32, #tpu.memory_space<hbm>> -> memref<10240x48xf32, #tpu.memory_space<hbm>>
      tpu.enqueue_indirect_dma source(%dma_start3A_36 : memref<10240x48xf32, #tpu.memory_space<hbm>>) target(%arg10 : memref<128x48xf32, #tpu.memory_space<vmem>>) offsets(%dma_start3A_33 : memref<128xi32, #tpu.memory_space<vmem>>) semaphore(%arg15 : memref<!tpu.dma_semaphore, #tpu.memory_space<semaphore_mem>>)
      %add3A_37 = arith.constant 2 : i32
      %add3A_38 = arith.addi %mul3A_19, %add3A_37 : i32
      %dma_start3A_39 = arith.constant 0 : i32
      %dma_start3A_40 = tpu.memref_slice %arg7[%add3A_38, %dma_start3A_39] : memref<80x128xi32, #tpu.memory_space<vmem>> -> memref<1x128xi32, #tpu.memory_space<vmem>>
      %dma_start3A_41 = tpu.memref_squeeze %dma_start3A_40 : memref<1x128xi32, #tpu.memory_space<vmem>> -> memref<128xi32, #tpu.memory_space<vmem>>
      %dma_start3A_42 = arith.constant 0 : i32
      %dma_start3A_43 = arith.constant 0 : i32
      %dma_start3A_44 = tpu.memref_slice %arg2[%dma_start3A_42, %dma_start3A_43] : memref<10240x48xf32, #tpu.memory_space<hbm>> -> memref<10240x48xf32, #tpu.memory_space<hbm>>
      tpu.enqueue_indirect_dma source(%dma_start3A_44 : memref<10240x48xf32, #tpu.memory_space<hbm>>) target(%arg11 : memref<128x48xf32, #tpu.memory_space<vmem>>) offsets(%dma_start3A_41 : memref<128xi32, #tpu.memory_space<vmem>>) semaphore(%arg16 : memref<!tpu.dma_semaphore, #tpu.memory_space<semaphore_mem>>)
      %add3A_45 = arith.constant 3 : i32
      %add3A_46 = arith.addi %mul3A_19, %add3A_45 : i32
      %dma_start3A_47 = arith.constant 0 : i32
      %dma_start3A_48 = tpu.memref_slice %arg7[%add3A_46, %dma_start3A_47] : memref<80x128xi32, #tpu.memory_space<vmem>> -> memref<1x128xi32, #tpu.memory_space<vmem>>
      %dma_start3A_49 = tpu.memref_squeeze %dma_start3A_48 : memref<1x128xi32, #tpu.memory_space<vmem>> -> memref<128xi32, #tpu.memory_space<vmem>>
      %dma_start3A_50 = arith.constant 0 : i32
      %dma_start3A_51 = arith.constant 0 : i32
      %dma_start3A_52 = tpu.memref_slice %arg2[%dma_start3A_50, %dma_start3A_51] : memref<10240x48xf32, #tpu.memory_space<hbm>> -> memref<10240x48xf32, #tpu.memory_space<hbm>>
      tpu.enqueue_indirect_dma source(%dma_start3A_52 : memref<10240x48xf32, #tpu.memory_space<hbm>>) target(%arg12 : memref<128x48xf32, #tpu.memory_space<vmem>>) offsets(%dma_start3A_49 : memref<128xi32, #tpu.memory_space<vmem>>) semaphore(%arg17 : memref<!tpu.dma_semaphore, #tpu.memory_space<semaphore_mem>>)
      %add3A_53 = arith.constant 0 : i32
      %add3A_54 = arith.addi %mul3A_19, %add3A_53 : i32
      %dma_wait3A = arith.constant 0 : i32
      %dma_wait3A_55 = tpu.memref_slice %arg7[%add3A_54, %dma_wait3A] : memref<80x128xi32, #tpu.memory_space<vmem>> -> memref<1x128xi32, #tpu.memory_space<vmem>>
      %dma_wait3A_56 = tpu.memref_squeeze %dma_wait3A_55 : memref<1x128xi32, #tpu.memory_space<vmem>> -> memref<128xi32, #tpu.memory_space<vmem>>
      %dma_wait3A_57 = arith.constant 0 : i32
      %dma_wait3A_58 = arith.constant 0 : i32
      %dma_wait3A_59 = tpu.memref_slice %arg2[%dma_wait3A_57, %dma_wait3A_58] : memref<10240x48xf32, #tpu.memory_space<hbm>> -> memref<10240x48xf32, #tpu.memory_space<hbm>>
      tpu.wait_indirect_dma semaphore(%arg14 : memref<!tpu.dma_semaphore, #tpu.memory_space<semaphore_mem>>) src(%dma_wait3A_59 : memref<10240x48xf32, #tpu.memory_space<hbm>>) dst(%arg9 : memref<128x48xf32, #tpu.memory_space<vmem>>)
      %dma_start3A_60 = arith.constant 0 : i32
      %dma_start3A_61 = tpu.memref_slice %arg8[%add3A_54, %dma_start3A_60] : memref<80x128xi32, #tpu.memory_space<vmem>> -> memref<1x128xi32, #tpu.memory_space<vmem>>
      %dma_start3A_62 = tpu.memref_squeeze %dma_start3A_61 : memref<1x128xi32, #tpu.memory_space<vmem>> -> memref<128xi32, #tpu.memory_space<vmem>>
      %dma_start3A_63 = arith.constant 0 : i32
      %dma_start3A_64 = arith.constant 0 : i32
      %dma_start3A_65 = tpu.memref_slice %arg13[%dma_start3A_63, %dma_start3A_64] : memref<10240x48xf32, #tpu.memory_space<vmem_shared>> -> memref<10240x48xf32, #tpu.memory_space<vmem_shared>>
      tpu.enqueue_indirect_dma source(%arg9 : memref<128x48xf32, #tpu.memory_space<vmem>>) target(%dma_start3A_65 : memref<10240x48xf32, #tpu.memory_space<vmem_shared>>) offsets(%dma_start3A_62 : memref<128xi32, #tpu.memory_space<vmem>>) semaphore(%arg18 : memref<!tpu.dma_semaphore, #tpu.memory_space<semaphore_mem>>) {add = true}
      %add3A_66 = arith.constant 1 : i32
      %add3A_67 = arith.addi %mul3A_19, %add3A_66 : i32
      %dma_wait3A_68 = arith.constant 0 : i32
      %dma_wait3A_69 = tpu.memref_slice %arg7[%add3A_67, %dma_wait3A_68] : memref<80x128xi32, #tpu.memory_space<vmem>> -> memref<1x128xi32, #tpu.memory_space<vmem>>
      %dma_wait3A_70 = tpu.memref_squeeze %dma_wait3A_69 : memref<1x128xi32, #tpu.memory_space<vmem>> -> memref<128xi32, #tpu.memory_space<vmem>>
      %dma_wait3A_71 = arith.constant 0 : i32
      %dma_wait3A_72 = arith.constant 0 : i32
      %dma_wait3A_73 = tpu.memref_slice %arg2[%dma_wait3A_71, %dma_wait3A_72] : memref<10240x48xf32, #tpu.memory_space<hbm>> -> memref<10240x48xf32, #tpu.memory_space<hbm>>
      tpu.wait_indirect_dma semaphore(%arg15 : memref<!tpu.dma_semaphore, #tpu.memory_space<semaphore_mem>>) src(%dma_wait3A_73 : memref<10240x48xf32, #tpu.memory_space<hbm>>) dst(%arg10 : memref<128x48xf32, #tpu.memory_space<vmem>>)
      %dma_start3A_74 = arith.constant 0 : i32
      %dma_start3A_75 = tpu.memref_slice %arg8[%add3A_67, %dma_start3A_74] : memref<80x128xi32, #tpu.memory_space<vmem>> -> memref<1x128xi32, #tpu.memory_space<vmem>>
      %dma_start3A_76 = tpu.memref_squeeze %dma_start3A_75 : memref<1x128xi32, #tpu.memory_space<vmem>> -> memref<128xi32, #tpu.memory_space<vmem>>
      %dma_start3A_77 = arith.constant 0 : i32
      %dma_start3A_78 = arith.constant 0 : i32
      %dma_start3A_79 = tpu.memref_slice %arg13[%dma_start3A_77, %dma_start3A_78] : memref<10240x48xf32, #tpu.memory_space<vmem_shared>> -> memref<10240x48xf32, #tpu.memory_space<vmem_shared>>
      tpu.enqueue_indirect_dma source(%arg10 : memref<128x48xf32, #tpu.memory_space<vmem>>) target(%dma_start3A_79 : memref<10240x48xf32, #tpu.memory_space<vmem_shared>>) offsets(%dma_start3A_76 : memref<128xi32, #tpu.memory_space<vmem>>) semaphore(%arg19 : memref<!tpu.dma_semaphore, #tpu.memory_space<semaphore_mem>>) {add = true}
      %add3A_80 = arith.constant 2 : i32
      %add3A_81 = arith.addi %mul3A_19, %add3A_80 : i32
      %dma_wait3A_82 = arith.constant 0 : i32
      %dma_wait3A_83 = tpu.memref_slice %arg7[%add3A_81, %dma_wait3A_82] : memref<80x128xi32, #tpu.memory_space<vmem>> -> memref<1x128xi32, #tpu.memory_space<vmem>>
      %dma_wait3A_84 = tpu.memref_squeeze %dma_wait3A_83 : memref<1x128xi32, #tpu.memory_space<vmem>> -> memref<128xi32, #tpu.memory_space<vmem>>
      %dma_wait3A_85 = arith.constant 0 : i32
      %dma_wait3A_86 = arith.constant 0 : i32
      %dma_wait3A_87 = tpu.memref_slice %arg2[%dma_wait3A_85, %dma_wait3A_86] : memref<10240x48xf32, #tpu.memory_space<hbm>> -> memref<10240x48xf32, #tpu.memory_space<hbm>>
      tpu.wait_indirect_dma semaphore(%arg16 : memref<!tpu.dma_semaphore, #tpu.memory_space<semaphore_mem>>) src(%dma_wait3A_87 : memref<10240x48xf32, #tpu.memory_space<hbm>>) dst(%arg11 : memref<128x48xf32, #tpu.memory_space<vmem>>)
      %dma_start3A_88 = arith.constant 0 : i32
      %dma_start3A_89 = tpu.memref_slice %arg8[%add3A_81, %dma_start3A_88] : memref<80x128xi32, #tpu.memory_space<vmem>> -> memref<1x128xi32, #tpu.memory_space<vmem>>
      %dma_start3A_90 = tpu.memref_squeeze %dma_start3A_89 : memref<1x128xi32, #tpu.memory_space<vmem>> -> memref<128xi32, #tpu.memory_space<vmem>>
      %dma_start3A_91 = arith.constant 0 : i32
      %dma_start3A_92 = arith.constant 0 : i32
      %dma_start3A_93 = tpu.memref_slice %arg13[%dma_start3A_91, %dma_start3A_92] : memref<10240x48xf32, #tpu.memory_space<vmem_shared>> -> memref<10240x48xf32, #tpu.memory_space<vmem_shared>>
      tpu.enqueue_indirect_dma source(%arg11 : memref<128x48xf32, #tpu.memory_space<vmem>>) target(%dma_start3A_93 : memref<10240x48xf32, #tpu.memory_space<vmem_shared>>) offsets(%dma_start3A_90 : memref<128xi32, #tpu.memory_space<vmem>>) semaphore(%arg20 : memref<!tpu.dma_semaphore, #tpu.memory_space<semaphore_mem>>) {add = true}
      %add3A_94 = arith.constant 3 : i32
      %add3A_95 = arith.addi %mul3A_19, %add3A_94 : i32
      %dma_wait3A_96 = arith.constant 0 : i32
      %dma_wait3A_97 = tpu.memref_slice %arg7[%add3A_95, %dma_wait3A_96] : memref<80x128xi32, #tpu.memory_space<vmem>> -> memref<1x128xi32, #tpu.memory_space<vmem>>
      %dma_wait3A_98 = tpu.memref_squeeze %dma_wait3A_97 : memref<1x128xi32, #tpu.memory_space<vmem>> -> memref<128xi32, #tpu.memory_space<vmem>>
      %dma_wait3A_99 = arith.constant 0 : i32
      %dma_wait3A_100 = arith.constant 0 : i32
      %dma_wait3A_101 = tpu.memref_slice %arg2[%dma_wait3A_99, %dma_wait3A_100] : memref<10240x48xf32, #tpu.memory_space<hbm>> -> memref<10240x48xf32, #tpu.memory_space<hbm>>
      tpu.wait_indirect_dma semaphore(%arg17 : memref<!tpu.dma_semaphore, #tpu.memory_space<semaphore_mem>>) src(%dma_wait3A_101 : memref<10240x48xf32, #tpu.memory_space<hbm>>) dst(%arg12 : memref<128x48xf32, #tpu.memory_space<vmem>>)
      %dma_start3A_102 = arith.constant 0 : i32
      %dma_start3A_103 = tpu.memref_slice %arg8[%add3A_95, %dma_start3A_102] : memref<80x128xi32, #tpu.memory_space<vmem>> -> memref<1x128xi32, #tpu.memory_space<vmem>>
      %dma_start3A_104 = tpu.memref_squeeze %dma_start3A_103 : memref<1x128xi32, #tpu.memory_space<vmem>> -> memref<128xi32, #tpu.memory_space<vmem>>
      %dma_start3A_105 = arith.constant 0 : i32
      %dma_start3A_106 = arith.constant 0 : i32
      %dma_start3A_107 = tpu.memref_slice %arg13[%dma_start3A_105, %dma_start3A_106] : memref<10240x48xf32, #tpu.memory_space<vmem_shared>> -> memref<10240x48xf32, #tpu.memory_space<vmem_shared>>
      tpu.enqueue_indirect_dma source(%arg12 : memref<128x48xf32, #tpu.memory_space<vmem>>) target(%dma_start3A_107 : memref<10240x48xf32, #tpu.memory_space<vmem_shared>>) offsets(%dma_start3A_104 : memref<128xi32, #tpu.memory_space<vmem>>) semaphore(%arg21 : memref<!tpu.dma_semaphore, #tpu.memory_space<semaphore_mem>>) {add = true}
      %add3A_108 = arith.constant 0 : i32
      %add3A_109 = arith.addi %mul3A_19, %add3A_108 : i32
      %dma_wait3A_110 = arith.constant 0 : i32
      %dma_wait3A_111 = tpu.memref_slice %arg8[%add3A_109, %dma_wait3A_110] : memref<80x128xi32, #tpu.memory_space<vmem>> -> memref<1x128xi32, #tpu.memory_space<vmem>>
      %dma_wait3A_112 = tpu.memref_squeeze %dma_wait3A_111 : memref<1x128xi32, #tpu.memory_space<vmem>> -> memref<128xi32, #tpu.memory_space<vmem>>
      %dma_wait3A_113 = arith.constant 0 : i32
      %dma_wait3A_114 = arith.constant 0 : i32
      %dma_wait3A_115 = tpu.memref_slice %arg13[%dma_wait3A_113, %dma_wait3A_114] : memref<10240x48xf32, #tpu.memory_space<vmem_shared>> -> memref<10240x48xf32, #tpu.memory_space<vmem_shared>>
      tpu.wait_indirect_dma semaphore(%arg18 : memref<!tpu.dma_semaphore, #tpu.memory_space<semaphore_mem>>) src(%arg9 : memref<128x48xf32, #tpu.memory_space<vmem>>) dst(%dma_wait3A_115 : memref<10240x48xf32, #tpu.memory_space<vmem_shared>>)
      %add3A_116 = arith.constant 0 : i32
      %add3A_117 = arith.addi %add3A_21, %add3A_116 : i32
      %dma_start3A_118 = arith.constant 0 : i32
      %dma_start3A_119 = tpu.memref_slice %arg7[%add3A_117, %dma_start3A_118] : memref<80x128xi32, #tpu.memory_space<vmem>> -> memref<1x128xi32, #tpu.memory_space<vmem>>
      %dma_start3A_120 = tpu.memref_squeeze %dma_start3A_119 : memref<1x128xi32, #tpu.memory_space<vmem>> -> memref<128xi32, #tpu.memory_space<vmem>>
      %dma_start3A_121 = arith.constant 0 : i32
      %dma_start3A_122 = arith.constant 0 : i32
      %dma_start3A_123 = tpu.memref_slice %arg2[%dma_start3A_121, %dma_start3A_122] : memref<10240x48xf32, #tpu.memory_space<hbm>> -> memref<10240x48xf32, #tpu.memory_space<hbm>>
      tpu.enqueue_indirect_dma source(%dma_start3A_123 : memref<10240x48xf32, #tpu.memory_space<hbm>>) target(%arg9 : memref<128x48xf32, #tpu.memory_space<vmem>>) offsets(%dma_start3A_120 : memref<128xi32, #tpu.memory_space<vmem>>) semaphore(%arg14 : memref<!tpu.dma_semaphore, #tpu.memory_space<semaphore_mem>>)
      %add3A_124 = arith.constant 1 : i32
      %add3A_125 = arith.addi %mul3A_19, %add3A_124 : i32
      %dma_wait3A_126 = arith.constant 0 : i32
      %dma_wait3A_127 = tpu.memref_slice %arg8[%add3A_125, %dma_wait3A_126] : memref<80x128xi32, #tpu.memory_space<vmem>> -> memref<1x128xi32, #tpu.memory_space<vmem>>
      %dma_wait3A_128 = tpu.memref_squeeze %dma_wait3A_127 : memref<1x128xi32, #tpu.memory_space<vmem>> -> memref<128xi32, #tpu.memory_space<vmem>>
      %dma_wait3A_129 = arith.constant 0 : i32
      %dma_wait3A_130 = arith.constant 0 : i32
      %dma_wait3A_131 = tpu.memref_slice %arg13[%dma_wait3A_129, %dma_wait3A_130] : memref<10240x48xf32, #tpu.memory_space<vmem_shared>> -> memref<10240x48xf32, #tpu.memory_space<vmem_shared>>
      tpu.wait_indirect_dma semaphore(%arg19 : memref<!tpu.dma_semaphore, #tpu.memory_space<semaphore_mem>>) src(%arg10 : memref<128x48xf32, #tpu.memory_space<vmem>>) dst(%dma_wait3A_131 : memref<10240x48xf32, #tpu.memory_space<vmem_shared>>)
      %add3A_132 = arith.constant 1 : i32
      %add3A_133 = arith.addi %add3A_21, %add3A_132 : i32
      %dma_start3A_134 = arith.constant 0 : i32
      %dma_start3A_135 = tpu.memref_slice %arg7[%add3A_133, %dma_start3A_134] : memref<80x128xi32, #tpu.memory_space<vmem>> -> memref<1x128xi32, #tpu.memory_space<vmem>>
      %dma_start3A_136 = tpu.memref_squeeze %dma_start3A_135 : memref<1x128xi32, #tpu.memory_space<vmem>> -> memref<128xi32, #tpu.memory_space<vmem>>
      %dma_start3A_137 = arith.constant 0 : i32
      %dma_start3A_138 = arith.constant 0 : i32
      %dma_start3A_139 = tpu.memref_slice %arg2[%dma_start3A_137, %dma_start3A_138] : memref<10240x48xf32, #tpu.memory_space<hbm>> -> memref<10240x48xf32, #tpu.memory_space<hbm>>
      tpu.enqueue_indirect_dma source(%dma_start3A_139 : memref<10240x48xf32, #tpu.memory_space<hbm>>) target(%arg10 : memref<128x48xf32, #tpu.memory_space<vmem>>) offsets(%dma_start3A_136 : memref<128xi32, #tpu.memory_space<vmem>>) semaphore(%arg15 : memref<!tpu.dma_semaphore, #tpu.memory_space<semaphore_mem>>)
      %add3A_140 = arith.constant 2 : i32
      %add3A_141 = arith.addi %mul3A_19, %add3A_140 : i32
      %dma_wait3A_142 = arith.constant 0 : i32
      %dma_wait3A_143 = tpu.memref_slice %arg8[%add3A_141, %dma_wait3A_142] : memref<80x128xi32, #tpu.memory_space<vmem>> -> memref<1x128xi32, #tpu.memory_space<vmem>>
      %dma_wait3A_144 = tpu.memref_squeeze %dma_wait3A_143 : memref<1x128xi32, #tpu.memory_space<vmem>> -> memref<128xi32, #tpu.memory_space<vmem>>
      %dma_wait3A_145 = arith.constant 0 : i32
      %dma_wait3A_146 = arith.constant 0 : i32
      %dma_wait3A_147 = tpu.memref_slice %arg13[%dma_wait3A_145, %dma_wait3A_146] : memref<10240x48xf32, #tpu.memory_space<vmem_shared>> -> memref<10240x48xf32, #tpu.memory_space<vmem_shared>>
      tpu.wait_indirect_dma semaphore(%arg20 : memref<!tpu.dma_semaphore, #tpu.memory_space<semaphore_mem>>) src(%arg11 : memref<128x48xf32, #tpu.memory_space<vmem>>) dst(%dma_wait3A_147 : memref<10240x48xf32, #tpu.memory_space<vmem_shared>>)
      %add3A_148 = arith.constant 2 : i32
      %add3A_149 = arith.addi %add3A_21, %add3A_148 : i32
      %dma_start3A_150 = arith.constant 0 : i32
      %dma_start3A_151 = tpu.memref_slice %arg7[%add3A_149, %dma_start3A_150] : memref<80x128xi32, #tpu.memory_space<vmem>> -> memref<1x128xi32, #tpu.memory_space<vmem>>
      %dma_start3A_152 = tpu.memref_squeeze %dma_start3A_151 : memref<1x128xi32, #tpu.memory_space<vmem>> -> memref<128xi32, #tpu.memory_space<vmem>>
      %dma_start3A_153 = arith.constant 0 : i32
      %dma_start3A_154 = arith.constant 0 : i32
      %dma_start3A_155 = tpu.memref_slice %arg2[%dma_start3A_153, %dma_start3A_154] : memref<10240x48xf32, #tpu.memory_space<hbm>> -> memref<10240x48xf32, #tpu.memory_space<hbm>>
      tpu.enqueue_indirect_dma source(%dma_start3A_155 : memref<10240x48xf32, #tpu.memory_space<hbm>>) target(%arg11 : memref<128x48xf32, #tpu.memory_space<vmem>>) offsets(%dma_start3A_152 : memref<128xi32, #tpu.memory_space<vmem>>) semaphore(%arg16 : memref<!tpu.dma_semaphore, #tpu.memory_space<semaphore_mem>>)
      %add3A_156 = arith.constant 3 : i32
      %add3A_157 = arith.addi %mul3A_19, %add3A_156 : i32
      %dma_wait3A_158 = arith.constant 0 : i32
      %dma_wait3A_159 = tpu.memref_slice %arg8[%add3A_157, %dma_wait3A_158] : memref<80x128xi32, #tpu.memory_space<vmem>> -> memref<1x128xi32, #tpu.memory_space<vmem>>
      %dma_wait3A_160 = tpu.memref_squeeze %dma_wait3A_159 : memref<1x128xi32, #tpu.memory_space<vmem>> -> memref<128xi32, #tpu.memory_space<vmem>>
      %dma_wait3A_161 = arith.constant 0 : i32
      %dma_wait3A_162 = arith.constant 0 : i32
      %dma_wait3A_163 = tpu.memref_slice %arg13[%dma_wait3A_161, %dma_wait3A_162] : memref<10240x48xf32, #tpu.memory_space<vmem_shared>> -> memref<10240x48xf32, #tpu.memory_space<vmem_shared>>
      tpu.wait_indirect_dma semaphore(%arg21 : memref<!tpu.dma_semaphore, #tpu.memory_space<semaphore_mem>>) src(%arg12 : memref<128x48xf32, #tpu.memory_space<vmem>>) dst(%dma_wait3A_163 : memref<10240x48xf32, #tpu.memory_space<vmem_shared>>)
      %add3A_164 = arith.constant 3 : i32
      %add3A_165 = arith.addi %add3A_21, %add3A_164 : i32
      %dma_start3A_166 = arith.constant 0 : i32
      %dma_start3A_167 = tpu.memref_slice %arg7[%add3A_165, %dma_start3A_166] : memref<80x128xi32, #tpu.memory_space<vmem>> -> memref<1x128xi32, #tpu.memory_space<vmem>>
      %dma_start3A_168 = tpu.memref_squeeze %dma_start3A_167 : memref<1x128xi32, #tpu.memory_space<vmem>> -> memref<128xi32, #tpu.memory_space<vmem>>
      %dma_start3A_169 = arith.constant 0 : i32
      %dma_start3A_170 = arith.constant 0 : i32
      %dma_start3A_171 = tpu.memref_slice %arg2[%dma_start3A_169, %dma_start3A_170] : memref<10240x48xf32, #tpu.memory_space<hbm>> -> memref<10240x48xf32, #tpu.memory_space<hbm>>
      tpu.enqueue_indirect_dma source(%dma_start3A_171 : memref<10240x48xf32, #tpu.memory_space<hbm>>) target(%arg12 : memref<128x48xf32, #tpu.memory_space<vmem>>) offsets(%dma_start3A_168 : memref<128xi32, #tpu.memory_space<vmem>>) semaphore(%arg17 : memref<!tpu.dma_semaphore, #tpu.memory_space<semaphore_mem>>)
      %add3A_172 = arith.constant 0 : i32
      %add3A_173 = arith.addi %add3A_21, %add3A_172 : i32
      %dma_wait3A_174 = arith.constant 0 : i32
      %dma_wait3A_175 = tpu.memref_slice %arg7[%add3A_173, %dma_wait3A_174] : memref<80x128xi32, #tpu.memory_space<vmem>> -> memref<1x128xi32, #tpu.memory_space<vmem>>
      %dma_wait3A_176 = tpu.memref_squeeze %dma_wait3A_175 : memref<1x128xi32, #tpu.memory_space<vmem>> -> memref<128xi32, #tpu.memory_space<vmem>>
      %dma_wait3A_177 = arith.constant 0 : i32
      %dma_wait3A_178 = arith.constant 0 : i32
      %dma_wait3A_179 = tpu.memref_slice %arg2[%dma_wait3A_177, %dma_wait3A_178] : memref<10240x48xf32, #tpu.memory_space<hbm>> -> memref<10240x48xf32, #tpu.memory_space<hbm>>
      tpu.wait_indirect_dma semaphore(%arg14 : memref<!tpu.dma_semaphore, #tpu.memory_space<semaphore_mem>>) src(%dma_wait3A_179 : memref<10240x48xf32, #tpu.memory_space<hbm>>) dst(%arg9 : memref<128x48xf32, #tpu.memory_space<vmem>>)
      %dma_start3A_180 = arith.constant 0 : i32
      %dma_start3A_181 = tpu.memref_slice %arg8[%add3A_173, %dma_start3A_180] : memref<80x128xi32, #tpu.memory_space<vmem>> -> memref<1x128xi32, #tpu.memory_space<vmem>>
      %dma_start3A_182 = tpu.memref_squeeze %dma_start3A_181 : memref<1x128xi32, #tpu.memory_space<vmem>> -> memref<128xi32, #tpu.memory_space<vmem>>
      %dma_start3A_183 = arith.constant 0 : i32
      %dma_start3A_184 = arith.constant 0 : i32
      %dma_start3A_185 = tpu.memref_slice %arg13[%dma_start3A_183, %dma_start3A_184] : memref<10240x48xf32, #tpu.memory_space<vmem_shared>> -> memref<10240x48xf32, #tpu.memory_space<vmem_shared>>
      tpu.enqueue_indirect_dma source(%arg9 : memref<128x48xf32, #tpu.memory_space<vmem>>) target(%dma_start3A_185 : memref<10240x48xf32, #tpu.memory_space<vmem_shared>>) offsets(%dma_start3A_182 : memref<128xi32, #tpu.memory_space<vmem>>) semaphore(%arg18 : memref<!tpu.dma_semaphore, #tpu.memory_space<semaphore_mem>>) {add = true}
      %add3A_186 = arith.constant 1 : i32
      %add3A_187 = arith.addi %add3A_21, %add3A_186 : i32
      %dma_wait3A_188 = arith.constant 0 : i32
      %dma_wait3A_189 = tpu.memref_slice %arg7[%add3A_187, %dma_wait3A_188] : memref<80x128xi32, #tpu.memory_space<vmem>> -> memref<1x128xi32, #tpu.memory_space<vmem>>
      %dma_wait3A_190 = tpu.memref_squeeze %dma_wait3A_189 : memref<1x128xi32, #tpu.memory_space<vmem>> -> memref<128xi32, #tpu.memory_space<vmem>>
      %dma_wait3A_191 = arith.constant 0 : i32
      %dma_wait3A_192 = arith.constant 0 : i32
      %dma_wait3A_193 = tpu.memref_slice %arg2[%dma_wait3A_191, %dma_wait3A_192] : memref<10240x48xf32, #tpu.memory_space<hbm>> -> memref<10240x48xf32, #tpu.memory_space<hbm>>
      tpu.wait_indirect_dma semaphore(%arg15 : memref<!tpu.dma_semaphore, #tpu.memory_space<semaphore_mem>>) src(%dma_wait3A_193 : memref<10240x48xf32, #tpu.memory_space<hbm>>) dst(%arg10 : memref<128x48xf32, #tpu.memory_space<vmem>>)
      %dma_start3A_194 = arith.constant 0 : i32
      %dma_start3A_195 = tpu.memref_slice %arg8[%add3A_187, %dma_start3A_194] : memref<80x128xi32, #tpu.memory_space<vmem>> -> memref<1x128xi32, #tpu.memory_space<vmem>>
      %dma_start3A_196 = tpu.memref_squeeze %dma_start3A_195 : memref<1x128xi32, #tpu.memory_space<vmem>> -> memref<128xi32, #tpu.memory_space<vmem>>
      %dma_start3A_197 = arith.constant 0 : i32
      %dma_start3A_198 = arith.constant 0 : i32
      %dma_start3A_199 = tpu.memref_slice %arg13[%dma_start3A_197, %dma_start3A_198] : memref<10240x48xf32, #tpu.memory_space<vmem_shared>> -> memref<10240x48xf32, #tpu.memory_space<vmem_shared>>
      tpu.enqueue_indirect_dma source(%arg10 : memref<128x48xf32, #tpu.memory_space<vmem>>) target(%dma_start3A_199 : memref<10240x48xf32, #tpu.memory_space<vmem_shared>>) offsets(%dma_start3A_196 : memref<128xi32, #tpu.memory_space<vmem>>) semaphore(%arg19 : memref<!tpu.dma_semaphore, #tpu.memory_space<semaphore_mem>>) {add = true}
      %add3A_200 = arith.constant 2 : i32
      %add3A_201 = arith.addi %add3A_21, %add3A_200 : i32
      %dma_wait3A_202 = arith.constant 0 : i32
      %dma_wait3A_203 = tpu.memref_slice %arg7[%add3A_201, %dma_wait3A_202] : memref<80x128xi32, #tpu.memory_space<vmem>> -> memref<1x128xi32, #tpu.memory_space<vmem>>
      %dma_wait3A_204 = tpu.memref_squeeze %dma_wait3A_203 : memref<1x128xi32, #tpu.memory_space<vmem>> -> memref<128xi32, #tpu.memory_space<vmem>>
      %dma_wait3A_205 = arith.constant 0 : i32
      %dma_wait3A_206 = arith.constant 0 : i32
      %dma_wait3A_207 = tpu.memref_slice %arg2[%dma_wait3A_205, %dma_wait3A_206] : memref<10240x48xf32, #tpu.memory_space<hbm>> -> memref<10240x48xf32, #tpu.memory_space<hbm>>
      tpu.wait_indirect_dma semaphore(%arg16 : memref<!tpu.dma_semaphore, #tpu.memory_space<semaphore_mem>>) src(%dma_wait3A_207 : memref<10240x48xf32, #tpu.memory_space<hbm>>) dst(%arg11 : memref<128x48xf32, #tpu.memory_space<vmem>>)
      %dma_start3A_208 = arith.constant 0 : i32
      %dma_start3A_209 = tpu.memref_slice %arg8[%add3A_201, %dma_start3A_208] : memref<80x128xi32, #tpu.memory_space<vmem>> -> memref<1x128xi32, #tpu.memory_space<vmem>>
      %dma_start3A_210 = tpu.memref_squeeze %dma_start3A_209 : memref<1x128xi32, #tpu.memory_space<vmem>> -> memref<128xi32, #tpu.memory_space<vmem>>
      %dma_start3A_211 = arith.constant 0 : i32
      %dma_start3A_212 = arith.constant 0 : i32
      %dma_start3A_213 = tpu.memref_slice %arg13[%dma_start3A_211, %dma_start3A_212] : memref<10240x48xf32, #tpu.memory_space<vmem_shared>> -> memref<10240x48xf32, #tpu.memory_space<vmem_shared>>
      tpu.enqueue_indirect_dma source(%arg11 : memref<128x48xf32, #tpu.memory_space<vmem>>) target(%dma_start3A_213 : memref<10240x48xf32, #tpu.memory_space<vmem_shared>>) offsets(%dma_start3A_210 : memref<128xi32, #tpu.memory_space<vmem>>) semaphore(%arg20 : memref<!tpu.dma_semaphore, #tpu.memory_space<semaphore_mem>>) {add = true}
      %add3A_214 = arith.constant 3 : i32
      %add3A_215 = arith.addi %add3A_21, %add3A_214 : i32
      %dma_wait3A_216 = arith.constant 0 : i32
      %dma_wait3A_217 = tpu.memref_slice %arg7[%add3A_215, %dma_wait3A_216] : memref<80x128xi32, #tpu.memory_space<vmem>> -> memref<1x128xi32, #tpu.memory_space<vmem>>
      %dma_wait3A_218 = tpu.memref_squeeze %dma_wait3A_217 : memref<1x128xi32, #tpu.memory_space<vmem>> -> memref<128xi32, #tpu.memory_space<vmem>>
      %dma_wait3A_219 = arith.constant 0 : i32
      %dma_wait3A_220 = arith.constant 0 : i32
      %dma_wait3A_221 = tpu.memref_slice %arg2[%dma_wait3A_219, %dma_wait3A_220] : memref<10240x48xf32, #tpu.memory_space<hbm>> -> memref<10240x48xf32, #tpu.memory_space<hbm>>
      tpu.wait_indirect_dma semaphore(%arg17 : memref<!tpu.dma_semaphore, #tpu.memory_space<semaphore_mem>>) src(%dma_wait3A_221 : memref<10240x48xf32, #tpu.memory_space<hbm>>) dst(%arg12 : memref<128x48xf32, #tpu.memory_space<vmem>>)
      %dma_start3A_222 = arith.constant 0 : i32
      %dma_start3A_223 = tpu.memref_slice %arg8[%add3A_215, %dma_start3A_222] : memref<80x128xi32, #tpu.memory_space<vmem>> -> memref<1x128xi32, #tpu.memory_space<vmem>>
      %dma_start3A_224 = tpu.memref_squeeze %dma_start3A_223 : memref<1x128xi32, #tpu.memory_space<vmem>> -> memref<128xi32, #tpu.memory_space<vmem>>
      %dma_start3A_225 = arith.constant 0 : i32
      %dma_start3A_226 = arith.constant 0 : i32
      %dma_start3A_227 = tpu.memref_slice %arg13[%dma_start3A_225, %dma_start3A_226] : memref<10240x48xf32, #tpu.memory_space<vmem_shared>> -> memref<10240x48xf32, #tpu.memory_space<vmem_shared>>
      tpu.enqueue_indirect_dma source(%arg12 : memref<128x48xf32, #tpu.memory_space<vmem>>) target(%dma_start3A_227 : memref<10240x48xf32, #tpu.memory_space<vmem_shared>>) offsets(%dma_start3A_224 : memref<128xi32, #tpu.memory_space<vmem>>) semaphore(%arg21 : memref<!tpu.dma_semaphore, #tpu.memory_space<semaphore_mem>>) {add = true}
      %add3A_228 = arith.constant 0 : i32
      %add3A_229 = arith.addi %add3A_21, %add3A_228 : i32
      %dma_wait3A_230 = arith.constant 0 : i32
      %dma_wait3A_231 = tpu.memref_slice %arg8[%add3A_229, %dma_wait3A_230] : memref<80x128xi32, #tpu.memory_space<vmem>> -> memref<1x128xi32, #tpu.memory_space<vmem>>
      %dma_wait3A_232 = tpu.memref_squeeze %dma_wait3A_231 : memref<1x128xi32, #tpu.memory_space<vmem>> -> memref<128xi32, #tpu.memory_space<vmem>>
      %dma_wait3A_233 = arith.constant 0 : i32
      %dma_wait3A_234 = arith.constant 0 : i32
      %dma_wait3A_235 = tpu.memref_slice %arg13[%dma_wait3A_233, %dma_wait3A_234] : memref<10240x48xf32, #tpu.memory_space<vmem_shared>> -> memref<10240x48xf32, #tpu.memory_space<vmem_shared>>
      tpu.wait_indirect_dma semaphore(%arg18 : memref<!tpu.dma_semaphore, #tpu.memory_space<semaphore_mem>>) src(%arg9 : memref<128x48xf32, #tpu.memory_space<vmem>>) dst(%dma_wait3A_235 : memref<10240x48xf32, #tpu.memory_space<vmem_shared>>)
      %add3A_236 = arith.constant 1 : i32
      %add3A_237 = arith.addi %add3A_21, %add3A_236 : i32
      %dma_wait3A_238 = arith.constant 0 : i32
      %dma_wait3A_239 = tpu.memref_slice %arg8[%add3A_237, %dma_wait3A_238] : memref<80x128xi32, #tpu.memory_space<vmem>> -> memref<1x128xi32, #tpu.memory_space<vmem>>
      %dma_wait3A_240 = tpu.memref_squeeze %dma_wait3A_239 : memref<1x128xi32, #tpu.memory_space<vmem>> -> memref<128xi32, #tpu.memory_space<vmem>>
      %dma_wait3A_241 = arith.constant 0 : i32
      %dma_wait3A_242 = arith.constant 0 : i32
      %dma_wait3A_243 = tpu.memref_slice %arg13[%dma_wait3A_241, %dma_wait3A_242] : memref<10240x48xf32, #tpu.memory_space<vmem_shared>> -> memref<10240x48xf32, #tpu.memory_space<vmem_shared>>
      tpu.wait_indirect_dma semaphore(%arg19 : memref<!tpu.dma_semaphore, #tpu.memory_space<semaphore_mem>>) src(%arg10 : memref<128x48xf32, #tpu.memory_space<vmem>>) dst(%dma_wait3A_243 : memref<10240x48xf32, #tpu.memory_space<vmem_shared>>)
      %add3A_244 = arith.constant 2 : i32
      %add3A_245 = arith.addi %add3A_21, %add3A_244 : i32
      %dma_wait3A_246 = arith.constant 0 : i32
      %dma_wait3A_247 = tpu.memref_slice %arg8[%add3A_245, %dma_wait3A_246] : memref<80x128xi32, #tpu.memory_space<vmem>> -> memref<1x128xi32, #tpu.memory_space<vmem>>
      %dma_wait3A_248 = tpu.memref_squeeze %dma_wait3A_247 : memref<1x128xi32, #tpu.memory_space<vmem>> -> memref<128xi32, #tpu.memory_space<vmem>>
      %dma_wait3A_249 = arith.constant 0 : i32
      %dma_wait3A_250 = arith.constant 0 : i32
      %dma_wait3A_251 = tpu.memref_slice %arg13[%dma_wait3A_249, %dma_wait3A_250] : memref<10240x48xf32, #tpu.memory_space<vmem_shared>> -> memref<10240x48xf32, #tpu.memory_space<vmem_shared>>
      tpu.wait_indirect_dma semaphore(%arg20 : memref<!tpu.dma_semaphore, #tpu.memory_space<semaphore_mem>>) src(%arg11 : memref<128x48xf32, #tpu.memory_space<vmem>>) dst(%dma_wait3A_251 : memref<10240x48xf32, #tpu.memory_space<vmem_shared>>)
      %add3A_252 = arith.constant 3 : i32
      %add3A_253 = arith.addi %add3A_21, %add3A_252 : i32
      %dma_wait3A_254 = arith.constant 0 : i32
      %dma_wait3A_255 = tpu.memref_slice %arg8[%add3A_253, %dma_wait3A_254] : memref<80x128xi32, #tpu.memory_space<vmem>> -> memref<1x128xi32, #tpu.memory_space<vmem>>
      %dma_wait3A_256 = tpu.memref_squeeze %dma_wait3A_255 : memref<1x128xi32, #tpu.memory_space<vmem>> -> memref<128xi32, #tpu.memory_space<vmem>>
      %dma_wait3A_257 = arith.constant 0 : i32
      %dma_wait3A_258 = arith.constant 0 : i32
      %dma_wait3A_259 = tpu.memref_slice %arg13[%dma_wait3A_257, %dma_wait3A_258] : memref<10240x48xf32, #tpu.memory_space<vmem_shared>> -> memref<10240x48xf32, #tpu.memory_space<vmem_shared>>
      tpu.wait_indirect_dma semaphore(%arg21 : memref<!tpu.dma_semaphore, #tpu.memory_space<semaphore_mem>>) src(%arg12 : memref<128x48xf32, #tpu.memory_space<vmem>>) dst(%dma_wait3A_259 : memref<10240x48xf32, #tpu.memory_space<vmem_shared>>)
    }
    %scan3A_11 = arith.constant 10 : i32
    %barrier3A_12 = arith.constant 0 : index
    tpu.barrier barrier_id(%barrier3A_12)
    %mul3A_13 = arith.constant 64 : i32
    %mul3A_14 = arith.muli %arg0, %mul3A_13 : i32
    "tpu.region"() ({
      %run_scoped3A = tpu.sem_alloc : memref<!tpu.dma_semaphore, #tpu.memory_space<semaphore_mem>>
      %dma_start3A = tpu.memref_slice %arg6[%mul3A_2, %mul3A_14] : memref<10240x128xf32, #tpu.memory_space<hbm>> -> memref<640x48xf32, #tpu.memory_space<hbm>>
      %dma_start3A_15 = arith.constant 0 : i32
      %dma_start3A_16 = tpu.memref_slice %arg13[%mul3A_2, %dma_start3A_15] : memref<10240x48xf32, #tpu.memory_space<vmem_shared>> -> memref<640x48xf32, #tpu.memory_space<vmem_shared>>
      tpu.enqueue_dma source(%dma_start3A_16 : memref<640x48xf32, #tpu.memory_space<vmem_shared>>) target(%dma_start3A : memref<640x48xf32, #tpu.memory_space<hbm>>) target_semaphore(%run_scoped3A : memref<!tpu.dma_semaphore, #tpu.memory_space<semaphore_mem>>)
      %dma_wait3A = tpu.memref_slice %arg6[%mul3A_2, %mul3A_14] : memref<10240x128xf32, #tpu.memory_space<hbm>> -> memref<640x48xf32, #tpu.memory_space<hbm>>
      %dma_wait3A_17 = arith.constant 0 : i32
      %dma_wait3A_18 = tpu.memref_slice %arg13[%mul3A_2, %dma_wait3A_17] : memref<10240x48xf32, #tpu.memory_space<vmem_shared>> -> memref<640x48xf32, #tpu.memory_space<vmem_shared>>
      tpu.wait_dma2 semaphore(%run_scoped3A : memref<!tpu.dma_semaphore, #tpu.memory_space<semaphore_mem>>) src(%dma_wait3A_18 : memref<640x48xf32, #tpu.memory_space<vmem_shared>>) dst(%dma_wait3A : memref<640x48xf32, #tpu.memory_space<hbm>>)
      tpu.yield
    }) : () -> ()
    return
  }
}

#map = affine_map<(d0, d1) -> (0, 0)>
module attributes {stable_mosaic.version = 14 : i64} {
  func.func @_deg_kernel(%arg0: i32, %arg1: i32, %arg2: memref<2560x128xi32, #tpu.memory_space<hbm>>, %arg3: memref<2560x128xi32, #tpu.memory_space<hbm>>, %arg4: memref<128x16xf32, #tpu.memory_space<hbm>>, %arg5: memref<10240x16xf32, #tpu.memory_space<hbm>>, %arg6: memref<10240x128xf32, #tpu.memory_space<hbm>>, %arg7: memref<160x128xi32, #tpu.memory_space<vmem>>, %arg8: memref<128x16xf32, #tpu.memory_space<vmem>>, %arg9: memref<10240x16xf32, #tpu.memory_space<vmem_shared>>, %arg10: memref<!tpu.dma_semaphore, #tpu.memory_space<semaphore_mem>>, %arg11: memref<!tpu.dma_semaphore, #tpu.memory_space<semaphore_mem>>) attributes {dimension_semantics = [#tpu.dimension_semantics<core_parallel>, #tpu.dimension_semantics<subcore_parallel>], iteration_bounds = array<i64: 2, 16>, scalar_prefetch = 0 : i64, scratch_operands = 5 : i64, tpu.core_type = #tpu.core_type<sc_vector_subcore>, window_params = [{transform_indices = #map}, {transform_indices = #map}, {transform_indices = #map}, {transform_indices = #map}, {transform_indices = #map}]} {
    %mul3A = arith.constant 640 : i32
    %mul3A_0 = arith.muli %arg1, %mul3A : i32
    "tpu.region"() ({
      %run_scoped3A = tpu.sem_alloc : memref<!tpu.dma_semaphore, #tpu.memory_space<semaphore_mem>>
      tpu.enqueue_dma source(%arg4 : memref<128x16xf32, #tpu.memory_space<hbm>>) target(%arg8 : memref<128x16xf32, #tpu.memory_space<vmem>>) target_semaphore(%run_scoped3A : memref<!tpu.dma_semaphore, #tpu.memory_space<semaphore_mem>>)
      tpu.wait_dma2 semaphore(%run_scoped3A : memref<!tpu.dma_semaphore, #tpu.memory_space<semaphore_mem>>) src(%arg4 : memref<128x16xf32, #tpu.memory_space<hbm>>) dst(%arg8 : memref<128x16xf32, #tpu.memory_space<vmem>>)
      tpu.yield
    }) : () -> ()
    "tpu.region"() ({
      %run_scoped3A = tpu.sem_alloc : memref<!tpu.dma_semaphore, #tpu.memory_space<semaphore_mem>>
      %dma_start3A = arith.constant 0 : i32
      %dma_start3A_16 = tpu.memref_slice %arg9[%mul3A_0, %dma_start3A] : memref<10240x16xf32, #tpu.memory_space<vmem_shared>> -> memref<640x16xf32, #tpu.memory_space<vmem_shared>>
      %dma_start3A_17 = arith.constant 0 : i32
      %dma_start3A_18 = tpu.memref_slice %arg5[%mul3A_0, %dma_start3A_17] : memref<10240x16xf32, #tpu.memory_space<hbm>> -> memref<640x16xf32, #tpu.memory_space<hbm>>
      tpu.enqueue_dma source(%dma_start3A_18 : memref<640x16xf32, #tpu.memory_space<hbm>>) target(%dma_start3A_16 : memref<640x16xf32, #tpu.memory_space<vmem_shared>>) target_semaphore(%run_scoped3A : memref<!tpu.dma_semaphore, #tpu.memory_space<semaphore_mem>>)
      %dma_wait3A = arith.constant 0 : i32
      %dma_wait3A_19 = tpu.memref_slice %arg9[%mul3A_0, %dma_wait3A] : memref<10240x16xf32, #tpu.memory_space<vmem_shared>> -> memref<640x16xf32, #tpu.memory_space<vmem_shared>>
      %dma_wait3A_20 = arith.constant 0 : i32
      %dma_wait3A_21 = tpu.memref_slice %arg5[%mul3A_0, %dma_wait3A_20] : memref<10240x16xf32, #tpu.memory_space<hbm>> -> memref<640x16xf32, #tpu.memory_space<hbm>>
      tpu.wait_dma2 semaphore(%run_scoped3A : memref<!tpu.dma_semaphore, #tpu.memory_space<semaphore_mem>>) src(%dma_wait3A_21 : memref<640x16xf32, #tpu.memory_space<hbm>>) dst(%dma_wait3A_19 : memref<640x16xf32, #tpu.memory_space<vmem_shared>>)
      tpu.yield
    }) : () -> ()
    %eq3A = arith.constant 0 : i32
    %eq3A_1 = arith.cmpi eq, %arg0, %eq3A : i32
    %convert_element_type3A = arith.extui %eq3A_1 : i1 to i32
    %cond3A = arith.constant 0 : i32
    %cond3A_2 = arith.cmpi ne, %convert_element_type3A, %cond3A : i32
    scf.if %cond3A_2 {
      %mul3A_16 = arith.constant 160 : i32
      %mul3A_17 = arith.muli %arg1, %mul3A_16 : i32
      "tpu.region"() ({
        %run_scoped3A = tpu.sem_alloc : memref<!tpu.dma_semaphore, #tpu.memory_space<semaphore_mem>>
        %dma_start3A = arith.constant 0 : i32
        %dma_start3A_18 = tpu.memref_slice %arg2[%mul3A_17, %dma_start3A] : memref<2560x128xi32, #tpu.memory_space<hbm>> -> memref<160x128xi32, #tpu.memory_space<hbm>>
        %dma_start3A_19 = arith.constant 0 : i32
        %dma_start3A_20 = tpu.memref_slice %arg2[%mul3A_17, %dma_start3A_19] : memref<2560x128xi32, #tpu.memory_space<hbm>> -> memref<160x128xi32, #tpu.memory_space<hbm>>
        tpu.enqueue_dma source(%dma_start3A_20 : memref<160x128xi32, #tpu.memory_space<hbm>>) target(%arg7 : memref<160x128xi32, #tpu.memory_space<vmem>>) target_semaphore(%run_scoped3A : memref<!tpu.dma_semaphore, #tpu.memory_space<semaphore_mem>>)
        %dma_wait3A = arith.constant 0 : i32
        %dma_wait3A_21 = tpu.memref_slice %arg2[%mul3A_17, %dma_wait3A] : memref<2560x128xi32, #tpu.memory_space<hbm>> -> memref<160x128xi32, #tpu.memory_space<hbm>>
        %dma_wait3A_22 = arith.constant 0 : i32
        %dma_wait3A_23 = tpu.memref_slice %arg2[%mul3A_17, %dma_wait3A_22] : memref<2560x128xi32, #tpu.memory_space<hbm>> -> memref<160x128xi32, #tpu.memory_space<hbm>>
        tpu.wait_dma2 semaphore(%run_scoped3A : memref<!tpu.dma_semaphore, #tpu.memory_space<semaphore_mem>>) src(%dma_wait3A_23 : memref<160x128xi32, #tpu.memory_space<hbm>>) dst(%arg7 : memref<160x128xi32, #tpu.memory_space<vmem>>)
        tpu.yield
      }) : () -> ()
    } else {
    }
    %eq3A_3 = arith.constant 1 : i32
    %eq3A_4 = arith.cmpi eq, %arg0, %eq3A_3 : i32
    %convert_element_type3A_5 = arith.extui %eq3A_4 : i1 to i32
    %cond3A_6 = arith.constant 0 : i32
    %cond3A_7 = arith.cmpi ne, %convert_element_type3A_5, %cond3A_6 : i32
    scf.if %cond3A_7 {
      %mul3A_16 = arith.constant 160 : i32
      %mul3A_17 = arith.muli %arg1, %mul3A_16 : i32
      "tpu.region"() ({
        %run_scoped3A = tpu.sem_alloc : memref<!tpu.dma_semaphore, #tpu.memory_space<semaphore_mem>>
        %dma_start3A = arith.constant 0 : i32
        %dma_start3A_18 = tpu.memref_slice %arg3[%mul3A_17, %dma_start3A] : memref<2560x128xi32, #tpu.memory_space<hbm>> -> memref<160x128xi32, #tpu.memory_space<hbm>>
        %dma_start3A_19 = arith.constant 0 : i32
        %dma_start3A_20 = tpu.memref_slice %arg3[%mul3A_17, %dma_start3A_19] : memref<2560x128xi32, #tpu.memory_space<hbm>> -> memref<160x128xi32, #tpu.memory_space<hbm>>
        tpu.enqueue_dma source(%dma_start3A_20 : memref<160x128xi32, #tpu.memory_space<hbm>>) target(%arg7 : memref<160x128xi32, #tpu.memory_space<vmem>>) target_semaphore(%run_scoped3A : memref<!tpu.dma_semaphore, #tpu.memory_space<semaphore_mem>>)
        %dma_wait3A = arith.constant 0 : i32
        %dma_wait3A_21 = tpu.memref_slice %arg3[%mul3A_17, %dma_wait3A] : memref<2560x128xi32, #tpu.memory_space<hbm>> -> memref<160x128xi32, #tpu.memory_space<hbm>>
        %dma_wait3A_22 = arith.constant 0 : i32
        %dma_wait3A_23 = tpu.memref_slice %arg3[%mul3A_17, %dma_wait3A_22] : memref<2560x128xi32, #tpu.memory_space<hbm>> -> memref<160x128xi32, #tpu.memory_space<hbm>>
        tpu.wait_dma2 semaphore(%run_scoped3A : memref<!tpu.dma_semaphore, #tpu.memory_space<semaphore_mem>>) src(%dma_wait3A_23 : memref<160x128xi32, #tpu.memory_space<hbm>>) dst(%arg7 : memref<160x128xi32, #tpu.memory_space<vmem>>)
        tpu.yield
      }) : () -> ()
    } else {
    }
    %barrier3A = arith.constant 0 : index
    tpu.barrier barrier_id(%barrier3A)
    %scan3A = arith.constant 0 : i32
    %scan3A_8 = arith.constant 0 : i32
    %scan3A_9 = arith.constant 20 : i32
    %scan3A_10 = arith.addi %scan3A_8, %scan3A_9 : i32
    %scan3A_11 = arith.constant 1 : i32
    scf.for %scan3A_16 = %scan3A_8 to %scan3A_10 step %scan3A_11  : i32 {
      %mul3A_17 = arith.constant 8 : i32
      %mul3A_18 = arith.muli %scan3A_16, %mul3A_17 : i32
      %add3A = arith.constant 0 : i32
      %add3A_19 = arith.addi %mul3A_18, %add3A : i32
      %dma_start3A = arith.constant 0 : i32
      %dma_start3A_20 = tpu.memref_slice %arg7[%add3A_19, %dma_start3A] : memref<160x128xi32, #tpu.memory_space<vmem>> -> memref<1x128xi32, #tpu.memory_space<vmem>>
      %dma_start3A_21 = tpu.memref_squeeze %dma_start3A_20 : memref<1x128xi32, #tpu.memory_space<vmem>> -> memref<128xi32, #tpu.memory_space<vmem>>
      %dma_start3A_22 = arith.constant 0 : i32
      %dma_start3A_23 = arith.constant 0 : i32
      %dma_start3A_24 = tpu.memref_slice %arg9[%dma_start3A_22, %dma_start3A_23] : memref<10240x16xf32, #tpu.memory_space<vmem_shared>> -> memref<10240x16xf32, #tpu.memory_space<vmem_shared>>
      tpu.enqueue_indirect_dma source(%arg8 : memref<128x16xf32, #tpu.memory_space<vmem>>) target(%dma_start3A_24 : memref<10240x16xf32, #tpu.memory_space<vmem_shared>>) offsets(%dma_start3A_21 : memref<128xi32, #tpu.memory_space<vmem>>) semaphore(%arg10 : memref<!tpu.dma_semaphore, #tpu.memory_space<semaphore_mem>>) {add = true}
      %mul3A_25 = arith.constant 8 : i32
      %mul3A_26 = arith.muli %scan3A_16, %mul3A_25 : i32
      %add3A_27 = arith.constant 1 : i32
      %add3A_28 = arith.addi %mul3A_26, %add3A_27 : i32
      %dma_start3A_29 = arith.constant 0 : i32
      %dma_start3A_30 = tpu.memref_slice %arg7[%add3A_28, %dma_start3A_29] : memref<160x128xi32, #tpu.memory_space<vmem>> -> memref<1x128xi32, #tpu.memory_space<vmem>>
      %dma_start3A_31 = tpu.memref_squeeze %dma_start3A_30 : memref<1x128xi32, #tpu.memory_space<vmem>> -> memref<128xi32, #tpu.memory_space<vmem>>
      %dma_start3A_32 = arith.constant 0 : i32
      %dma_start3A_33 = arith.constant 0 : i32
      %dma_start3A_34 = tpu.memref_slice %arg9[%dma_start3A_32, %dma_start3A_33] : memref<10240x16xf32, #tpu.memory_space<vmem_shared>> -> memref<10240x16xf32, #tpu.memory_space<vmem_shared>>
      tpu.enqueue_indirect_dma source(%arg8 : memref<128x16xf32, #tpu.memory_space<vmem>>) target(%dma_start3A_34 : memref<10240x16xf32, #tpu.memory_space<vmem_shared>>) offsets(%dma_start3A_31 : memref<128xi32, #tpu.memory_space<vmem>>) semaphore(%arg11 : memref<!tpu.dma_semaphore, #tpu.memory_space<semaphore_mem>>) {add = true}
      %mul3A_35 = arith.constant 8 : i32
      %mul3A_36 = arith.muli %scan3A_16, %mul3A_35 : i32
      %add3A_37 = arith.constant 2 : i32
      %add3A_38 = arith.addi %mul3A_36, %add3A_37 : i32
      %dma_start3A_39 = arith.constant 0 : i32
      %dma_start3A_40 = tpu.memref_slice %arg7[%add3A_38, %dma_start3A_39] : memref<160x128xi32, #tpu.memory_space<vmem>> -> memref<1x128xi32, #tpu.memory_space<vmem>>
      %dma_start3A_41 = tpu.memref_squeeze %dma_start3A_40 : memref<1x128xi32, #tpu.memory_space<vmem>> -> memref<128xi32, #tpu.memory_space<vmem>>
      %dma_start3A_42 = arith.constant 0 : i32
      %dma_start3A_43 = arith.constant 0 : i32
      %dma_start3A_44 = tpu.memref_slice %arg9[%dma_start3A_42, %dma_start3A_43] : memref<10240x16xf32, #tpu.memory_space<vmem_shared>> -> memref<10240x16xf32, #tpu.memory_space<vmem_shared>>
      tpu.enqueue_indirect_dma source(%arg8 : memref<128x16xf32, #tpu.memory_space<vmem>>) target(%dma_start3A_44 : memref<10240x16xf32, #tpu.memory_space<vmem_shared>>) offsets(%dma_start3A_41 : memref<128xi32, #tpu.memory_space<vmem>>) semaphore(%arg10 : memref<!tpu.dma_semaphore, #tpu.memory_space<semaphore_mem>>) {add = true}
      %mul3A_45 = arith.constant 8 : i32
      %mul3A_46 = arith.muli %scan3A_16, %mul3A_45 : i32
      %add3A_47 = arith.constant 3 : i32
      %add3A_48 = arith.addi %mul3A_46, %add3A_47 : i32
      %dma_start3A_49 = arith.constant 0 : i32
      %dma_start3A_50 = tpu.memref_slice %arg7[%add3A_48, %dma_start3A_49] : memref<160x128xi32, #tpu.memory_space<vmem>> -> memref<1x128xi32, #tpu.memory_space<vmem>>
      %dma_start3A_51 = tpu.memref_squeeze %dma_start3A_50 : memref<1x128xi32, #tpu.memory_space<vmem>> -> memref<128xi32, #tpu.memory_space<vmem>>
      %dma_start3A_52 = arith.constant 0 : i32
      %dma_start3A_53 = arith.constant 0 : i32
      %dma_start3A_54 = tpu.memref_slice %arg9[%dma_start3A_52, %dma_start3A_53] : memref<10240x16xf32, #tpu.memory_space<vmem_shared>> -> memref<10240x16xf32, #tpu.memory_space<vmem_shared>>
      tpu.enqueue_indirect_dma source(%arg8 : memref<128x16xf32, #tpu.memory_space<vmem>>) target(%dma_start3A_54 : memref<10240x16xf32, #tpu.memory_space<vmem_shared>>) offsets(%dma_start3A_51 : memref<128xi32, #tpu.memory_space<vmem>>) semaphore(%arg11 : memref<!tpu.dma_semaphore, #tpu.memory_space<semaphore_mem>>) {add = true}
      %mul3A_55 = arith.constant 8 : i32
      %mul3A_56 = arith.muli %scan3A_16, %mul3A_55 : i32
      %add3A_57 = arith.constant 4 : i32
      %add3A_58 = arith.addi %mul3A_56, %add3A_57 : i32
      %dma_start3A_59 = arith.constant 0 : i32
      %dma_start3A_60 = tpu.memref_slice %arg7[%add3A_58, %dma_start3A_59] : memref<160x128xi32, #tpu.memory_space<vmem>> -> memref<1x128xi32, #tpu.memory_space<vmem>>
      %dma_start3A_61 = tpu.memref_squeeze %dma_start3A_60 : memref<1x128xi32, #tpu.memory_space<vmem>> -> memref<128xi32, #tpu.memory_space<vmem>>
      %dma_start3A_62 = arith.constant 0 : i32
      %dma_start3A_63 = arith.constant 0 : i32
      %dma_start3A_64 = tpu.memref_slice %arg9[%dma_start3A_62, %dma_start3A_63] : memref<10240x16xf32, #tpu.memory_space<vmem_shared>> -> memref<10240x16xf32, #tpu.memory_space<vmem_shared>>
      tpu.enqueue_indirect_dma source(%arg8 : memref<128x16xf32, #tpu.memory_space<vmem>>) target(%dma_start3A_64 : memref<10240x16xf32, #tpu.memory_space<vmem_shared>>) offsets(%dma_start3A_61 : memref<128xi32, #tpu.memory_space<vmem>>) semaphore(%arg10 : memref<!tpu.dma_semaphore, #tpu.memory_space<semaphore_mem>>) {add = true}
      %mul3A_65 = arith.constant 8 : i32
      %mul3A_66 = arith.muli %scan3A_16, %mul3A_65 : i32
      %add3A_67 = arith.constant 5 : i32
      %add3A_68 = arith.addi %mul3A_66, %add3A_67 : i32
      %dma_start3A_69 = arith.constant 0 : i32
      %dma_start3A_70 = tpu.memref_slice %arg7[%add3A_68, %dma_start3A_69] : memref<160x128xi32, #tpu.memory_space<vmem>> -> memref<1x128xi32, #tpu.memory_space<vmem>>
      %dma_start3A_71 = tpu.memref_squeeze %dma_start3A_70 : memref<1x128xi32, #tpu.memory_space<vmem>> -> memref<128xi32, #tpu.memory_space<vmem>>
      %dma_start3A_72 = arith.constant 0 : i32
      %dma_start3A_73 = arith.constant 0 : i32
      %dma_start3A_74 = tpu.memref_slice %arg9[%dma_start3A_72, %dma_start3A_73] : memref<10240x16xf32, #tpu.memory_space<vmem_shared>> -> memref<10240x16xf32, #tpu.memory_space<vmem_shared>>
      tpu.enqueue_indirect_dma source(%arg8 : memref<128x16xf32, #tpu.memory_space<vmem>>) target(%dma_start3A_74 : memref<10240x16xf32, #tpu.memory_space<vmem_shared>>) offsets(%dma_start3A_71 : memref<128xi32, #tpu.memory_space<vmem>>) semaphore(%arg11 : memref<!tpu.dma_semaphore, #tpu.memory_space<semaphore_mem>>) {add = true}
      %mul3A_75 = arith.constant 8 : i32
      %mul3A_76 = arith.muli %scan3A_16, %mul3A_75 : i32
      %add3A_77 = arith.constant 6 : i32
      %add3A_78 = arith.addi %mul3A_76, %add3A_77 : i32
      %dma_start3A_79 = arith.constant 0 : i32
      %dma_start3A_80 = tpu.memref_slice %arg7[%add3A_78, %dma_start3A_79] : memref<160x128xi32, #tpu.memory_space<vmem>> -> memref<1x128xi32, #tpu.memory_space<vmem>>
      %dma_start3A_81 = tpu.memref_squeeze %dma_start3A_80 : memref<1x128xi32, #tpu.memory_space<vmem>> -> memref<128xi32, #tpu.memory_space<vmem>>
      %dma_start3A_82 = arith.constant 0 : i32
      %dma_start3A_83 = arith.constant 0 : i32
      %dma_start3A_84 = tpu.memref_slice %arg9[%dma_start3A_82, %dma_start3A_83] : memref<10240x16xf32, #tpu.memory_space<vmem_shared>> -> memref<10240x16xf32, #tpu.memory_space<vmem_shared>>
      tpu.enqueue_indirect_dma source(%arg8 : memref<128x16xf32, #tpu.memory_space<vmem>>) target(%dma_start3A_84 : memref<10240x16xf32, #tpu.memory_space<vmem_shared>>) offsets(%dma_start3A_81 : memref<128xi32, #tpu.memory_space<vmem>>) semaphore(%arg10 : memref<!tpu.dma_semaphore, #tpu.memory_space<semaphore_mem>>) {add = true}
      %mul3A_85 = arith.constant 8 : i32
      %mul3A_86 = arith.muli %scan3A_16, %mul3A_85 : i32
      %add3A_87 = arith.constant 7 : i32
      %add3A_88 = arith.addi %mul3A_86, %add3A_87 : i32
      %dma_start3A_89 = arith.constant 0 : i32
      %dma_start3A_90 = tpu.memref_slice %arg7[%add3A_88, %dma_start3A_89] : memref<160x128xi32, #tpu.memory_space<vmem>> -> memref<1x128xi32, #tpu.memory_space<vmem>>
      %dma_start3A_91 = tpu.memref_squeeze %dma_start3A_90 : memref<1x128xi32, #tpu.memory_space<vmem>> -> memref<128xi32, #tpu.memory_space<vmem>>
      %dma_start3A_92 = arith.constant 0 : i32
      %dma_start3A_93 = arith.constant 0 : i32
      %dma_start3A_94 = tpu.memref_slice %arg9[%dma_start3A_92, %dma_start3A_93] : memref<10240x16xf32, #tpu.memory_space<vmem_shared>> -> memref<10240x16xf32, #tpu.memory_space<vmem_shared>>
      tpu.enqueue_indirect_dma source(%arg8 : memref<128x16xf32, #tpu.memory_space<vmem>>) target(%dma_start3A_94 : memref<10240x16xf32, #tpu.memory_space<vmem_shared>>) offsets(%dma_start3A_91 : memref<128xi32, #tpu.memory_space<vmem>>) semaphore(%arg11 : memref<!tpu.dma_semaphore, #tpu.memory_space<semaphore_mem>>) {add = true}
      %mul3A_95 = arith.constant 8 : i32
      %mul3A_96 = arith.muli %scan3A_16, %mul3A_95 : i32
      %add3A_97 = arith.constant 0 : i32
      %add3A_98 = arith.addi %mul3A_96, %add3A_97 : i32
      %dma_wait3A = arith.constant 0 : i32
      %dma_wait3A_99 = tpu.memref_slice %arg7[%add3A_98, %dma_wait3A] : memref<160x128xi32, #tpu.memory_space<vmem>> -> memref<1x128xi32, #tpu.memory_space<vmem>>
      %dma_wait3A_100 = tpu.memref_squeeze %dma_wait3A_99 : memref<1x128xi32, #tpu.memory_space<vmem>> -> memref<128xi32, #tpu.memory_space<vmem>>
      %dma_wait3A_101 = arith.constant 0 : i32
      %dma_wait3A_102 = arith.constant 0 : i32
      %dma_wait3A_103 = tpu.memref_slice %arg9[%dma_wait3A_101, %dma_wait3A_102] : memref<10240x16xf32, #tpu.memory_space<vmem_shared>> -> memref<10240x16xf32, #tpu.memory_space<vmem_shared>>
      tpu.wait_indirect_dma semaphore(%arg10 : memref<!tpu.dma_semaphore, #tpu.memory_space<semaphore_mem>>) src(%arg8 : memref<128x16xf32, #tpu.memory_space<vmem>>) dst(%dma_wait3A_103 : memref<10240x16xf32, #tpu.memory_space<vmem_shared>>)
      %mul3A_104 = arith.constant 8 : i32
      %mul3A_105 = arith.muli %scan3A_16, %mul3A_104 : i32
      %add3A_106 = arith.constant 1 : i32
      %add3A_107 = arith.addi %mul3A_105, %add3A_106 : i32
      %dma_wait3A_108 = arith.constant 0 : i32
      %dma_wait3A_109 = tpu.memref_slice %arg7[%add3A_107, %dma_wait3A_108] : memref<160x128xi32, #tpu.memory_space<vmem>> -> memref<1x128xi32, #tpu.memory_space<vmem>>
      %dma_wait3A_110 = tpu.memref_squeeze %dma_wait3A_109 : memref<1x128xi32, #tpu.memory_space<vmem>> -> memref<128xi32, #tpu.memory_space<vmem>>
      %dma_wait3A_111 = arith.constant 0 : i32
      %dma_wait3A_112 = arith.constant 0 : i32
      %dma_wait3A_113 = tpu.memref_slice %arg9[%dma_wait3A_111, %dma_wait3A_112] : memref<10240x16xf32, #tpu.memory_space<vmem_shared>> -> memref<10240x16xf32, #tpu.memory_space<vmem_shared>>
      tpu.wait_indirect_dma semaphore(%arg11 : memref<!tpu.dma_semaphore, #tpu.memory_space<semaphore_mem>>) src(%arg8 : memref<128x16xf32, #tpu.memory_space<vmem>>) dst(%dma_wait3A_113 : memref<10240x16xf32, #tpu.memory_space<vmem_shared>>)
      %mul3A_114 = arith.constant 8 : i32
      %mul3A_115 = arith.muli %scan3A_16, %mul3A_114 : i32
      %add3A_116 = arith.constant 2 : i32
      %add3A_117 = arith.addi %mul3A_115, %add3A_116 : i32
      %dma_wait3A_118 = arith.constant 0 : i32
      %dma_wait3A_119 = tpu.memref_slice %arg7[%add3A_117, %dma_wait3A_118] : memref<160x128xi32, #tpu.memory_space<vmem>> -> memref<1x128xi32, #tpu.memory_space<vmem>>
      %dma_wait3A_120 = tpu.memref_squeeze %dma_wait3A_119 : memref<1x128xi32, #tpu.memory_space<vmem>> -> memref<128xi32, #tpu.memory_space<vmem>>
      %dma_wait3A_121 = arith.constant 0 : i32
      %dma_wait3A_122 = arith.constant 0 : i32
      %dma_wait3A_123 = tpu.memref_slice %arg9[%dma_wait3A_121, %dma_wait3A_122] : memref<10240x16xf32, #tpu.memory_space<vmem_shared>> -> memref<10240x16xf32, #tpu.memory_space<vmem_shared>>
      tpu.wait_indirect_dma semaphore(%arg10 : memref<!tpu.dma_semaphore, #tpu.memory_space<semaphore_mem>>) src(%arg8 : memref<128x16xf32, #tpu.memory_space<vmem>>) dst(%dma_wait3A_123 : memref<10240x16xf32, #tpu.memory_space<vmem_shared>>)
      %mul3A_124 = arith.constant 8 : i32
      %mul3A_125 = arith.muli %scan3A_16, %mul3A_124 : i32
      %add3A_126 = arith.constant 3 : i32
      %add3A_127 = arith.addi %mul3A_125, %add3A_126 : i32
      %dma_wait3A_128 = arith.constant 0 : i32
      %dma_wait3A_129 = tpu.memref_slice %arg7[%add3A_127, %dma_wait3A_128] : memref<160x128xi32, #tpu.memory_space<vmem>> -> memref<1x128xi32, #tpu.memory_space<vmem>>
      %dma_wait3A_130 = tpu.memref_squeeze %dma_wait3A_129 : memref<1x128xi32, #tpu.memory_space<vmem>> -> memref<128xi32, #tpu.memory_space<vmem>>
      %dma_wait3A_131 = arith.constant 0 : i32
      %dma_wait3A_132 = arith.constant 0 : i32
      %dma_wait3A_133 = tpu.memref_slice %arg9[%dma_wait3A_131, %dma_wait3A_132] : memref<10240x16xf32, #tpu.memory_space<vmem_shared>> -> memref<10240x16xf32, #tpu.memory_space<vmem_shared>>
      tpu.wait_indirect_dma semaphore(%arg11 : memref<!tpu.dma_semaphore, #tpu.memory_space<semaphore_mem>>) src(%arg8 : memref<128x16xf32, #tpu.memory_space<vmem>>) dst(%dma_wait3A_133 : memref<10240x16xf32, #tpu.memory_space<vmem_shared>>)
      %mul3A_134 = arith.constant 8 : i32
      %mul3A_135 = arith.muli %scan3A_16, %mul3A_134 : i32
      %add3A_136 = arith.constant 4 : i32
      %add3A_137 = arith.addi %mul3A_135, %add3A_136 : i32
      %dma_wait3A_138 = arith.constant 0 : i32
      %dma_wait3A_139 = tpu.memref_slice %arg7[%add3A_137, %dma_wait3A_138] : memref<160x128xi32, #tpu.memory_space<vmem>> -> memref<1x128xi32, #tpu.memory_space<vmem>>
      %dma_wait3A_140 = tpu.memref_squeeze %dma_wait3A_139 : memref<1x128xi32, #tpu.memory_space<vmem>> -> memref<128xi32, #tpu.memory_space<vmem>>
      %dma_wait3A_141 = arith.constant 0 : i32
      %dma_wait3A_142 = arith.constant 0 : i32
      %dma_wait3A_143 = tpu.memref_slice %arg9[%dma_wait3A_141, %dma_wait3A_142] : memref<10240x16xf32, #tpu.memory_space<vmem_shared>> -> memref<10240x16xf32, #tpu.memory_space<vmem_shared>>
      tpu.wait_indirect_dma semaphore(%arg10 : memref<!tpu.dma_semaphore, #tpu.memory_space<semaphore_mem>>) src(%arg8 : memref<128x16xf32, #tpu.memory_space<vmem>>) dst(%dma_wait3A_143 : memref<10240x16xf32, #tpu.memory_space<vmem_shared>>)
      %mul3A_144 = arith.constant 8 : i32
      %mul3A_145 = arith.muli %scan3A_16, %mul3A_144 : i32
      %add3A_146 = arith.constant 5 : i32
      %add3A_147 = arith.addi %mul3A_145, %add3A_146 : i32
      %dma_wait3A_148 = arith.constant 0 : i32
      %dma_wait3A_149 = tpu.memref_slice %arg7[%add3A_147, %dma_wait3A_148] : memref<160x128xi32, #tpu.memory_space<vmem>> -> memref<1x128xi32, #tpu.memory_space<vmem>>
      %dma_wait3A_150 = tpu.memref_squeeze %dma_wait3A_149 : memref<1x128xi32, #tpu.memory_space<vmem>> -> memref<128xi32, #tpu.memory_space<vmem>>
      %dma_wait3A_151 = arith.constant 0 : i32
      %dma_wait3A_152 = arith.constant 0 : i32
      %dma_wait3A_153 = tpu.memref_slice %arg9[%dma_wait3A_151, %dma_wait3A_152] : memref<10240x16xf32, #tpu.memory_space<vmem_shared>> -> memref<10240x16xf32, #tpu.memory_space<vmem_shared>>
      tpu.wait_indirect_dma semaphore(%arg11 : memref<!tpu.dma_semaphore, #tpu.memory_space<semaphore_mem>>) src(%arg8 : memref<128x16xf32, #tpu.memory_space<vmem>>) dst(%dma_wait3A_153 : memref<10240x16xf32, #tpu.memory_space<vmem_shared>>)
      %mul3A_154 = arith.constant 8 : i32
      %mul3A_155 = arith.muli %scan3A_16, %mul3A_154 : i32
      %add3A_156 = arith.constant 6 : i32
      %add3A_157 = arith.addi %mul3A_155, %add3A_156 : i32
      %dma_wait3A_158 = arith.constant 0 : i32
      %dma_wait3A_159 = tpu.memref_slice %arg7[%add3A_157, %dma_wait3A_158] : memref<160x128xi32, #tpu.memory_space<vmem>> -> memref<1x128xi32, #tpu.memory_space<vmem>>
      %dma_wait3A_160 = tpu.memref_squeeze %dma_wait3A_159 : memref<1x128xi32, #tpu.memory_space<vmem>> -> memref<128xi32, #tpu.memory_space<vmem>>
      %dma_wait3A_161 = arith.constant 0 : i32
      %dma_wait3A_162 = arith.constant 0 : i32
      %dma_wait3A_163 = tpu.memref_slice %arg9[%dma_wait3A_161, %dma_wait3A_162] : memref<10240x16xf32, #tpu.memory_space<vmem_shared>> -> memref<10240x16xf32, #tpu.memory_space<vmem_shared>>
      tpu.wait_indirect_dma semaphore(%arg10 : memref<!tpu.dma_semaphore, #tpu.memory_space<semaphore_mem>>) src(%arg8 : memref<128x16xf32, #tpu.memory_space<vmem>>) dst(%dma_wait3A_163 : memref<10240x16xf32, #tpu.memory_space<vmem_shared>>)
      %mul3A_164 = arith.constant 8 : i32
      %mul3A_165 = arith.muli %scan3A_16, %mul3A_164 : i32
      %add3A_166 = arith.constant 7 : i32
      %add3A_167 = arith.addi %mul3A_165, %add3A_166 : i32
      %dma_wait3A_168 = arith.constant 0 : i32
      %dma_wait3A_169 = tpu.memref_slice %arg7[%add3A_167, %dma_wait3A_168] : memref<160x128xi32, #tpu.memory_space<vmem>> -> memref<1x128xi32, #tpu.memory_space<vmem>>
      %dma_wait3A_170 = tpu.memref_squeeze %dma_wait3A_169 : memref<1x128xi32, #tpu.memory_space<vmem>> -> memref<128xi32, #tpu.memory_space<vmem>>
      %dma_wait3A_171 = arith.constant 0 : i32
      %dma_wait3A_172 = arith.constant 0 : i32
      %dma_wait3A_173 = tpu.memref_slice %arg9[%dma_wait3A_171, %dma_wait3A_172] : memref<10240x16xf32, #tpu.memory_space<vmem_shared>> -> memref<10240x16xf32, #tpu.memory_space<vmem_shared>>
      tpu.wait_indirect_dma semaphore(%arg11 : memref<!tpu.dma_semaphore, #tpu.memory_space<semaphore_mem>>) src(%arg8 : memref<128x16xf32, #tpu.memory_space<vmem>>) dst(%dma_wait3A_173 : memref<10240x16xf32, #tpu.memory_space<vmem_shared>>)
    }
    %scan3A_12 = arith.constant 20 : i32
    %barrier3A_13 = arith.constant 0 : index
    tpu.barrier barrier_id(%barrier3A_13)
    %mul3A_14 = arith.constant 64 : i32
    %mul3A_15 = arith.muli %arg0, %mul3A_14 : i32
    "tpu.region"() ({
      %run_scoped3A = tpu.sem_alloc : memref<!tpu.dma_semaphore, #tpu.memory_space<semaphore_mem>>
      %dma_start3A = tpu.memref_slice %arg6[%mul3A_0, %mul3A_15] : memref<10240x128xf32, #tpu.memory_space<hbm>> -> memref<640x16xf32, #tpu.memory_space<hbm>>
      %dma_start3A_16 = arith.constant 0 : i32
      %dma_start3A_17 = tpu.memref_slice %arg9[%mul3A_0, %dma_start3A_16] : memref<10240x16xf32, #tpu.memory_space<vmem_shared>> -> memref<640x16xf32, #tpu.memory_space<vmem_shared>>
      tpu.enqueue_dma source(%dma_start3A_17 : memref<640x16xf32, #tpu.memory_space<vmem_shared>>) target(%dma_start3A : memref<640x16xf32, #tpu.memory_space<hbm>>) target_semaphore(%run_scoped3A : memref<!tpu.dma_semaphore, #tpu.memory_space<semaphore_mem>>)
      %dma_wait3A = tpu.memref_slice %arg6[%mul3A_0, %mul3A_15] : memref<10240x128xf32, #tpu.memory_space<hbm>> -> memref<640x16xf32, #tpu.memory_space<hbm>>
      %dma_wait3A_18 = arith.constant 0 : i32
      %dma_wait3A_19 = tpu.memref_slice %arg9[%mul3A_0, %dma_wait3A_18] : memref<10240x16xf32, #tpu.memory_space<vmem_shared>> -> memref<640x16xf32, #tpu.memory_space<vmem_shared>>
      tpu.wait_dma2 semaphore(%run_scoped3A : memref<!tpu.dma_semaphore, #tpu.memory_space<semaphore_mem>>) src(%dma_wait3A_19 : memref<640x16xf32, #tpu.memory_space<vmem_shared>>) dst(%dma_wait3A : memref<640x16xf32, #tpu.memory_space<hbm>>)
      tpu.yield
    }) : () -> ()
    return
  }
}

#map = affine_map<(d0, d1) -> (0, 0)>
module attributes {stable_mosaic.version = 14 : i64} {
  func.func @agg(%arg0: i32, %arg1: i32, %arg2: memref<20480x64xf32, #tpu.memory_space<hbm>>, %arg3: memref<2560x128xi32, #tpu.memory_space<hbm>>, %arg4: memref<2560x128xi32, #tpu.memory_space<hbm>>, %arg5: memref<2560x128xi32, #tpu.memory_space<hbm>>, %arg6: memref<10240x64xf32, #tpu.memory_space<hbm>>, %arg7: memref<10240x128xf32, #tpu.memory_space<hbm>>, %arg8: memref<160x128xi32, #tpu.memory_space<vmem>>, %arg9: memref<160x128xi32, #tpu.memory_space<vmem>>, %arg10: memref<128x64xf32, #tpu.memory_space<vmem>>, %arg11: memref<128x64xf32, #tpu.memory_space<vmem>>, %arg12: memref<128x64xf32, #tpu.memory_space<vmem>>, %arg13: memref<128x64xf32, #tpu.memory_space<vmem>>, %arg14: memref<10240x64xf32, #tpu.memory_space<vmem_shared>>, %arg15: memref<!tpu.dma_semaphore, #tpu.memory_space<semaphore_mem>>, %arg16: memref<!tpu.dma_semaphore, #tpu.memory_space<semaphore_mem>>, %arg17: memref<!tpu.dma_semaphore, #tpu.memory_space<semaphore_mem>>, %arg18: memref<!tpu.dma_semaphore, #tpu.memory_space<semaphore_mem>>, %arg19: memref<!tpu.dma_semaphore, #tpu.memory_space<semaphore_mem>>, %arg20: memref<!tpu.dma_semaphore, #tpu.memory_space<semaphore_mem>>, %arg21: memref<!tpu.dma_semaphore, #tpu.memory_space<semaphore_mem>>, %arg22: memref<!tpu.dma_semaphore, #tpu.memory_space<semaphore_mem>>) attributes {dimension_semantics = [#tpu.dimension_semantics<core_parallel>, #tpu.dimension_semantics<subcore_parallel>], iteration_bounds = array<i64: 2, 16>, scalar_prefetch = 0 : i64, scratch_operands = 15 : i64, tpu.core_type = #tpu.core_type<sc_vector_subcore>, window_params = [{transform_indices = #map}, {transform_indices = #map}, {transform_indices = #map}, {transform_indices = #map}, {transform_indices = #map}, {transform_indices = #map}]} {
    %mul3A = arith.constant 640 : i32
    %mul3A_0 = arith.muli %arg1, %mul3A : i32
    "tpu.region"() ({
      %run_scoped3A = tpu.sem_alloc : memref<!tpu.dma_semaphore, #tpu.memory_space<semaphore_mem>>
      %dma_start3A = arith.constant 0 : i32
      %dma_start3A_18 = tpu.memref_slice %arg14[%mul3A_0, %dma_start3A] : memref<10240x64xf32, #tpu.memory_space<vmem_shared>> -> memref<640x64xf32, #tpu.memory_space<vmem_shared>>
      %dma_start3A_19 = arith.constant 0 : i32
      %dma_start3A_20 = tpu.memref_slice %arg6[%mul3A_0, %dma_start3A_19] : memref<10240x64xf32, #tpu.memory_space<hbm>> -> memref<640x64xf32, #tpu.memory_space<hbm>>
      tpu.enqueue_dma source(%dma_start3A_20 : memref<640x64xf32, #tpu.memory_space<hbm>>) target(%dma_start3A_18 : memref<640x64xf32, #tpu.memory_space<vmem_shared>>) target_semaphore(%run_scoped3A : memref<!tpu.dma_semaphore, #tpu.memory_space<semaphore_mem>>)
      %dma_wait3A = arith.constant 0 : i32
      %dma_wait3A_21 = tpu.memref_slice %arg14[%mul3A_0, %dma_wait3A] : memref<10240x64xf32, #tpu.memory_space<vmem_shared>> -> memref<640x64xf32, #tpu.memory_space<vmem_shared>>
      %dma_wait3A_22 = arith.constant 0 : i32
      %dma_wait3A_23 = tpu.memref_slice %arg6[%mul3A_0, %dma_wait3A_22] : memref<10240x64xf32, #tpu.memory_space<hbm>> -> memref<640x64xf32, #tpu.memory_space<hbm>>
      tpu.wait_dma2 semaphore(%run_scoped3A : memref<!tpu.dma_semaphore, #tpu.memory_space<semaphore_mem>>) src(%dma_wait3A_23 : memref<640x64xf32, #tpu.memory_space<hbm>>) dst(%dma_wait3A_21 : memref<640x64xf32, #tpu.memory_space<vmem_shared>>)
      tpu.yield
    }) : () -> ()
    %eq3A = arith.constant 0 : i32
    %eq3A_1 = arith.cmpi eq, %arg0, %eq3A : i32
    %convert_element_type3A = arith.extui %eq3A_1 : i1 to i32
    %cond3A = arith.constant 0 : i32
    %cond3A_2 = arith.cmpi ne, %convert_element_type3A, %cond3A : i32
    scf.if %cond3A_2 {
      %mul3A_18 = arith.constant 160 : i32
      %mul3A_19 = arith.muli %arg1, %mul3A_18 : i32
      "tpu.region"() ({
        %run_scoped3A = tpu.sem_alloc : memref<!tpu.dma_semaphore, #tpu.memory_space<semaphore_mem>>
        %dma_start3A = arith.constant 0 : i32
        %dma_start3A_20 = tpu.memref_slice %arg3[%mul3A_19, %dma_start3A] : memref<2560x128xi32, #tpu.memory_space<hbm>> -> memref<160x128xi32, #tpu.memory_space<hbm>>
        %dma_start3A_21 = arith.constant 0 : i32
        %dma_start3A_22 = tpu.memref_slice %arg3[%mul3A_19, %dma_start3A_21] : memref<2560x128xi32, #tpu.memory_space<hbm>> -> memref<160x128xi32, #tpu.memory_space<hbm>>
        tpu.enqueue_dma source(%dma_start3A_22 : memref<160x128xi32, #tpu.memory_space<hbm>>) target(%arg8 : memref<160x128xi32, #tpu.memory_space<vmem>>) target_semaphore(%run_scoped3A : memref<!tpu.dma_semaphore, #tpu.memory_space<semaphore_mem>>)
        %dma_wait3A = arith.constant 0 : i32
        %dma_wait3A_23 = tpu.memref_slice %arg3[%mul3A_19, %dma_wait3A] : memref<2560x128xi32, #tpu.memory_space<hbm>> -> memref<160x128xi32, #tpu.memory_space<hbm>>
        %dma_wait3A_24 = arith.constant 0 : i32
        %dma_wait3A_25 = tpu.memref_slice %arg3[%mul3A_19, %dma_wait3A_24] : memref<2560x128xi32, #tpu.memory_space<hbm>> -> memref<160x128xi32, #tpu.memory_space<hbm>>
        tpu.wait_dma2 semaphore(%run_scoped3A : memref<!tpu.dma_semaphore, #tpu.memory_space<semaphore_mem>>) src(%dma_wait3A_25 : memref<160x128xi32, #tpu.memory_space<hbm>>) dst(%arg8 : memref<160x128xi32, #tpu.memory_space<vmem>>)
        tpu.yield
      }) : () -> ()
    } else {
    }
    %eq3A_3 = arith.constant 1 : i32
    %eq3A_4 = arith.cmpi eq, %arg0, %eq3A_3 : i32
    %convert_element_type3A_5 = arith.extui %eq3A_4 : i1 to i32
    %cond3A_6 = arith.constant 0 : i32
    %cond3A_7 = arith.cmpi ne, %convert_element_type3A_5, %cond3A_6 : i32
    scf.if %cond3A_7 {
      %mul3A_18 = arith.constant 160 : i32
      %mul3A_19 = arith.muli %arg1, %mul3A_18 : i32
      "tpu.region"() ({
        %run_scoped3A = tpu.sem_alloc : memref<!tpu.dma_semaphore, #tpu.memory_space<semaphore_mem>>
        %dma_start3A = arith.constant 0 : i32
        %dma_start3A_20 = tpu.memref_slice %arg4[%mul3A_19, %dma_start3A] : memref<2560x128xi32, #tpu.memory_space<hbm>> -> memref<160x128xi32, #tpu.memory_space<hbm>>
        %dma_start3A_21 = arith.constant 0 : i32
        %dma_start3A_22 = tpu.memref_slice %arg4[%mul3A_19, %dma_start3A_21] : memref<2560x128xi32, #tpu.memory_space<hbm>> -> memref<160x128xi32, #tpu.memory_space<hbm>>
        tpu.enqueue_dma source(%dma_start3A_22 : memref<160x128xi32, #tpu.memory_space<hbm>>) target(%arg8 : memref<160x128xi32, #tpu.memory_space<vmem>>) target_semaphore(%run_scoped3A : memref<!tpu.dma_semaphore, #tpu.memory_space<semaphore_mem>>)
        %dma_wait3A = arith.constant 0 : i32
        %dma_wait3A_23 = tpu.memref_slice %arg4[%mul3A_19, %dma_wait3A] : memref<2560x128xi32, #tpu.memory_space<hbm>> -> memref<160x128xi32, #tpu.memory_space<hbm>>
        %dma_wait3A_24 = arith.constant 0 : i32
        %dma_wait3A_25 = tpu.memref_slice %arg4[%mul3A_19, %dma_wait3A_24] : memref<2560x128xi32, #tpu.memory_space<hbm>> -> memref<160x128xi32, #tpu.memory_space<hbm>>
        tpu.wait_dma2 semaphore(%run_scoped3A : memref<!tpu.dma_semaphore, #tpu.memory_space<semaphore_mem>>) src(%dma_wait3A_25 : memref<160x128xi32, #tpu.memory_space<hbm>>) dst(%arg8 : memref<160x128xi32, #tpu.memory_space<vmem>>)
        tpu.yield
      }) : () -> ()
    } else {
    }
    %mul3A_8 = arith.constant 160 : i32
    %mul3A_9 = arith.muli %arg1, %mul3A_8 : i32
    "tpu.region"() ({
      %run_scoped3A = tpu.sem_alloc : memref<!tpu.dma_semaphore, #tpu.memory_space<semaphore_mem>>
      %dma_start3A = arith.constant 0 : i32
      %dma_start3A_18 = tpu.memref_slice %arg5[%mul3A_9, %dma_start3A] : memref<2560x128xi32, #tpu.memory_space<hbm>> -> memref<160x128xi32, #tpu.memory_space<hbm>>
      %dma_start3A_19 = arith.constant 0 : i32
      %dma_start3A_20 = tpu.memref_slice %arg5[%mul3A_9, %dma_start3A_19] : memref<2560x128xi32, #tpu.memory_space<hbm>> -> memref<160x128xi32, #tpu.memory_space<hbm>>
      tpu.enqueue_dma source(%dma_start3A_20 : memref<160x128xi32, #tpu.memory_space<hbm>>) target(%arg9 : memref<160x128xi32, #tpu.memory_space<vmem>>) target_semaphore(%run_scoped3A : memref<!tpu.dma_semaphore, #tpu.memory_space<semaphore_mem>>)
      %dma_wait3A = arith.constant 0 : i32
      %dma_wait3A_21 = tpu.memref_slice %arg5[%mul3A_9, %dma_wait3A] : memref<2560x128xi32, #tpu.memory_space<hbm>> -> memref<160x128xi32, #tpu.memory_space<hbm>>
      %dma_wait3A_22 = arith.constant 0 : i32
      %dma_wait3A_23 = tpu.memref_slice %arg5[%mul3A_9, %dma_wait3A_22] : memref<2560x128xi32, #tpu.memory_space<hbm>> -> memref<160x128xi32, #tpu.memory_space<hbm>>
      tpu.wait_dma2 semaphore(%run_scoped3A : memref<!tpu.dma_semaphore, #tpu.memory_space<semaphore_mem>>) src(%dma_wait3A_23 : memref<160x128xi32, #tpu.memory_space<hbm>>) dst(%arg9 : memref<160x128xi32, #tpu.memory_space<vmem>>)
      tpu.yield
    }) : () -> ()
    %barrier3A = arith.constant 0 : index
    tpu.barrier barrier_id(%barrier3A)
    %scan3A = arith.constant 0 : i32
    %scan3A_10 = arith.constant 0 : i32
    %scan3A_11 = arith.constant 20 : i32
    %scan3A_12 = arith.addi %scan3A_10, %scan3A_11 : i32
    %scan3A_13 = arith.constant 1 : i32
    scf.for %scan3A_18 = %scan3A_10 to %scan3A_12 step %scan3A_13  : i32 {
      %mul3A_19 = arith.constant 2 : i32
      %mul3A_20 = arith.muli %scan3A_18, %mul3A_19 : i32
      %mul3A_21 = arith.constant 4 : i32
      %mul3A_22 = arith.muli %mul3A_20, %mul3A_21 : i32
      %add3A = arith.constant 4 : i32
      %add3A_23 = arith.addi %mul3A_22, %add3A : i32
      %add3A_24 = arith.constant 0 : i32
      %add3A_25 = arith.addi %mul3A_22, %add3A_24 : i32
      %dma_start3A = arith.constant 0 : i32
      %dma_start3A_26 = tpu.memref_slice %arg8[%add3A_25, %dma_start3A] : memref<160x128xi32, #tpu.memory_space<vmem>> -> memref<1x128xi32, #tpu.memory_space<vmem>>
      %dma_start3A_27 = tpu.memref_squeeze %dma_start3A_26 : memref<1x128xi32, #tpu.memory_space<vmem>> -> memref<128xi32, #tpu.memory_space<vmem>>
      %dma_start3A_28 = arith.constant 0 : i32
      %dma_start3A_29 = arith.constant 0 : i32
      %dma_start3A_30 = tpu.memref_slice %arg2[%dma_start3A_28, %dma_start3A_29] : memref<20480x64xf32, #tpu.memory_space<hbm>> -> memref<20480x64xf32, #tpu.memory_space<hbm>>
      tpu.enqueue_indirect_dma source(%dma_start3A_30 : memref<20480x64xf32, #tpu.memory_space<hbm>>) target(%arg10 : memref<128x64xf32, #tpu.memory_space<vmem>>) offsets(%dma_start3A_27 : memref<128xi32, #tpu.memory_space<vmem>>) semaphore(%arg15 : memref<!tpu.dma_semaphore, #tpu.memory_space<semaphore_mem>>)
      %add3A_31 = arith.constant 1 : i32
      %add3A_32 = arith.addi %mul3A_22, %add3A_31 : i32
      %dma_start3A_33 = arith.constant 0 : i32
      %dma_start3A_34 = tpu.memref_slice %arg8[%add3A_32, %dma_start3A_33] : memref<160x128xi32, #tpu.memory_space<vmem>> -> memref<1x128xi32, #tpu.memory_space<vmem>>
      %dma_start3A_35 = tpu.memref_squeeze %dma_start3A_34 : memref<1x128xi32, #tpu.memory_space<vmem>> -> memref<128xi32, #tpu.memory_space<vmem>>
      %dma_start3A_36 = arith.constant 0 : i32
      %dma_start3A_37 = arith.constant 0 : i32
      %dma_start3A_38 = tpu.memref_slice %arg2[%dma_start3A_36, %dma_start3A_37] : memref<20480x64xf32, #tpu.memory_space<hbm>> -> memref<20480x64xf32, #tpu.memory_space<hbm>>
      tpu.enqueue_indirect_dma source(%dma_start3A_38 : memref<20480x64xf32, #tpu.memory_space<hbm>>) target(%arg11 : memref<128x64xf32, #tpu.memory_space<vmem>>) offsets(%dma_start3A_35 : memref<128xi32, #tpu.memory_space<vmem>>) semaphore(%arg16 : memref<!tpu.dma_semaphore, #tpu.memory_space<semaphore_mem>>)
      %add3A_39 = arith.constant 2 : i32
      %add3A_40 = arith.addi %mul3A_22, %add3A_39 : i32
      %dma_start3A_41 = arith.constant 0 : i32
      %dma_start3A_42 = tpu.memref_slice %arg8[%add3A_40, %dma_start3A_41] : memref<160x128xi32, #tpu.memory_space<vmem>> -> memref<1x128xi32, #tpu.memory_space<vmem>>
      %dma_start3A_43 = tpu.memref_squeeze %dma_start3A_42 : memref<1x128xi32, #tpu.memory_space<vmem>> -> memref<128xi32, #tpu.memory_space<vmem>>
      %dma_start3A_44 = arith.constant 0 : i32
      %dma_start3A_45 = arith.constant 0 : i32
      %dma_start3A_46 = tpu.memref_slice %arg2[%dma_start3A_44, %dma_start3A_45] : memref<20480x64xf32, #tpu.memory_space<hbm>> -> memref<20480x64xf32, #tpu.memory_space<hbm>>
      tpu.enqueue_indirect_dma source(%dma_start3A_46 : memref<20480x64xf32, #tpu.memory_space<hbm>>) target(%arg12 : memref<128x64xf32, #tpu.memory_space<vmem>>) offsets(%dma_start3A_43 : memref<128xi32, #tpu.memory_space<vmem>>) semaphore(%arg17 : memref<!tpu.dma_semaphore, #tpu.memory_space<semaphore_mem>>)
      %add3A_47 = arith.constant 3 : i32
      %add3A_48 = arith.addi %mul3A_22, %add3A_47 : i32
      %dma_start3A_49 = arith.constant 0 : i32
      %dma_start3A_50 = tpu.memref_slice %arg8[%add3A_48, %dma_start3A_49] : memref<160x128xi32, #tpu.memory_space<vmem>> -> memref<1x128xi32, #tpu.memory_space<vmem>>
      %dma_start3A_51 = tpu.memref_squeeze %dma_start3A_50 : memref<1x128xi32, #tpu.memory_space<vmem>> -> memref<128xi32, #tpu.memory_space<vmem>>
      %dma_start3A_52 = arith.constant 0 : i32
      %dma_start3A_53 = arith.constant 0 : i32
      %dma_start3A_54 = tpu.memref_slice %arg2[%dma_start3A_52, %dma_start3A_53] : memref<20480x64xf32, #tpu.memory_space<hbm>> -> memref<20480x64xf32, #tpu.memory_space<hbm>>
      tpu.enqueue_indirect_dma source(%dma_start3A_54 : memref<20480x64xf32, #tpu.memory_space<hbm>>) target(%arg13 : memref<128x64xf32, #tpu.memory_space<vmem>>) offsets(%dma_start3A_51 : memref<128xi32, #tpu.memory_space<vmem>>) semaphore(%arg18 : memref<!tpu.dma_semaphore, #tpu.memory_space<semaphore_mem>>)
      %add3A_55 = arith.constant 0 : i32
      %add3A_56 = arith.addi %mul3A_22, %add3A_55 : i32
      %dma_wait3A = arith.constant 0 : i32
      %dma_wait3A_57 = tpu.memref_slice %arg8[%add3A_56, %dma_wait3A] : memref<160x128xi32, #tpu.memory_space<vmem>> -> memref<1x128xi32, #tpu.memory_space<vmem>>
      %dma_wait3A_58 = tpu.memref_squeeze %dma_wait3A_57 : memref<1x128xi32, #tpu.memory_space<vmem>> -> memref<128xi32, #tpu.memory_space<vmem>>
      %dma_wait3A_59 = arith.constant 0 : i32
      %dma_wait3A_60 = arith.constant 0 : i32
      %dma_wait3A_61 = tpu.memref_slice %arg2[%dma_wait3A_59, %dma_wait3A_60] : memref<20480x64xf32, #tpu.memory_space<hbm>> -> memref<20480x64xf32, #tpu.memory_space<hbm>>
      tpu.wait_indirect_dma semaphore(%arg15 : memref<!tpu.dma_semaphore, #tpu.memory_space<semaphore_mem>>) src(%dma_wait3A_61 : memref<20480x64xf32, #tpu.memory_space<hbm>>) dst(%arg10 : memref<128x64xf32, #tpu.memory_space<vmem>>)
      %dma_start3A_62 = arith.constant 0 : i32
      %dma_start3A_63 = tpu.memref_slice %arg9[%add3A_56, %dma_start3A_62] : memref<160x128xi32, #tpu.memory_space<vmem>> -> memref<1x128xi32, #tpu.memory_space<vmem>>
      %dma_start3A_64 = tpu.memref_squeeze %dma_start3A_63 : memref<1x128xi32, #tpu.memory_space<vmem>> -> memref<128xi32, #tpu.memory_space<vmem>>
      %dma_start3A_65 = arith.constant 0 : i32
      %dma_start3A_66 = arith.constant 0 : i32
      %dma_start3A_67 = tpu.memref_slice %arg14[%dma_start3A_65, %dma_start3A_66] : memref<10240x64xf32, #tpu.memory_space<vmem_shared>> -> memref<10240x64xf32, #tpu.memory_space<vmem_shared>>
      tpu.enqueue_indirect_dma source(%arg10 : memref<128x64xf32, #tpu.memory_space<vmem>>) target(%dma_start3A_67 : memref<10240x64xf32, #tpu.memory_space<vmem_shared>>) offsets(%dma_start3A_64 : memref<128xi32, #tpu.memory_space<vmem>>) semaphore(%arg19 : memref<!tpu.dma_semaphore, #tpu.memory_space<semaphore_mem>>) {add = true}
      %add3A_68 = arith.constant 1 : i32
      %add3A_69 = arith.addi %mul3A_22, %add3A_68 : i32
      %dma_wait3A_70 = arith.constant 0 : i32
      %dma_wait3A_71 = tpu.memref_slice %arg8[%add3A_69, %dma_wait3A_70] : memref<160x128xi32, #tpu.memory_space<vmem>> -> memref<1x128xi32, #tpu.memory_space<vmem>>
      %dma_wait3A_72 = tpu.memref_squeeze %dma_wait3A_71 : memref<1x128xi32, #tpu.memory_space<vmem>> -> memref<128xi32, #tpu.memory_space<vmem>>
      %dma_wait3A_73 = arith.constant 0 : i32
      %dma_wait3A_74 = arith.constant 0 : i32
      %dma_wait3A_75 = tpu.memref_slice %arg2[%dma_wait3A_73, %dma_wait3A_74] : memref<20480x64xf32, #tpu.memory_space<hbm>> -> memref<20480x64xf32, #tpu.memory_space<hbm>>
      tpu.wait_indirect_dma semaphore(%arg16 : memref<!tpu.dma_semaphore, #tpu.memory_space<semaphore_mem>>) src(%dma_wait3A_75 : memref<20480x64xf32, #tpu.memory_space<hbm>>) dst(%arg11 : memref<128x64xf32, #tpu.memory_space<vmem>>)
      %dma_start3A_76 = arith.constant 0 : i32
      %dma_start3A_77 = tpu.memref_slice %arg9[%add3A_69, %dma_start3A_76] : memref<160x128xi32, #tpu.memory_space<vmem>> -> memref<1x128xi32, #tpu.memory_space<vmem>>
      %dma_start3A_78 = tpu.memref_squeeze %dma_start3A_77 : memref<1x128xi32, #tpu.memory_space<vmem>> -> memref<128xi32, #tpu.memory_space<vmem>>
      %dma_start3A_79 = arith.constant 0 : i32
      %dma_start3A_80 = arith.constant 0 : i32
      %dma_start3A_81 = tpu.memref_slice %arg14[%dma_start3A_79, %dma_start3A_80] : memref<10240x64xf32, #tpu.memory_space<vmem_shared>> -> memref<10240x64xf32, #tpu.memory_space<vmem_shared>>
      tpu.enqueue_indirect_dma source(%arg11 : memref<128x64xf32, #tpu.memory_space<vmem>>) target(%dma_start3A_81 : memref<10240x64xf32, #tpu.memory_space<vmem_shared>>) offsets(%dma_start3A_78 : memref<128xi32, #tpu.memory_space<vmem>>) semaphore(%arg20 : memref<!tpu.dma_semaphore, #tpu.memory_space<semaphore_mem>>) {add = true}
      %add3A_82 = arith.constant 2 : i32
      %add3A_83 = arith.addi %mul3A_22, %add3A_82 : i32
      %dma_wait3A_84 = arith.constant 0 : i32
      %dma_wait3A_85 = tpu.memref_slice %arg8[%add3A_83, %dma_wait3A_84] : memref<160x128xi32, #tpu.memory_space<vmem>> -> memref<1x128xi32, #tpu.memory_space<vmem>>
      %dma_wait3A_86 = tpu.memref_squeeze %dma_wait3A_85 : memref<1x128xi32, #tpu.memory_space<vmem>> -> memref<128xi32, #tpu.memory_space<vmem>>
      %dma_wait3A_87 = arith.constant 0 : i32
      %dma_wait3A_88 = arith.constant 0 : i32
      %dma_wait3A_89 = tpu.memref_slice %arg2[%dma_wait3A_87, %dma_wait3A_88] : memref<20480x64xf32, #tpu.memory_space<hbm>> -> memref<20480x64xf32, #tpu.memory_space<hbm>>
      tpu.wait_indirect_dma semaphore(%arg17 : memref<!tpu.dma_semaphore, #tpu.memory_space<semaphore_mem>>) src(%dma_wait3A_89 : memref<20480x64xf32, #tpu.memory_space<hbm>>) dst(%arg12 : memref<128x64xf32, #tpu.memory_space<vmem>>)
      %dma_start3A_90 = arith.constant 0 : i32
      %dma_start3A_91 = tpu.memref_slice %arg9[%add3A_83, %dma_start3A_90] : memref<160x128xi32, #tpu.memory_space<vmem>> -> memref<1x128xi32, #tpu.memory_space<vmem>>
      %dma_start3A_92 = tpu.memref_squeeze %dma_start3A_91 : memref<1x128xi32, #tpu.memory_space<vmem>> -> memref<128xi32, #tpu.memory_space<vmem>>
      %dma_start3A_93 = arith.constant 0 : i32
      %dma_start3A_94 = arith.constant 0 : i32
      %dma_start3A_95 = tpu.memref_slice %arg14[%dma_start3A_93, %dma_start3A_94] : memref<10240x64xf32, #tpu.memory_space<vmem_shared>> -> memref<10240x64xf32, #tpu.memory_space<vmem_shared>>
      tpu.enqueue_indirect_dma source(%arg12 : memref<128x64xf32, #tpu.memory_space<vmem>>) target(%dma_start3A_95 : memref<10240x64xf32, #tpu.memory_space<vmem_shared>>) offsets(%dma_start3A_92 : memref<128xi32, #tpu.memory_space<vmem>>) semaphore(%arg21 : memref<!tpu.dma_semaphore, #tpu.memory_space<semaphore_mem>>) {add = true}
      %add3A_96 = arith.constant 3 : i32
      %add3A_97 = arith.addi %mul3A_22, %add3A_96 : i32
      %dma_wait3A_98 = arith.constant 0 : i32
      %dma_wait3A_99 = tpu.memref_slice %arg8[%add3A_97, %dma_wait3A_98] : memref<160x128xi32, #tpu.memory_space<vmem>> -> memref<1x128xi32, #tpu.memory_space<vmem>>
      %dma_wait3A_100 = tpu.memref_squeeze %dma_wait3A_99 : memref<1x128xi32, #tpu.memory_space<vmem>> -> memref<128xi32, #tpu.memory_space<vmem>>
      %dma_wait3A_101 = arith.constant 0 : i32
      %dma_wait3A_102 = arith.constant 0 : i32
      %dma_wait3A_103 = tpu.memref_slice %arg2[%dma_wait3A_101, %dma_wait3A_102] : memref<20480x64xf32, #tpu.memory_space<hbm>> -> memref<20480x64xf32, #tpu.memory_space<hbm>>
      tpu.wait_indirect_dma semaphore(%arg18 : memref<!tpu.dma_semaphore, #tpu.memory_space<semaphore_mem>>) src(%dma_wait3A_103 : memref<20480x64xf32, #tpu.memory_space<hbm>>) dst(%arg13 : memref<128x64xf32, #tpu.memory_space<vmem>>)
      %dma_start3A_104 = arith.constant 0 : i32
      %dma_start3A_105 = tpu.memref_slice %arg9[%add3A_97, %dma_start3A_104] : memref<160x128xi32, #tpu.memory_space<vmem>> -> memref<1x128xi32, #tpu.memory_space<vmem>>
      %dma_start3A_106 = tpu.memref_squeeze %dma_start3A_105 : memref<1x128xi32, #tpu.memory_space<vmem>> -> memref<128xi32, #tpu.memory_space<vmem>>
      %dma_start3A_107 = arith.constant 0 : i32
      %dma_start3A_108 = arith.constant 0 : i32
      %dma_start3A_109 = tpu.memref_slice %arg14[%dma_start3A_107, %dma_start3A_108] : memref<10240x64xf32, #tpu.memory_space<vmem_shared>> -> memref<10240x64xf32, #tpu.memory_space<vmem_shared>>
      tpu.enqueue_indirect_dma source(%arg13 : memref<128x64xf32, #tpu.memory_space<vmem>>) target(%dma_start3A_109 : memref<10240x64xf32, #tpu.memory_space<vmem_shared>>) offsets(%dma_start3A_106 : memref<128xi32, #tpu.memory_space<vmem>>) semaphore(%arg22 : memref<!tpu.dma_semaphore, #tpu.memory_space<semaphore_mem>>) {add = true}
      %add3A_110 = arith.constant 0 : i32
      %add3A_111 = arith.addi %mul3A_22, %add3A_110 : i32
      %dma_wait3A_112 = arith.constant 0 : i32
      %dma_wait3A_113 = tpu.memref_slice %arg9[%add3A_111, %dma_wait3A_112] : memref<160x128xi32, #tpu.memory_space<vmem>> -> memref<1x128xi32, #tpu.memory_space<vmem>>
      %dma_wait3A_114 = tpu.memref_squeeze %dma_wait3A_113 : memref<1x128xi32, #tpu.memory_space<vmem>> -> memref<128xi32, #tpu.memory_space<vmem>>
      %dma_wait3A_115 = arith.constant 0 : i32
      %dma_wait3A_116 = arith.constant 0 : i32
      %dma_wait3A_117 = tpu.memref_slice %arg14[%dma_wait3A_115, %dma_wait3A_116] : memref<10240x64xf32, #tpu.memory_space<vmem_shared>> -> memref<10240x64xf32, #tpu.memory_space<vmem_shared>>
      tpu.wait_indirect_dma semaphore(%arg19 : memref<!tpu.dma_semaphore, #tpu.memory_space<semaphore_mem>>) src(%arg10 : memref<128x64xf32, #tpu.memory_space<vmem>>) dst(%dma_wait3A_117 : memref<10240x64xf32, #tpu.memory_space<vmem_shared>>)
      %add3A_118 = arith.constant 0 : i32
      %add3A_119 = arith.addi %add3A_23, %add3A_118 : i32
      %dma_start3A_120 = arith.constant 0 : i32
      %dma_start3A_121 = tpu.memref_slice %arg8[%add3A_119, %dma_start3A_120] : memref<160x128xi32, #tpu.memory_space<vmem>> -> memref<1x128xi32, #tpu.memory_space<vmem>>
      %dma_start3A_122 = tpu.memref_squeeze %dma_start3A_121 : memref<1x128xi32, #tpu.memory_space<vmem>> -> memref<128xi32, #tpu.memory_space<vmem>>
      %dma_start3A_123 = arith.constant 0 : i32
      %dma_start3A_124 = arith.constant 0 : i32
      %dma_start3A_125 = tpu.memref_slice %arg2[%dma_start3A_123, %dma_start3A_124] : memref<20480x64xf32, #tpu.memory_space<hbm>> -> memref<20480x64xf32, #tpu.memory_space<hbm>>
      tpu.enqueue_indirect_dma source(%dma_start3A_125 : memref<20480x64xf32, #tpu.memory_space<hbm>>) target(%arg10 : memref<128x64xf32, #tpu.memory_space<vmem>>) offsets(%dma_start3A_122 : memref<128xi32, #tpu.memory_space<vmem>>) semaphore(%arg15 : memref<!tpu.dma_semaphore, #tpu.memory_space<semaphore_mem>>)
      %add3A_126 = arith.constant 1 : i32
      %add3A_127 = arith.addi %mul3A_22, %add3A_126 : i32
      %dma_wait3A_128 = arith.constant 0 : i32
      %dma_wait3A_129 = tpu.memref_slice %arg9[%add3A_127, %dma_wait3A_128] : memref<160x128xi32, #tpu.memory_space<vmem>> -> memref<1x128xi32, #tpu.memory_space<vmem>>
      %dma_wait3A_130 = tpu.memref_squeeze %dma_wait3A_129 : memref<1x128xi32, #tpu.memory_space<vmem>> -> memref<128xi32, #tpu.memory_space<vmem>>
      %dma_wait3A_131 = arith.constant 0 : i32
      %dma_wait3A_132 = arith.constant 0 : i32
      %dma_wait3A_133 = tpu.memref_slice %arg14[%dma_wait3A_131, %dma_wait3A_132] : memref<10240x64xf32, #tpu.memory_space<vmem_shared>> -> memref<10240x64xf32, #tpu.memory_space<vmem_shared>>
      tpu.wait_indirect_dma semaphore(%arg20 : memref<!tpu.dma_semaphore, #tpu.memory_space<semaphore_mem>>) src(%arg11 : memref<128x64xf32, #tpu.memory_space<vmem>>) dst(%dma_wait3A_133 : memref<10240x64xf32, #tpu.memory_space<vmem_shared>>)
      %add3A_134 = arith.constant 1 : i32
      %add3A_135 = arith.addi %add3A_23, %add3A_134 : i32
      %dma_start3A_136 = arith.constant 0 : i32
      %dma_start3A_137 = tpu.memref_slice %arg8[%add3A_135, %dma_start3A_136] : memref<160x128xi32, #tpu.memory_space<vmem>> -> memref<1x128xi32, #tpu.memory_space<vmem>>
      %dma_start3A_138 = tpu.memref_squeeze %dma_start3A_137 : memref<1x128xi32, #tpu.memory_space<vmem>> -> memref<128xi32, #tpu.memory_space<vmem>>
      %dma_start3A_139 = arith.constant 0 : i32
      %dma_start3A_140 = arith.constant 0 : i32
      %dma_start3A_141 = tpu.memref_slice %arg2[%dma_start3A_139, %dma_start3A_140] : memref<20480x64xf32, #tpu.memory_space<hbm>> -> memref<20480x64xf32, #tpu.memory_space<hbm>>
      tpu.enqueue_indirect_dma source(%dma_start3A_141 : memref<20480x64xf32, #tpu.memory_space<hbm>>) target(%arg11 : memref<128x64xf32, #tpu.memory_space<vmem>>) offsets(%dma_start3A_138 : memref<128xi32, #tpu.memory_space<vmem>>) semaphore(%arg16 : memref<!tpu.dma_semaphore, #tpu.memory_space<semaphore_mem>>)
      %add3A_142 = arith.constant 2 : i32
      %add3A_143 = arith.addi %mul3A_22, %add3A_142 : i32
      %dma_wait3A_144 = arith.constant 0 : i32
      %dma_wait3A_145 = tpu.memref_slice %arg9[%add3A_143, %dma_wait3A_144] : memref<160x128xi32, #tpu.memory_space<vmem>> -> memref<1x128xi32, #tpu.memory_space<vmem>>
      %dma_wait3A_146 = tpu.memref_squeeze %dma_wait3A_145 : memref<1x128xi32, #tpu.memory_space<vmem>> -> memref<128xi32, #tpu.memory_space<vmem>>
      %dma_wait3A_147 = arith.constant 0 : i32
      %dma_wait3A_148 = arith.constant 0 : i32
      %dma_wait3A_149 = tpu.memref_slice %arg14[%dma_wait3A_147, %dma_wait3A_148] : memref<10240x64xf32, #tpu.memory_space<vmem_shared>> -> memref<10240x64xf32, #tpu.memory_space<vmem_shared>>
      tpu.wait_indirect_dma semaphore(%arg21 : memref<!tpu.dma_semaphore, #tpu.memory_space<semaphore_mem>>) src(%arg12 : memref<128x64xf32, #tpu.memory_space<vmem>>) dst(%dma_wait3A_149 : memref<10240x64xf32, #tpu.memory_space<vmem_shared>>)
      %add3A_150 = arith.constant 2 : i32
      %add3A_151 = arith.addi %add3A_23, %add3A_150 : i32
      %dma_start3A_152 = arith.constant 0 : i32
      %dma_start3A_153 = tpu.memref_slice %arg8[%add3A_151, %dma_start3A_152] : memref<160x128xi32, #tpu.memory_space<vmem>> -> memref<1x128xi32, #tpu.memory_space<vmem>>
      %dma_start3A_154 = tpu.memref_squeeze %dma_start3A_153 : memref<1x128xi32, #tpu.memory_space<vmem>> -> memref<128xi32, #tpu.memory_space<vmem>>
      %dma_start3A_155 = arith.constant 0 : i32
      %dma_start3A_156 = arith.constant 0 : i32
      %dma_start3A_157 = tpu.memref_slice %arg2[%dma_start3A_155, %dma_start3A_156] : memref<20480x64xf32, #tpu.memory_space<hbm>> -> memref<20480x64xf32, #tpu.memory_space<hbm>>
      tpu.enqueue_indirect_dma source(%dma_start3A_157 : memref<20480x64xf32, #tpu.memory_space<hbm>>) target(%arg12 : memref<128x64xf32, #tpu.memory_space<vmem>>) offsets(%dma_start3A_154 : memref<128xi32, #tpu.memory_space<vmem>>) semaphore(%arg17 : memref<!tpu.dma_semaphore, #tpu.memory_space<semaphore_mem>>)
      %add3A_158 = arith.constant 3 : i32
      %add3A_159 = arith.addi %mul3A_22, %add3A_158 : i32
      %dma_wait3A_160 = arith.constant 0 : i32
      %dma_wait3A_161 = tpu.memref_slice %arg9[%add3A_159, %dma_wait3A_160] : memref<160x128xi32, #tpu.memory_space<vmem>> -> memref<1x128xi32, #tpu.memory_space<vmem>>
      %dma_wait3A_162 = tpu.memref_squeeze %dma_wait3A_161 : memref<1x128xi32, #tpu.memory_space<vmem>> -> memref<128xi32, #tpu.memory_space<vmem>>
      %dma_wait3A_163 = arith.constant 0 : i32
      %dma_wait3A_164 = arith.constant 0 : i32
      %dma_wait3A_165 = tpu.memref_slice %arg14[%dma_wait3A_163, %dma_wait3A_164] : memref<10240x64xf32, #tpu.memory_space<vmem_shared>> -> memref<10240x64xf32, #tpu.memory_space<vmem_shared>>
      tpu.wait_indirect_dma semaphore(%arg22 : memref<!tpu.dma_semaphore, #tpu.memory_space<semaphore_mem>>) src(%arg13 : memref<128x64xf32, #tpu.memory_space<vmem>>) dst(%dma_wait3A_165 : memref<10240x64xf32, #tpu.memory_space<vmem_shared>>)
      %add3A_166 = arith.constant 3 : i32
      %add3A_167 = arith.addi %add3A_23, %add3A_166 : i32
      %dma_start3A_168 = arith.constant 0 : i32
      %dma_start3A_169 = tpu.memref_slice %arg8[%add3A_167, %dma_start3A_168] : memref<160x128xi32, #tpu.memory_space<vmem>> -> memref<1x128xi32, #tpu.memory_space<vmem>>
      %dma_start3A_170 = tpu.memref_squeeze %dma_start3A_169 : memref<1x128xi32, #tpu.memory_space<vmem>> -> memref<128xi32, #tpu.memory_space<vmem>>
      %dma_start3A_171 = arith.constant 0 : i32
      %dma_start3A_172 = arith.constant 0 : i32
      %dma_start3A_173 = tpu.memref_slice %arg2[%dma_start3A_171, %dma_start3A_172] : memref<20480x64xf32, #tpu.memory_space<hbm>> -> memref<20480x64xf32, #tpu.memory_space<hbm>>
      tpu.enqueue_indirect_dma source(%dma_start3A_173 : memref<20480x64xf32, #tpu.memory_space<hbm>>) target(%arg13 : memref<128x64xf32, #tpu.memory_space<vmem>>) offsets(%dma_start3A_170 : memref<128xi32, #tpu.memory_space<vmem>>) semaphore(%arg18 : memref<!tpu.dma_semaphore, #tpu.memory_space<semaphore_mem>>)
      %add3A_174 = arith.constant 0 : i32
      %add3A_175 = arith.addi %add3A_23, %add3A_174 : i32
      %dma_wait3A_176 = arith.constant 0 : i32
      %dma_wait3A_177 = tpu.memref_slice %arg8[%add3A_175, %dma_wait3A_176] : memref<160x128xi32, #tpu.memory_space<vmem>> -> memref<1x128xi32, #tpu.memory_space<vmem>>
      %dma_wait3A_178 = tpu.memref_squeeze %dma_wait3A_177 : memref<1x128xi32, #tpu.memory_space<vmem>> -> memref<128xi32, #tpu.memory_space<vmem>>
      %dma_wait3A_179 = arith.constant 0 : i32
      %dma_wait3A_180 = arith.constant 0 : i32
      %dma_wait3A_181 = tpu.memref_slice %arg2[%dma_wait3A_179, %dma_wait3A_180] : memref<20480x64xf32, #tpu.memory_space<hbm>> -> memref<20480x64xf32, #tpu.memory_space<hbm>>
      tpu.wait_indirect_dma semaphore(%arg15 : memref<!tpu.dma_semaphore, #tpu.memory_space<semaphore_mem>>) src(%dma_wait3A_181 : memref<20480x64xf32, #tpu.memory_space<hbm>>) dst(%arg10 : memref<128x64xf32, #tpu.memory_space<vmem>>)
      %dma_start3A_182 = arith.constant 0 : i32
      %dma_start3A_183 = tpu.memref_slice %arg9[%add3A_175, %dma_start3A_182] : memref<160x128xi32, #tpu.memory_space<vmem>> -> memref<1x128xi32, #tpu.memory_space<vmem>>
      %dma_start3A_184 = tpu.memref_squeeze %dma_start3A_183 : memref<1x128xi32, #tpu.memory_space<vmem>> -> memref<128xi32, #tpu.memory_space<vmem>>
      %dma_start3A_185 = arith.constant 0 : i32
      %dma_start3A_186 = arith.constant 0 : i32
      %dma_start3A_187 = tpu.memref_slice %arg14[%dma_start3A_185, %dma_start3A_186] : memref<10240x64xf32, #tpu.memory_space<vmem_shared>> -> memref<10240x64xf32, #tpu.memory_space<vmem_shared>>
      tpu.enqueue_indirect_dma source(%arg10 : memref<128x64xf32, #tpu.memory_space<vmem>>) target(%dma_start3A_187 : memref<10240x64xf32, #tpu.memory_space<vmem_shared>>) offsets(%dma_start3A_184 : memref<128xi32, #tpu.memory_space<vmem>>) semaphore(%arg19 : memref<!tpu.dma_semaphore, #tpu.memory_space<semaphore_mem>>) {add = true}
      %add3A_188 = arith.constant 1 : i32
      %add3A_189 = arith.addi %add3A_23, %add3A_188 : i32
      %dma_wait3A_190 = arith.constant 0 : i32
      %dma_wait3A_191 = tpu.memref_slice %arg8[%add3A_189, %dma_wait3A_190] : memref<160x128xi32, #tpu.memory_space<vmem>> -> memref<1x128xi32, #tpu.memory_space<vmem>>
      %dma_wait3A_192 = tpu.memref_squeeze %dma_wait3A_191 : memref<1x128xi32, #tpu.memory_space<vmem>> -> memref<128xi32, #tpu.memory_space<vmem>>
      %dma_wait3A_193 = arith.constant 0 : i32
      %dma_wait3A_194 = arith.constant 0 : i32
      %dma_wait3A_195 = tpu.memref_slice %arg2[%dma_wait3A_193, %dma_wait3A_194] : memref<20480x64xf32, #tpu.memory_space<hbm>> -> memref<20480x64xf32, #tpu.memory_space<hbm>>
      tpu.wait_indirect_dma semaphore(%arg16 : memref<!tpu.dma_semaphore, #tpu.memory_space<semaphore_mem>>) src(%dma_wait3A_195 : memref<20480x64xf32, #tpu.memory_space<hbm>>) dst(%arg11 : memref<128x64xf32, #tpu.memory_space<vmem>>)
      %dma_start3A_196 = arith.constant 0 : i32
      %dma_start3A_197 = tpu.memref_slice %arg9[%add3A_189, %dma_start3A_196] : memref<160x128xi32, #tpu.memory_space<vmem>> -> memref<1x128xi32, #tpu.memory_space<vmem>>
      %dma_start3A_198 = tpu.memref_squeeze %dma_start3A_197 : memref<1x128xi32, #tpu.memory_space<vmem>> -> memref<128xi32, #tpu.memory_space<vmem>>
      %dma_start3A_199 = arith.constant 0 : i32
      %dma_start3A_200 = arith.constant 0 : i32
      %dma_start3A_201 = tpu.memref_slice %arg14[%dma_start3A_199, %dma_start3A_200] : memref<10240x64xf32, #tpu.memory_space<vmem_shared>> -> memref<10240x64xf32, #tpu.memory_space<vmem_shared>>
      tpu.enqueue_indirect_dma source(%arg11 : memref<128x64xf32, #tpu.memory_space<vmem>>) target(%dma_start3A_201 : memref<10240x64xf32, #tpu.memory_space<vmem_shared>>) offsets(%dma_start3A_198 : memref<128xi32, #tpu.memory_space<vmem>>) semaphore(%arg20 : memref<!tpu.dma_semaphore, #tpu.memory_space<semaphore_mem>>) {add = true}
      %add3A_202 = arith.constant 2 : i32
      %add3A_203 = arith.addi %add3A_23, %add3A_202 : i32
      %dma_wait3A_204 = arith.constant 0 : i32
      %dma_wait3A_205 = tpu.memref_slice %arg8[%add3A_203, %dma_wait3A_204] : memref<160x128xi32, #tpu.memory_space<vmem>> -> memref<1x128xi32, #tpu.memory_space<vmem>>
      %dma_wait3A_206 = tpu.memref_squeeze %dma_wait3A_205 : memref<1x128xi32, #tpu.memory_space<vmem>> -> memref<128xi32, #tpu.memory_space<vmem>>
      %dma_wait3A_207 = arith.constant 0 : i32
      %dma_wait3A_208 = arith.constant 0 : i32
      %dma_wait3A_209 = tpu.memref_slice %arg2[%dma_wait3A_207, %dma_wait3A_208] : memref<20480x64xf32, #tpu.memory_space<hbm>> -> memref<20480x64xf32, #tpu.memory_space<hbm>>
      tpu.wait_indirect_dma semaphore(%arg17 : memref<!tpu.dma_semaphore, #tpu.memory_space<semaphore_mem>>) src(%dma_wait3A_209 : memref<20480x64xf32, #tpu.memory_space<hbm>>) dst(%arg12 : memref<128x64xf32, #tpu.memory_space<vmem>>)
      %dma_start3A_210 = arith.constant 0 : i32
      %dma_start3A_211 = tpu.memref_slice %arg9[%add3A_203, %dma_start3A_210] : memref<160x128xi32, #tpu.memory_space<vmem>> -> memref<1x128xi32, #tpu.memory_space<vmem>>
      %dma_start3A_212 = tpu.memref_squeeze %dma_start3A_211 : memref<1x128xi32, #tpu.memory_space<vmem>> -> memref<128xi32, #tpu.memory_space<vmem>>
      %dma_start3A_213 = arith.constant 0 : i32
      %dma_start3A_214 = arith.constant 0 : i32
      %dma_start3A_215 = tpu.memref_slice %arg14[%dma_start3A_213, %dma_start3A_214] : memref<10240x64xf32, #tpu.memory_space<vmem_shared>> -> memref<10240x64xf32, #tpu.memory_space<vmem_shared>>
      tpu.enqueue_indirect_dma source(%arg12 : memref<128x64xf32, #tpu.memory_space<vmem>>) target(%dma_start3A_215 : memref<10240x64xf32, #tpu.memory_space<vmem_shared>>) offsets(%dma_start3A_212 : memref<128xi32, #tpu.memory_space<vmem>>) semaphore(%arg21 : memref<!tpu.dma_semaphore, #tpu.memory_space<semaphore_mem>>) {add = true}
      %add3A_216 = arith.constant 3 : i32
      %add3A_217 = arith.addi %add3A_23, %add3A_216 : i32
      %dma_wait3A_218 = arith.constant 0 : i32
      %dma_wait3A_219 = tpu.memref_slice %arg8[%add3A_217, %dma_wait3A_218] : memref<160x128xi32, #tpu.memory_space<vmem>> -> memref<1x128xi32, #tpu.memory_space<vmem>>
      %dma_wait3A_220 = tpu.memref_squeeze %dma_wait3A_219 : memref<1x128xi32, #tpu.memory_space<vmem>> -> memref<128xi32, #tpu.memory_space<vmem>>
      %dma_wait3A_221 = arith.constant 0 : i32
      %dma_wait3A_222 = arith.constant 0 : i32
      %dma_wait3A_223 = tpu.memref_slice %arg2[%dma_wait3A_221, %dma_wait3A_222] : memref<20480x64xf32, #tpu.memory_space<hbm>> -> memref<20480x64xf32, #tpu.memory_space<hbm>>
      tpu.wait_indirect_dma semaphore(%arg18 : memref<!tpu.dma_semaphore, #tpu.memory_space<semaphore_mem>>) src(%dma_wait3A_223 : memref<20480x64xf32, #tpu.memory_space<hbm>>) dst(%arg13 : memref<128x64xf32, #tpu.memory_space<vmem>>)
      %dma_start3A_224 = arith.constant 0 : i32
      %dma_start3A_225 = tpu.memref_slice %arg9[%add3A_217, %dma_start3A_224] : memref<160x128xi32, #tpu.memory_space<vmem>> -> memref<1x128xi32, #tpu.memory_space<vmem>>
      %dma_start3A_226 = tpu.memref_squeeze %dma_start3A_225 : memref<1x128xi32, #tpu.memory_space<vmem>> -> memref<128xi32, #tpu.memory_space<vmem>>
      %dma_start3A_227 = arith.constant 0 : i32
      %dma_start3A_228 = arith.constant 0 : i32
      %dma_start3A_229 = tpu.memref_slice %arg14[%dma_start3A_227, %dma_start3A_228] : memref<10240x64xf32, #tpu.memory_space<vmem_shared>> -> memref<10240x64xf32, #tpu.memory_space<vmem_shared>>
      tpu.enqueue_indirect_dma source(%arg13 : memref<128x64xf32, #tpu.memory_space<vmem>>) target(%dma_start3A_229 : memref<10240x64xf32, #tpu.memory_space<vmem_shared>>) offsets(%dma_start3A_226 : memref<128xi32, #tpu.memory_space<vmem>>) semaphore(%arg22 : memref<!tpu.dma_semaphore, #tpu.memory_space<semaphore_mem>>) {add = true}
      %add3A_230 = arith.constant 0 : i32
      %add3A_231 = arith.addi %add3A_23, %add3A_230 : i32
      %dma_wait3A_232 = arith.constant 0 : i32
      %dma_wait3A_233 = tpu.memref_slice %arg9[%add3A_231, %dma_wait3A_232] : memref<160x128xi32, #tpu.memory_space<vmem>> -> memref<1x128xi32, #tpu.memory_space<vmem>>
      %dma_wait3A_234 = tpu.memref_squeeze %dma_wait3A_233 : memref<1x128xi32, #tpu.memory_space<vmem>> -> memref<128xi32, #tpu.memory_space<vmem>>
      %dma_wait3A_235 = arith.constant 0 : i32
      %dma_wait3A_236 = arith.constant 0 : i32
      %dma_wait3A_237 = tpu.memref_slice %arg14[%dma_wait3A_235, %dma_wait3A_236] : memref<10240x64xf32, #tpu.memory_space<vmem_shared>> -> memref<10240x64xf32, #tpu.memory_space<vmem_shared>>
      tpu.wait_indirect_dma semaphore(%arg19 : memref<!tpu.dma_semaphore, #tpu.memory_space<semaphore_mem>>) src(%arg10 : memref<128x64xf32, #tpu.memory_space<vmem>>) dst(%dma_wait3A_237 : memref<10240x64xf32, #tpu.memory_space<vmem_shared>>)
      %add3A_238 = arith.constant 1 : i32
      %add3A_239 = arith.addi %add3A_23, %add3A_238 : i32
      %dma_wait3A_240 = arith.constant 0 : i32
      %dma_wait3A_241 = tpu.memref_slice %arg9[%add3A_239, %dma_wait3A_240] : memref<160x128xi32, #tpu.memory_space<vmem>> -> memref<1x128xi32, #tpu.memory_space<vmem>>
      %dma_wait3A_242 = tpu.memref_squeeze %dma_wait3A_241 : memref<1x128xi32, #tpu.memory_space<vmem>> -> memref<128xi32, #tpu.memory_space<vmem>>
      %dma_wait3A_243 = arith.constant 0 : i32
      %dma_wait3A_244 = arith.constant 0 : i32
      %dma_wait3A_245 = tpu.memref_slice %arg14[%dma_wait3A_243, %dma_wait3A_244] : memref<10240x64xf32, #tpu.memory_space<vmem_shared>> -> memref<10240x64xf32, #tpu.memory_space<vmem_shared>>
      tpu.wait_indirect_dma semaphore(%arg20 : memref<!tpu.dma_semaphore, #tpu.memory_space<semaphore_mem>>) src(%arg11 : memref<128x64xf32, #tpu.memory_space<vmem>>) dst(%dma_wait3A_245 : memref<10240x64xf32, #tpu.memory_space<vmem_shared>>)
      %add3A_246 = arith.constant 2 : i32
      %add3A_247 = arith.addi %add3A_23, %add3A_246 : i32
      %dma_wait3A_248 = arith.constant 0 : i32
      %dma_wait3A_249 = tpu.memref_slice %arg9[%add3A_247, %dma_wait3A_248] : memref<160x128xi32, #tpu.memory_space<vmem>> -> memref<1x128xi32, #tpu.memory_space<vmem>>
      %dma_wait3A_250 = tpu.memref_squeeze %dma_wait3A_249 : memref<1x128xi32, #tpu.memory_space<vmem>> -> memref<128xi32, #tpu.memory_space<vmem>>
      %dma_wait3A_251 = arith.constant 0 : i32
      %dma_wait3A_252 = arith.constant 0 : i32
      %dma_wait3A_253 = tpu.memref_slice %arg14[%dma_wait3A_251, %dma_wait3A_252] : memref<10240x64xf32, #tpu.memory_space<vmem_shared>> -> memref<10240x64xf32, #tpu.memory_space<vmem_shared>>
      tpu.wait_indirect_dma semaphore(%arg21 : memref<!tpu.dma_semaphore, #tpu.memory_space<semaphore_mem>>) src(%arg12 : memref<128x64xf32, #tpu.memory_space<vmem>>) dst(%dma_wait3A_253 : memref<10240x64xf32, #tpu.memory_space<vmem_shared>>)
      %add3A_254 = arith.constant 3 : i32
      %add3A_255 = arith.addi %add3A_23, %add3A_254 : i32
      %dma_wait3A_256 = arith.constant 0 : i32
      %dma_wait3A_257 = tpu.memref_slice %arg9[%add3A_255, %dma_wait3A_256] : memref<160x128xi32, #tpu.memory_space<vmem>> -> memref<1x128xi32, #tpu.memory_space<vmem>>
      %dma_wait3A_258 = tpu.memref_squeeze %dma_wait3A_257 : memref<1x128xi32, #tpu.memory_space<vmem>> -> memref<128xi32, #tpu.memory_space<vmem>>
      %dma_wait3A_259 = arith.constant 0 : i32
      %dma_wait3A_260 = arith.constant 0 : i32
      %dma_wait3A_261 = tpu.memref_slice %arg14[%dma_wait3A_259, %dma_wait3A_260] : memref<10240x64xf32, #tpu.memory_space<vmem_shared>> -> memref<10240x64xf32, #tpu.memory_space<vmem_shared>>
      tpu.wait_indirect_dma semaphore(%arg22 : memref<!tpu.dma_semaphore, #tpu.memory_space<semaphore_mem>>) src(%arg13 : memref<128x64xf32, #tpu.memory_space<vmem>>) dst(%dma_wait3A_261 : memref<10240x64xf32, #tpu.memory_space<vmem_shared>>)
    }
    %scan3A_14 = arith.constant 20 : i32
    %barrier3A_15 = arith.constant 0 : index
    tpu.barrier barrier_id(%barrier3A_15)
    %mul3A_16 = arith.constant 64 : i32
    %mul3A_17 = arith.muli %arg0, %mul3A_16 : i32
    "tpu.region"() ({
      %run_scoped3A = tpu.sem_alloc : memref<!tpu.dma_semaphore, #tpu.memory_space<semaphore_mem>>
      %dma_start3A = tpu.memref_slice %arg7[%mul3A_0, %mul3A_17] : memref<10240x128xf32, #tpu.memory_space<hbm>> -> memref<640x64xf32, #tpu.memory_space<hbm>>
      %dma_start3A_18 = arith.constant 0 : i32
      %dma_start3A_19 = tpu.memref_slice %arg14[%mul3A_0, %dma_start3A_18] : memref<10240x64xf32, #tpu.memory_space<vmem_shared>> -> memref<640x64xf32, #tpu.memory_space<vmem_shared>>
      tpu.enqueue_dma source(%dma_start3A_19 : memref<640x64xf32, #tpu.memory_space<vmem_shared>>) target(%dma_start3A : memref<640x64xf32, #tpu.memory_space<hbm>>) target_semaphore(%run_scoped3A : memref<!tpu.dma_semaphore, #tpu.memory_space<semaphore_mem>>)
      %dma_wait3A = tpu.memref_slice %arg7[%mul3A_0, %mul3A_17] : memref<10240x128xf32, #tpu.memory_space<hbm>> -> memref<640x64xf32, #tpu.memory_space<hbm>>
      %dma_wait3A_20 = arith.constant 0 : i32
      %dma_wait3A_21 = tpu.memref_slice %arg14[%mul3A_0, %dma_wait3A_20] : memref<10240x64xf32, #tpu.memory_space<vmem_shared>> -> memref<640x64xf32, #tpu.memory_space<vmem_shared>>
      tpu.wait_dma2 semaphore(%run_scoped3A : memref<!tpu.dma_semaphore, #tpu.memory_space<semaphore_mem>>) src(%dma_wait3A_21 : memref<640x64xf32, #tpu.memory_space<vmem_shared>>) dst(%dma_wait3A : memref<640x64xf32, #tpu.memory_space<hbm>>)
      tpu.yield
    }) : () -> ()
    return
  }
}

#map = affine_map<(d0, d1) -> (0, 0)>
module attributes {stable_mosaic.version = 14 : i64} {
  func.func @agg(%arg0: i32, %arg1: i32, %arg2: memref<20480x64xf32, #tpu.memory_space<hbm>>, %arg3: memref<2560x128xi32, #tpu.memory_space<hbm>>, %arg4: memref<2560x128xi32, #tpu.memory_space<hbm>>, %arg5: memref<2560x128xi32, #tpu.memory_space<hbm>>, %arg6: memref<10240x64xf32, #tpu.memory_space<hbm>>, %arg7: memref<10240x128xf32, #tpu.memory_space<hbm>>, %arg8: memref<160x128xi32, #tpu.memory_space<vmem>>, %arg9: memref<160x128xi32, #tpu.memory_space<vmem>>, %arg10: memref<128x64xf32, #tpu.memory_space<vmem>>, %arg11: memref<128x64xf32, #tpu.memory_space<vmem>>, %arg12: memref<128x64xf32, #tpu.memory_space<vmem>>, %arg13: memref<128x64xf32, #tpu.memory_space<vmem>>, %arg14: memref<10240x64xf32, #tpu.memory_space<vmem_shared>>, %arg15: memref<!tpu.dma_semaphore, #tpu.memory_space<semaphore_mem>>, %arg16: memref<!tpu.dma_semaphore, #tpu.memory_space<semaphore_mem>>, %arg17: memref<!tpu.dma_semaphore, #tpu.memory_space<semaphore_mem>>, %arg18: memref<!tpu.dma_semaphore, #tpu.memory_space<semaphore_mem>>, %arg19: memref<!tpu.dma_semaphore, #tpu.memory_space<semaphore_mem>>, %arg20: memref<!tpu.dma_semaphore, #tpu.memory_space<semaphore_mem>>, %arg21: memref<!tpu.dma_semaphore, #tpu.memory_space<semaphore_mem>>, %arg22: memref<!tpu.dma_semaphore, #tpu.memory_space<semaphore_mem>>) attributes {dimension_semantics = [#tpu.dimension_semantics<core_parallel>, #tpu.dimension_semantics<subcore_parallel>], iteration_bounds = array<i64: 2, 16>, scalar_prefetch = 0 : i64, scratch_operands = 15 : i64, tpu.core_type = #tpu.core_type<sc_vector_subcore>, window_params = [{transform_indices = #map}, {transform_indices = #map}, {transform_indices = #map}, {transform_indices = #map}, {transform_indices = #map}, {transform_indices = #map}]} {
    %mul3A = arith.constant 640 : i32
    %mul3A_0 = arith.muli %arg1, %mul3A : i32
    "tpu.region"() ({
      %run_scoped3A = tpu.sem_alloc : memref<!tpu.dma_semaphore, #tpu.memory_space<semaphore_mem>>
      %dma_start3A = arith.constant 0 : i32
      %dma_start3A_18 = tpu.memref_slice %arg14[%mul3A_0, %dma_start3A] : memref<10240x64xf32, #tpu.memory_space<vmem_shared>> -> memref<640x64xf32, #tpu.memory_space<vmem_shared>>
      %dma_start3A_19 = arith.constant 0 : i32
      %dma_start3A_20 = tpu.memref_slice %arg6[%mul3A_0, %dma_start3A_19] : memref<10240x64xf32, #tpu.memory_space<hbm>> -> memref<640x64xf32, #tpu.memory_space<hbm>>
      tpu.enqueue_dma source(%dma_start3A_20 : memref<640x64xf32, #tpu.memory_space<hbm>>) target(%dma_start3A_18 : memref<640x64xf32, #tpu.memory_space<vmem_shared>>) target_semaphore(%run_scoped3A : memref<!tpu.dma_semaphore, #tpu.memory_space<semaphore_mem>>)
      %dma_wait3A = arith.constant 0 : i32
      %dma_wait3A_21 = tpu.memref_slice %arg14[%mul3A_0, %dma_wait3A] : memref<10240x64xf32, #tpu.memory_space<vmem_shared>> -> memref<640x64xf32, #tpu.memory_space<vmem_shared>>
      %dma_wait3A_22 = arith.constant 0 : i32
      %dma_wait3A_23 = tpu.memref_slice %arg6[%mul3A_0, %dma_wait3A_22] : memref<10240x64xf32, #tpu.memory_space<hbm>> -> memref<640x64xf32, #tpu.memory_space<hbm>>
      tpu.wait_dma2 semaphore(%run_scoped3A : memref<!tpu.dma_semaphore, #tpu.memory_space<semaphore_mem>>) src(%dma_wait3A_23 : memref<640x64xf32, #tpu.memory_space<hbm>>) dst(%dma_wait3A_21 : memref<640x64xf32, #tpu.memory_space<vmem_shared>>)
      tpu.yield
    }) : () -> ()
    %eq3A = arith.constant 0 : i32
    %eq3A_1 = arith.cmpi eq, %arg0, %eq3A : i32
    %convert_element_type3A = arith.extui %eq3A_1 : i1 to i32
    %cond3A = arith.constant 0 : i32
    %cond3A_2 = arith.cmpi ne, %convert_element_type3A, %cond3A : i32
    scf.if %cond3A_2 {
      %mul3A_18 = arith.constant 160 : i32
      %mul3A_19 = arith.muli %arg1, %mul3A_18 : i32
      "tpu.region"() ({
        %run_scoped3A = tpu.sem_alloc : memref<!tpu.dma_semaphore, #tpu.memory_space<semaphore_mem>>
        %dma_start3A = arith.constant 0 : i32
        %dma_start3A_20 = tpu.memref_slice %arg3[%mul3A_19, %dma_start3A] : memref<2560x128xi32, #tpu.memory_space<hbm>> -> memref<160x128xi32, #tpu.memory_space<hbm>>
        %dma_start3A_21 = arith.constant 0 : i32
        %dma_start3A_22 = tpu.memref_slice %arg3[%mul3A_19, %dma_start3A_21] : memref<2560x128xi32, #tpu.memory_space<hbm>> -> memref<160x128xi32, #tpu.memory_space<hbm>>
        tpu.enqueue_dma source(%dma_start3A_22 : memref<160x128xi32, #tpu.memory_space<hbm>>) target(%arg8 : memref<160x128xi32, #tpu.memory_space<vmem>>) target_semaphore(%run_scoped3A : memref<!tpu.dma_semaphore, #tpu.memory_space<semaphore_mem>>)
        %dma_wait3A = arith.constant 0 : i32
        %dma_wait3A_23 = tpu.memref_slice %arg3[%mul3A_19, %dma_wait3A] : memref<2560x128xi32, #tpu.memory_space<hbm>> -> memref<160x128xi32, #tpu.memory_space<hbm>>
        %dma_wait3A_24 = arith.constant 0 : i32
        %dma_wait3A_25 = tpu.memref_slice %arg3[%mul3A_19, %dma_wait3A_24] : memref<2560x128xi32, #tpu.memory_space<hbm>> -> memref<160x128xi32, #tpu.memory_space<hbm>>
        tpu.wait_dma2 semaphore(%run_scoped3A : memref<!tpu.dma_semaphore, #tpu.memory_space<semaphore_mem>>) src(%dma_wait3A_25 : memref<160x128xi32, #tpu.memory_space<hbm>>) dst(%arg8 : memref<160x128xi32, #tpu.memory_space<vmem>>)
        tpu.yield
      }) : () -> ()
    } else {
    }
    %eq3A_3 = arith.constant 1 : i32
    %eq3A_4 = arith.cmpi eq, %arg0, %eq3A_3 : i32
    %convert_element_type3A_5 = arith.extui %eq3A_4 : i1 to i32
    %cond3A_6 = arith.constant 0 : i32
    %cond3A_7 = arith.cmpi ne, %convert_element_type3A_5, %cond3A_6 : i32
    scf.if %cond3A_7 {
      %mul3A_18 = arith.constant 160 : i32
      %mul3A_19 = arith.muli %arg1, %mul3A_18 : i32
      "tpu.region"() ({
        %run_scoped3A = tpu.sem_alloc : memref<!tpu.dma_semaphore, #tpu.memory_space<semaphore_mem>>
        %dma_start3A = arith.constant 0 : i32
        %dma_start3A_20 = tpu.memref_slice %arg4[%mul3A_19, %dma_start3A] : memref<2560x128xi32, #tpu.memory_space<hbm>> -> memref<160x128xi32, #tpu.memory_space<hbm>>
        %dma_start3A_21 = arith.constant 0 : i32
        %dma_start3A_22 = tpu.memref_slice %arg4[%mul3A_19, %dma_start3A_21] : memref<2560x128xi32, #tpu.memory_space<hbm>> -> memref<160x128xi32, #tpu.memory_space<hbm>>
        tpu.enqueue_dma source(%dma_start3A_22 : memref<160x128xi32, #tpu.memory_space<hbm>>) target(%arg8 : memref<160x128xi32, #tpu.memory_space<vmem>>) target_semaphore(%run_scoped3A : memref<!tpu.dma_semaphore, #tpu.memory_space<semaphore_mem>>)
        %dma_wait3A = arith.constant 0 : i32
        %dma_wait3A_23 = tpu.memref_slice %arg4[%mul3A_19, %dma_wait3A] : memref<2560x128xi32, #tpu.memory_space<hbm>> -> memref<160x128xi32, #tpu.memory_space<hbm>>
        %dma_wait3A_24 = arith.constant 0 : i32
        %dma_wait3A_25 = tpu.memref_slice %arg4[%mul3A_19, %dma_wait3A_24] : memref<2560x128xi32, #tpu.memory_space<hbm>> -> memref<160x128xi32, #tpu.memory_space<hbm>>
        tpu.wait_dma2 semaphore(%run_scoped3A : memref<!tpu.dma_semaphore, #tpu.memory_space<semaphore_mem>>) src(%dma_wait3A_25 : memref<160x128xi32, #tpu.memory_space<hbm>>) dst(%arg8 : memref<160x128xi32, #tpu.memory_space<vmem>>)
        tpu.yield
      }) : () -> ()
    } else {
    }
    %mul3A_8 = arith.constant 160 : i32
    %mul3A_9 = arith.muli %arg1, %mul3A_8 : i32
    "tpu.region"() ({
      %run_scoped3A = tpu.sem_alloc : memref<!tpu.dma_semaphore, #tpu.memory_space<semaphore_mem>>
      %dma_start3A = arith.constant 0 : i32
      %dma_start3A_18 = tpu.memref_slice %arg5[%mul3A_9, %dma_start3A] : memref<2560x128xi32, #tpu.memory_space<hbm>> -> memref<160x128xi32, #tpu.memory_space<hbm>>
      %dma_start3A_19 = arith.constant 0 : i32
      %dma_start3A_20 = tpu.memref_slice %arg5[%mul3A_9, %dma_start3A_19] : memref<2560x128xi32, #tpu.memory_space<hbm>> -> memref<160x128xi32, #tpu.memory_space<hbm>>
      tpu.enqueue_dma source(%dma_start3A_20 : memref<160x128xi32, #tpu.memory_space<hbm>>) target(%arg9 : memref<160x128xi32, #tpu.memory_space<vmem>>) target_semaphore(%run_scoped3A : memref<!tpu.dma_semaphore, #tpu.memory_space<semaphore_mem>>)
      %dma_wait3A = arith.constant 0 : i32
      %dma_wait3A_21 = tpu.memref_slice %arg5[%mul3A_9, %dma_wait3A] : memref<2560x128xi32, #tpu.memory_space<hbm>> -> memref<160x128xi32, #tpu.memory_space<hbm>>
      %dma_wait3A_22 = arith.constant 0 : i32
      %dma_wait3A_23 = tpu.memref_slice %arg5[%mul3A_9, %dma_wait3A_22] : memref<2560x128xi32, #tpu.memory_space<hbm>> -> memref<160x128xi32, #tpu.memory_space<hbm>>
      tpu.wait_dma2 semaphore(%run_scoped3A : memref<!tpu.dma_semaphore, #tpu.memory_space<semaphore_mem>>) src(%dma_wait3A_23 : memref<160x128xi32, #tpu.memory_space<hbm>>) dst(%arg9 : memref<160x128xi32, #tpu.memory_space<vmem>>)
      tpu.yield
    }) : () -> ()
    %barrier3A = arith.constant 0 : index
    tpu.barrier barrier_id(%barrier3A)
    %scan3A = arith.constant 0 : i32
    %scan3A_10 = arith.constant 0 : i32
    %scan3A_11 = arith.constant 20 : i32
    %scan3A_12 = arith.addi %scan3A_10, %scan3A_11 : i32
    %scan3A_13 = arith.constant 1 : i32
    scf.for %scan3A_18 = %scan3A_10 to %scan3A_12 step %scan3A_13  : i32 {
      %mul3A_19 = arith.constant 2 : i32
      %mul3A_20 = arith.muli %scan3A_18, %mul3A_19 : i32
      %mul3A_21 = arith.constant 4 : i32
      %mul3A_22 = arith.muli %mul3A_20, %mul3A_21 : i32
      %add3A = arith.constant 4 : i32
      %add3A_23 = arith.addi %mul3A_22, %add3A : i32
      %add3A_24 = arith.constant 0 : i32
      %add3A_25 = arith.addi %mul3A_22, %add3A_24 : i32
      %dma_start3A = arith.constant 0 : i32
      %dma_start3A_26 = tpu.memref_slice %arg8[%add3A_25, %dma_start3A] : memref<160x128xi32, #tpu.memory_space<vmem>> -> memref<1x128xi32, #tpu.memory_space<vmem>>
      %dma_start3A_27 = tpu.memref_squeeze %dma_start3A_26 : memref<1x128xi32, #tpu.memory_space<vmem>> -> memref<128xi32, #tpu.memory_space<vmem>>
      %dma_start3A_28 = arith.constant 0 : i32
      %dma_start3A_29 = arith.constant 0 : i32
      %dma_start3A_30 = tpu.memref_slice %arg2[%dma_start3A_28, %dma_start3A_29] : memref<20480x64xf32, #tpu.memory_space<hbm>> -> memref<20480x64xf32, #tpu.memory_space<hbm>>
      tpu.enqueue_indirect_dma source(%dma_start3A_30 : memref<20480x64xf32, #tpu.memory_space<hbm>>) target(%arg10 : memref<128x64xf32, #tpu.memory_space<vmem>>) offsets(%dma_start3A_27 : memref<128xi32, #tpu.memory_space<vmem>>) semaphore(%arg15 : memref<!tpu.dma_semaphore, #tpu.memory_space<semaphore_mem>>)
      %add3A_31 = arith.constant 1 : i32
      %add3A_32 = arith.addi %mul3A_22, %add3A_31 : i32
      %dma_start3A_33 = arith.constant 0 : i32
      %dma_start3A_34 = tpu.memref_slice %arg8[%add3A_32, %dma_start3A_33] : memref<160x128xi32, #tpu.memory_space<vmem>> -> memref<1x128xi32, #tpu.memory_space<vmem>>
      %dma_start3A_35 = tpu.memref_squeeze %dma_start3A_34 : memref<1x128xi32, #tpu.memory_space<vmem>> -> memref<128xi32, #tpu.memory_space<vmem>>
      %dma_start3A_36 = arith.constant 0 : i32
      %dma_start3A_37 = arith.constant 0 : i32
      %dma_start3A_38 = tpu.memref_slice %arg2[%dma_start3A_36, %dma_start3A_37] : memref<20480x64xf32, #tpu.memory_space<hbm>> -> memref<20480x64xf32, #tpu.memory_space<hbm>>
      tpu.enqueue_indirect_dma source(%dma_start3A_38 : memref<20480x64xf32, #tpu.memory_space<hbm>>) target(%arg11 : memref<128x64xf32, #tpu.memory_space<vmem>>) offsets(%dma_start3A_35 : memref<128xi32, #tpu.memory_space<vmem>>) semaphore(%arg16 : memref<!tpu.dma_semaphore, #tpu.memory_space<semaphore_mem>>)
      %add3A_39 = arith.constant 2 : i32
      %add3A_40 = arith.addi %mul3A_22, %add3A_39 : i32
      %dma_start3A_41 = arith.constant 0 : i32
      %dma_start3A_42 = tpu.memref_slice %arg8[%add3A_40, %dma_start3A_41] : memref<160x128xi32, #tpu.memory_space<vmem>> -> memref<1x128xi32, #tpu.memory_space<vmem>>
      %dma_start3A_43 = tpu.memref_squeeze %dma_start3A_42 : memref<1x128xi32, #tpu.memory_space<vmem>> -> memref<128xi32, #tpu.memory_space<vmem>>
      %dma_start3A_44 = arith.constant 0 : i32
      %dma_start3A_45 = arith.constant 0 : i32
      %dma_start3A_46 = tpu.memref_slice %arg2[%dma_start3A_44, %dma_start3A_45] : memref<20480x64xf32, #tpu.memory_space<hbm>> -> memref<20480x64xf32, #tpu.memory_space<hbm>>
      tpu.enqueue_indirect_dma source(%dma_start3A_46 : memref<20480x64xf32, #tpu.memory_space<hbm>>) target(%arg12 : memref<128x64xf32, #tpu.memory_space<vmem>>) offsets(%dma_start3A_43 : memref<128xi32, #tpu.memory_space<vmem>>) semaphore(%arg17 : memref<!tpu.dma_semaphore, #tpu.memory_space<semaphore_mem>>)
      %add3A_47 = arith.constant 3 : i32
      %add3A_48 = arith.addi %mul3A_22, %add3A_47 : i32
      %dma_start3A_49 = arith.constant 0 : i32
      %dma_start3A_50 = tpu.memref_slice %arg8[%add3A_48, %dma_start3A_49] : memref<160x128xi32, #tpu.memory_space<vmem>> -> memref<1x128xi32, #tpu.memory_space<vmem>>
      %dma_start3A_51 = tpu.memref_squeeze %dma_start3A_50 : memref<1x128xi32, #tpu.memory_space<vmem>> -> memref<128xi32, #tpu.memory_space<vmem>>
      %dma_start3A_52 = arith.constant 0 : i32
      %dma_start3A_53 = arith.constant 0 : i32
      %dma_start3A_54 = tpu.memref_slice %arg2[%dma_start3A_52, %dma_start3A_53] : memref<20480x64xf32, #tpu.memory_space<hbm>> -> memref<20480x64xf32, #tpu.memory_space<hbm>>
      tpu.enqueue_indirect_dma source(%dma_start3A_54 : memref<20480x64xf32, #tpu.memory_space<hbm>>) target(%arg13 : memref<128x64xf32, #tpu.memory_space<vmem>>) offsets(%dma_start3A_51 : memref<128xi32, #tpu.memory_space<vmem>>) semaphore(%arg18 : memref<!tpu.dma_semaphore, #tpu.memory_space<semaphore_mem>>)
      %add3A_55 = arith.constant 0 : i32
      %add3A_56 = arith.addi %mul3A_22, %add3A_55 : i32
      %dma_wait3A = arith.constant 0 : i32
      %dma_wait3A_57 = tpu.memref_slice %arg8[%add3A_56, %dma_wait3A] : memref<160x128xi32, #tpu.memory_space<vmem>> -> memref<1x128xi32, #tpu.memory_space<vmem>>
      %dma_wait3A_58 = tpu.memref_squeeze %dma_wait3A_57 : memref<1x128xi32, #tpu.memory_space<vmem>> -> memref<128xi32, #tpu.memory_space<vmem>>
      %dma_wait3A_59 = arith.constant 0 : i32
      %dma_wait3A_60 = arith.constant 0 : i32
      %dma_wait3A_61 = tpu.memref_slice %arg2[%dma_wait3A_59, %dma_wait3A_60] : memref<20480x64xf32, #tpu.memory_space<hbm>> -> memref<20480x64xf32, #tpu.memory_space<hbm>>
      tpu.wait_indirect_dma semaphore(%arg15 : memref<!tpu.dma_semaphore, #tpu.memory_space<semaphore_mem>>) src(%dma_wait3A_61 : memref<20480x64xf32, #tpu.memory_space<hbm>>) dst(%arg10 : memref<128x64xf32, #tpu.memory_space<vmem>>)
      %dma_start3A_62 = arith.constant 0 : i32
      %dma_start3A_63 = tpu.memref_slice %arg9[%add3A_56, %dma_start3A_62] : memref<160x128xi32, #tpu.memory_space<vmem>> -> memref<1x128xi32, #tpu.memory_space<vmem>>
      %dma_start3A_64 = tpu.memref_squeeze %dma_start3A_63 : memref<1x128xi32, #tpu.memory_space<vmem>> -> memref<128xi32, #tpu.memory_space<vmem>>
      %dma_start3A_65 = arith.constant 0 : i32
      %dma_start3A_66 = arith.constant 0 : i32
      %dma_start3A_67 = tpu.memref_slice %arg14[%dma_start3A_65, %dma_start3A_66] : memref<10240x64xf32, #tpu.memory_space<vmem_shared>> -> memref<10240x64xf32, #tpu.memory_space<vmem_shared>>
      tpu.enqueue_indirect_dma source(%arg10 : memref<128x64xf32, #tpu.memory_space<vmem>>) target(%dma_start3A_67 : memref<10240x64xf32, #tpu.memory_space<vmem_shared>>) offsets(%dma_start3A_64 : memref<128xi32, #tpu.memory_space<vmem>>) semaphore(%arg19 : memref<!tpu.dma_semaphore, #tpu.memory_space<semaphore_mem>>) {add = true}
      %add3A_68 = arith.constant 1 : i32
      %add3A_69 = arith.addi %mul3A_22, %add3A_68 : i32
      %dma_wait3A_70 = arith.constant 0 : i32
      %dma_wait3A_71 = tpu.memref_slice %arg8[%add3A_69, %dma_wait3A_70] : memref<160x128xi32, #tpu.memory_space<vmem>> -> memref<1x128xi32, #tpu.memory_space<vmem>>
      %dma_wait3A_72 = tpu.memref_squeeze %dma_wait3A_71 : memref<1x128xi32, #tpu.memory_space<vmem>> -> memref<128xi32, #tpu.memory_space<vmem>>
      %dma_wait3A_73 = arith.constant 0 : i32
      %dma_wait3A_74 = arith.constant 0 : i32
      %dma_wait3A_75 = tpu.memref_slice %arg2[%dma_wait3A_73, %dma_wait3A_74] : memref<20480x64xf32, #tpu.memory_space<hbm>> -> memref<20480x64xf32, #tpu.memory_space<hbm>>
      tpu.wait_indirect_dma semaphore(%arg16 : memref<!tpu.dma_semaphore, #tpu.memory_space<semaphore_mem>>) src(%dma_wait3A_75 : memref<20480x64xf32, #tpu.memory_space<hbm>>) dst(%arg11 : memref<128x64xf32, #tpu.memory_space<vmem>>)
      %dma_start3A_76 = arith.constant 0 : i32
      %dma_start3A_77 = tpu.memref_slice %arg9[%add3A_69, %dma_start3A_76] : memref<160x128xi32, #tpu.memory_space<vmem>> -> memref<1x128xi32, #tpu.memory_space<vmem>>
      %dma_start3A_78 = tpu.memref_squeeze %dma_start3A_77 : memref<1x128xi32, #tpu.memory_space<vmem>> -> memref<128xi32, #tpu.memory_space<vmem>>
      %dma_start3A_79 = arith.constant 0 : i32
      %dma_start3A_80 = arith.constant 0 : i32
      %dma_start3A_81 = tpu.memref_slice %arg14[%dma_start3A_79, %dma_start3A_80] : memref<10240x64xf32, #tpu.memory_space<vmem_shared>> -> memref<10240x64xf32, #tpu.memory_space<vmem_shared>>
      tpu.enqueue_indirect_dma source(%arg11 : memref<128x64xf32, #tpu.memory_space<vmem>>) target(%dma_start3A_81 : memref<10240x64xf32, #tpu.memory_space<vmem_shared>>) offsets(%dma_start3A_78 : memref<128xi32, #tpu.memory_space<vmem>>) semaphore(%arg20 : memref<!tpu.dma_semaphore, #tpu.memory_space<semaphore_mem>>) {add = true}
      %add3A_82 = arith.constant 2 : i32
      %add3A_83 = arith.addi %mul3A_22, %add3A_82 : i32
      %dma_wait3A_84 = arith.constant 0 : i32
      %dma_wait3A_85 = tpu.memref_slice %arg8[%add3A_83, %dma_wait3A_84] : memref<160x128xi32, #tpu.memory_space<vmem>> -> memref<1x128xi32, #tpu.memory_space<vmem>>
      %dma_wait3A_86 = tpu.memref_squeeze %dma_wait3A_85 : memref<1x128xi32, #tpu.memory_space<vmem>> -> memref<128xi32, #tpu.memory_space<vmem>>
      %dma_wait3A_87 = arith.constant 0 : i32
      %dma_wait3A_88 = arith.constant 0 : i32
      %dma_wait3A_89 = tpu.memref_slice %arg2[%dma_wait3A_87, %dma_wait3A_88] : memref<20480x64xf32, #tpu.memory_space<hbm>> -> memref<20480x64xf32, #tpu.memory_space<hbm>>
      tpu.wait_indirect_dma semaphore(%arg17 : memref<!tpu.dma_semaphore, #tpu.memory_space<semaphore_mem>>) src(%dma_wait3A_89 : memref<20480x64xf32, #tpu.memory_space<hbm>>) dst(%arg12 : memref<128x64xf32, #tpu.memory_space<vmem>>)
      %dma_start3A_90 = arith.constant 0 : i32
      %dma_start3A_91 = tpu.memref_slice %arg9[%add3A_83, %dma_start3A_90] : memref<160x128xi32, #tpu.memory_space<vmem>> -> memref<1x128xi32, #tpu.memory_space<vmem>>
      %dma_start3A_92 = tpu.memref_squeeze %dma_start3A_91 : memref<1x128xi32, #tpu.memory_space<vmem>> -> memref<128xi32, #tpu.memory_space<vmem>>
      %dma_start3A_93 = arith.constant 0 : i32
      %dma_start3A_94 = arith.constant 0 : i32
      %dma_start3A_95 = tpu.memref_slice %arg14[%dma_start3A_93, %dma_start3A_94] : memref<10240x64xf32, #tpu.memory_space<vmem_shared>> -> memref<10240x64xf32, #tpu.memory_space<vmem_shared>>
      tpu.enqueue_indirect_dma source(%arg12 : memref<128x64xf32, #tpu.memory_space<vmem>>) target(%dma_start3A_95 : memref<10240x64xf32, #tpu.memory_space<vmem_shared>>) offsets(%dma_start3A_92 : memref<128xi32, #tpu.memory_space<vmem>>) semaphore(%arg21 : memref<!tpu.dma_semaphore, #tpu.memory_space<semaphore_mem>>) {add = true}
      %add3A_96 = arith.constant 3 : i32
      %add3A_97 = arith.addi %mul3A_22, %add3A_96 : i32
      %dma_wait3A_98 = arith.constant 0 : i32
      %dma_wait3A_99 = tpu.memref_slice %arg8[%add3A_97, %dma_wait3A_98] : memref<160x128xi32, #tpu.memory_space<vmem>> -> memref<1x128xi32, #tpu.memory_space<vmem>>
      %dma_wait3A_100 = tpu.memref_squeeze %dma_wait3A_99 : memref<1x128xi32, #tpu.memory_space<vmem>> -> memref<128xi32, #tpu.memory_space<vmem>>
      %dma_wait3A_101 = arith.constant 0 : i32
      %dma_wait3A_102 = arith.constant 0 : i32
      %dma_wait3A_103 = tpu.memref_slice %arg2[%dma_wait3A_101, %dma_wait3A_102] : memref<20480x64xf32, #tpu.memory_space<hbm>> -> memref<20480x64xf32, #tpu.memory_space<hbm>>
      tpu.wait_indirect_dma semaphore(%arg18 : memref<!tpu.dma_semaphore, #tpu.memory_space<semaphore_mem>>) src(%dma_wait3A_103 : memref<20480x64xf32, #tpu.memory_space<hbm>>) dst(%arg13 : memref<128x64xf32, #tpu.memory_space<vmem>>)
      %dma_start3A_104 = arith.constant 0 : i32
      %dma_start3A_105 = tpu.memref_slice %arg9[%add3A_97, %dma_start3A_104] : memref<160x128xi32, #tpu.memory_space<vmem>> -> memref<1x128xi32, #tpu.memory_space<vmem>>
      %dma_start3A_106 = tpu.memref_squeeze %dma_start3A_105 : memref<1x128xi32, #tpu.memory_space<vmem>> -> memref<128xi32, #tpu.memory_space<vmem>>
      %dma_start3A_107 = arith.constant 0 : i32
      %dma_start3A_108 = arith.constant 0 : i32
      %dma_start3A_109 = tpu.memref_slice %arg14[%dma_start3A_107, %dma_start3A_108] : memref<10240x64xf32, #tpu.memory_space<vmem_shared>> -> memref<10240x64xf32, #tpu.memory_space<vmem_shared>>
      tpu.enqueue_indirect_dma source(%arg13 : memref<128x64xf32, #tpu.memory_space<vmem>>) target(%dma_start3A_109 : memref<10240x64xf32, #tpu.memory_space<vmem_shared>>) offsets(%dma_start3A_106 : memref<128xi32, #tpu.memory_space<vmem>>) semaphore(%arg22 : memref<!tpu.dma_semaphore, #tpu.memory_space<semaphore_mem>>) {add = true}
      %add3A_110 = arith.constant 0 : i32
      %add3A_111 = arith.addi %mul3A_22, %add3A_110 : i32
      %dma_wait3A_112 = arith.constant 0 : i32
      %dma_wait3A_113 = tpu.memref_slice %arg9[%add3A_111, %dma_wait3A_112] : memref<160x128xi32, #tpu.memory_space<vmem>> -> memref<1x128xi32, #tpu.memory_space<vmem>>
      %dma_wait3A_114 = tpu.memref_squeeze %dma_wait3A_113 : memref<1x128xi32, #tpu.memory_space<vmem>> -> memref<128xi32, #tpu.memory_space<vmem>>
      %dma_wait3A_115 = arith.constant 0 : i32
      %dma_wait3A_116 = arith.constant 0 : i32
      %dma_wait3A_117 = tpu.memref_slice %arg14[%dma_wait3A_115, %dma_wait3A_116] : memref<10240x64xf32, #tpu.memory_space<vmem_shared>> -> memref<10240x64xf32, #tpu.memory_space<vmem_shared>>
      tpu.wait_indirect_dma semaphore(%arg19 : memref<!tpu.dma_semaphore, #tpu.memory_space<semaphore_mem>>) src(%arg10 : memref<128x64xf32, #tpu.memory_space<vmem>>) dst(%dma_wait3A_117 : memref<10240x64xf32, #tpu.memory_space<vmem_shared>>)
      %add3A_118 = arith.constant 0 : i32
      %add3A_119 = arith.addi %add3A_23, %add3A_118 : i32
      %dma_start3A_120 = arith.constant 0 : i32
      %dma_start3A_121 = tpu.memref_slice %arg8[%add3A_119, %dma_start3A_120] : memref<160x128xi32, #tpu.memory_space<vmem>> -> memref<1x128xi32, #tpu.memory_space<vmem>>
      %dma_start3A_122 = tpu.memref_squeeze %dma_start3A_121 : memref<1x128xi32, #tpu.memory_space<vmem>> -> memref<128xi32, #tpu.memory_space<vmem>>
      %dma_start3A_123 = arith.constant 0 : i32
      %dma_start3A_124 = arith.constant 0 : i32
      %dma_start3A_125 = tpu.memref_slice %arg2[%dma_start3A_123, %dma_start3A_124] : memref<20480x64xf32, #tpu.memory_space<hbm>> -> memref<20480x64xf32, #tpu.memory_space<hbm>>
      tpu.enqueue_indirect_dma source(%dma_start3A_125 : memref<20480x64xf32, #tpu.memory_space<hbm>>) target(%arg10 : memref<128x64xf32, #tpu.memory_space<vmem>>) offsets(%dma_start3A_122 : memref<128xi32, #tpu.memory_space<vmem>>) semaphore(%arg15 : memref<!tpu.dma_semaphore, #tpu.memory_space<semaphore_mem>>)
      %add3A_126 = arith.constant 1 : i32
      %add3A_127 = arith.addi %mul3A_22, %add3A_126 : i32
      %dma_wait3A_128 = arith.constant 0 : i32
      %dma_wait3A_129 = tpu.memref_slice %arg9[%add3A_127, %dma_wait3A_128] : memref<160x128xi32, #tpu.memory_space<vmem>> -> memref<1x128xi32, #tpu.memory_space<vmem>>
      %dma_wait3A_130 = tpu.memref_squeeze %dma_wait3A_129 : memref<1x128xi32, #tpu.memory_space<vmem>> -> memref<128xi32, #tpu.memory_space<vmem>>
      %dma_wait3A_131 = arith.constant 0 : i32
      %dma_wait3A_132 = arith.constant 0 : i32
      %dma_wait3A_133 = tpu.memref_slice %arg14[%dma_wait3A_131, %dma_wait3A_132] : memref<10240x64xf32, #tpu.memory_space<vmem_shared>> -> memref<10240x64xf32, #tpu.memory_space<vmem_shared>>
      tpu.wait_indirect_dma semaphore(%arg20 : memref<!tpu.dma_semaphore, #tpu.memory_space<semaphore_mem>>) src(%arg11 : memref<128x64xf32, #tpu.memory_space<vmem>>) dst(%dma_wait3A_133 : memref<10240x64xf32, #tpu.memory_space<vmem_shared>>)
      %add3A_134 = arith.constant 1 : i32
      %add3A_135 = arith.addi %add3A_23, %add3A_134 : i32
      %dma_start3A_136 = arith.constant 0 : i32
      %dma_start3A_137 = tpu.memref_slice %arg8[%add3A_135, %dma_start3A_136] : memref<160x128xi32, #tpu.memory_space<vmem>> -> memref<1x128xi32, #tpu.memory_space<vmem>>
      %dma_start3A_138 = tpu.memref_squeeze %dma_start3A_137 : memref<1x128xi32, #tpu.memory_space<vmem>> -> memref<128xi32, #tpu.memory_space<vmem>>
      %dma_start3A_139 = arith.constant 0 : i32
      %dma_start3A_140 = arith.constant 0 : i32
      %dma_start3A_141 = tpu.memref_slice %arg2[%dma_start3A_139, %dma_start3A_140] : memref<20480x64xf32, #tpu.memory_space<hbm>> -> memref<20480x64xf32, #tpu.memory_space<hbm>>
      tpu.enqueue_indirect_dma source(%dma_start3A_141 : memref<20480x64xf32, #tpu.memory_space<hbm>>) target(%arg11 : memref<128x64xf32, #tpu.memory_space<vmem>>) offsets(%dma_start3A_138 : memref<128xi32, #tpu.memory_space<vmem>>) semaphore(%arg16 : memref<!tpu.dma_semaphore, #tpu.memory_space<semaphore_mem>>)
      %add3A_142 = arith.constant 2 : i32
      %add3A_143 = arith.addi %mul3A_22, %add3A_142 : i32
      %dma_wait3A_144 = arith.constant 0 : i32
      %dma_wait3A_145 = tpu.memref_slice %arg9[%add3A_143, %dma_wait3A_144] : memref<160x128xi32, #tpu.memory_space<vmem>> -> memref<1x128xi32, #tpu.memory_space<vmem>>
      %dma_wait3A_146 = tpu.memref_squeeze %dma_wait3A_145 : memref<1x128xi32, #tpu.memory_space<vmem>> -> memref<128xi32, #tpu.memory_space<vmem>>
      %dma_wait3A_147 = arith.constant 0 : i32
      %dma_wait3A_148 = arith.constant 0 : i32
      %dma_wait3A_149 = tpu.memref_slice %arg14[%dma_wait3A_147, %dma_wait3A_148] : memref<10240x64xf32, #tpu.memory_space<vmem_shared>> -> memref<10240x64xf32, #tpu.memory_space<vmem_shared>>
      tpu.wait_indirect_dma semaphore(%arg21 : memref<!tpu.dma_semaphore, #tpu.memory_space<semaphore_mem>>) src(%arg12 : memref<128x64xf32, #tpu.memory_space<vmem>>) dst(%dma_wait3A_149 : memref<10240x64xf32, #tpu.memory_space<vmem_shared>>)
      %add3A_150 = arith.constant 2 : i32
      %add3A_151 = arith.addi %add3A_23, %add3A_150 : i32
      %dma_start3A_152 = arith.constant 0 : i32
      %dma_start3A_153 = tpu.memref_slice %arg8[%add3A_151, %dma_start3A_152] : memref<160x128xi32, #tpu.memory_space<vmem>> -> memref<1x128xi32, #tpu.memory_space<vmem>>
      %dma_start3A_154 = tpu.memref_squeeze %dma_start3A_153 : memref<1x128xi32, #tpu.memory_space<vmem>> -> memref<128xi32, #tpu.memory_space<vmem>>
      %dma_start3A_155 = arith.constant 0 : i32
      %dma_start3A_156 = arith.constant 0 : i32
      %dma_start3A_157 = tpu.memref_slice %arg2[%dma_start3A_155, %dma_start3A_156] : memref<20480x64xf32, #tpu.memory_space<hbm>> -> memref<20480x64xf32, #tpu.memory_space<hbm>>
      tpu.enqueue_indirect_dma source(%dma_start3A_157 : memref<20480x64xf32, #tpu.memory_space<hbm>>) target(%arg12 : memref<128x64xf32, #tpu.memory_space<vmem>>) offsets(%dma_start3A_154 : memref<128xi32, #tpu.memory_space<vmem>>) semaphore(%arg17 : memref<!tpu.dma_semaphore, #tpu.memory_space<semaphore_mem>>)
      %add3A_158 = arith.constant 3 : i32
      %add3A_159 = arith.addi %mul3A_22, %add3A_158 : i32
      %dma_wait3A_160 = arith.constant 0 : i32
      %dma_wait3A_161 = tpu.memref_slice %arg9[%add3A_159, %dma_wait3A_160] : memref<160x128xi32, #tpu.memory_space<vmem>> -> memref<1x128xi32, #tpu.memory_space<vmem>>
      %dma_wait3A_162 = tpu.memref_squeeze %dma_wait3A_161 : memref<1x128xi32, #tpu.memory_space<vmem>> -> memref<128xi32, #tpu.memory_space<vmem>>
      %dma_wait3A_163 = arith.constant 0 : i32
      %dma_wait3A_164 = arith.constant 0 : i32
      %dma_wait3A_165 = tpu.memref_slice %arg14[%dma_wait3A_163, %dma_wait3A_164] : memref<10240x64xf32, #tpu.memory_space<vmem_shared>> -> memref<10240x64xf32, #tpu.memory_space<vmem_shared>>
      tpu.wait_indirect_dma semaphore(%arg22 : memref<!tpu.dma_semaphore, #tpu.memory_space<semaphore_mem>>) src(%arg13 : memref<128x64xf32, #tpu.memory_space<vmem>>) dst(%dma_wait3A_165 : memref<10240x64xf32, #tpu.memory_space<vmem_shared>>)
      %add3A_166 = arith.constant 3 : i32
      %add3A_167 = arith.addi %add3A_23, %add3A_166 : i32
      %dma_start3A_168 = arith.constant 0 : i32
      %dma_start3A_169 = tpu.memref_slice %arg8[%add3A_167, %dma_start3A_168] : memref<160x128xi32, #tpu.memory_space<vmem>> -> memref<1x128xi32, #tpu.memory_space<vmem>>
      %dma_start3A_170 = tpu.memref_squeeze %dma_start3A_169 : memref<1x128xi32, #tpu.memory_space<vmem>> -> memref<128xi32, #tpu.memory_space<vmem>>
      %dma_start3A_171 = arith.constant 0 : i32
      %dma_start3A_172 = arith.constant 0 : i32
      %dma_start3A_173 = tpu.memref_slice %arg2[%dma_start3A_171, %dma_start3A_172] : memref<20480x64xf32, #tpu.memory_space<hbm>> -> memref<20480x64xf32, #tpu.memory_space<hbm>>
      tpu.enqueue_indirect_dma source(%dma_start3A_173 : memref<20480x64xf32, #tpu.memory_space<hbm>>) target(%arg13 : memref<128x64xf32, #tpu.memory_space<vmem>>) offsets(%dma_start3A_170 : memref<128xi32, #tpu.memory_space<vmem>>) semaphore(%arg18 : memref<!tpu.dma_semaphore, #tpu.memory_space<semaphore_mem>>)
      %add3A_174 = arith.constant 0 : i32
      %add3A_175 = arith.addi %add3A_23, %add3A_174 : i32
      %dma_wait3A_176 = arith.constant 0 : i32
      %dma_wait3A_177 = tpu.memref_slice %arg8[%add3A_175, %dma_wait3A_176] : memref<160x128xi32, #tpu.memory_space<vmem>> -> memref<1x128xi32, #tpu.memory_space<vmem>>
      %dma_wait3A_178 = tpu.memref_squeeze %dma_wait3A_177 : memref<1x128xi32, #tpu.memory_space<vmem>> -> memref<128xi32, #tpu.memory_space<vmem>>
      %dma_wait3A_179 = arith.constant 0 : i32
      %dma_wait3A_180 = arith.constant 0 : i32
      %dma_wait3A_181 = tpu.memref_slice %arg2[%dma_wait3A_179, %dma_wait3A_180] : memref<20480x64xf32, #tpu.memory_space<hbm>> -> memref<20480x64xf32, #tpu.memory_space<hbm>>
      tpu.wait_indirect_dma semaphore(%arg15 : memref<!tpu.dma_semaphore, #tpu.memory_space<semaphore_mem>>) src(%dma_wait3A_181 : memref<20480x64xf32, #tpu.memory_space<hbm>>) dst(%arg10 : memref<128x64xf32, #tpu.memory_space<vmem>>)
      %dma_start3A_182 = arith.constant 0 : i32
      %dma_start3A_183 = tpu.memref_slice %arg9[%add3A_175, %dma_start3A_182] : memref<160x128xi32, #tpu.memory_space<vmem>> -> memref<1x128xi32, #tpu.memory_space<vmem>>
      %dma_start3A_184 = tpu.memref_squeeze %dma_start3A_183 : memref<1x128xi32, #tpu.memory_space<vmem>> -> memref<128xi32, #tpu.memory_space<vmem>>
      %dma_start3A_185 = arith.constant 0 : i32
      %dma_start3A_186 = arith.constant 0 : i32
      %dma_start3A_187 = tpu.memref_slice %arg14[%dma_start3A_185, %dma_start3A_186] : memref<10240x64xf32, #tpu.memory_space<vmem_shared>> -> memref<10240x64xf32, #tpu.memory_space<vmem_shared>>
      tpu.enqueue_indirect_dma source(%arg10 : memref<128x64xf32, #tpu.memory_space<vmem>>) target(%dma_start3A_187 : memref<10240x64xf32, #tpu.memory_space<vmem_shared>>) offsets(%dma_start3A_184 : memref<128xi32, #tpu.memory_space<vmem>>) semaphore(%arg19 : memref<!tpu.dma_semaphore, #tpu.memory_space<semaphore_mem>>) {add = true}
      %add3A_188 = arith.constant 1 : i32
      %add3A_189 = arith.addi %add3A_23, %add3A_188 : i32
      %dma_wait3A_190 = arith.constant 0 : i32
      %dma_wait3A_191 = tpu.memref_slice %arg8[%add3A_189, %dma_wait3A_190] : memref<160x128xi32, #tpu.memory_space<vmem>> -> memref<1x128xi32, #tpu.memory_space<vmem>>
      %dma_wait3A_192 = tpu.memref_squeeze %dma_wait3A_191 : memref<1x128xi32, #tpu.memory_space<vmem>> -> memref<128xi32, #tpu.memory_space<vmem>>
      %dma_wait3A_193 = arith.constant 0 : i32
      %dma_wait3A_194 = arith.constant 0 : i32
      %dma_wait3A_195 = tpu.memref_slice %arg2[%dma_wait3A_193, %dma_wait3A_194] : memref<20480x64xf32, #tpu.memory_space<hbm>> -> memref<20480x64xf32, #tpu.memory_space<hbm>>
      tpu.wait_indirect_dma semaphore(%arg16 : memref<!tpu.dma_semaphore, #tpu.memory_space<semaphore_mem>>) src(%dma_wait3A_195 : memref<20480x64xf32, #tpu.memory_space<hbm>>) dst(%arg11 : memref<128x64xf32, #tpu.memory_space<vmem>>)
      %dma_start3A_196 = arith.constant 0 : i32
      %dma_start3A_197 = tpu.memref_slice %arg9[%add3A_189, %dma_start3A_196] : memref<160x128xi32, #tpu.memory_space<vmem>> -> memref<1x128xi32, #tpu.memory_space<vmem>>
      %dma_start3A_198 = tpu.memref_squeeze %dma_start3A_197 : memref<1x128xi32, #tpu.memory_space<vmem>> -> memref<128xi32, #tpu.memory_space<vmem>>
      %dma_start3A_199 = arith.constant 0 : i32
      %dma_start3A_200 = arith.constant 0 : i32
      %dma_start3A_201 = tpu.memref_slice %arg14[%dma_start3A_199, %dma_start3A_200] : memref<10240x64xf32, #tpu.memory_space<vmem_shared>> -> memref<10240x64xf32, #tpu.memory_space<vmem_shared>>
      tpu.enqueue_indirect_dma source(%arg11 : memref<128x64xf32, #tpu.memory_space<vmem>>) target(%dma_start3A_201 : memref<10240x64xf32, #tpu.memory_space<vmem_shared>>) offsets(%dma_start3A_198 : memref<128xi32, #tpu.memory_space<vmem>>) semaphore(%arg20 : memref<!tpu.dma_semaphore, #tpu.memory_space<semaphore_mem>>) {add = true}
      %add3A_202 = arith.constant 2 : i32
      %add3A_203 = arith.addi %add3A_23, %add3A_202 : i32
      %dma_wait3A_204 = arith.constant 0 : i32
      %dma_wait3A_205 = tpu.memref_slice %arg8[%add3A_203, %dma_wait3A_204] : memref<160x128xi32, #tpu.memory_space<vmem>> -> memref<1x128xi32, #tpu.memory_space<vmem>>
      %dma_wait3A_206 = tpu.memref_squeeze %dma_wait3A_205 : memref<1x128xi32, #tpu.memory_space<vmem>> -> memref<128xi32, #tpu.memory_space<vmem>>
      %dma_wait3A_207 = arith.constant 0 : i32
      %dma_wait3A_208 = arith.constant 0 : i32
      %dma_wait3A_209 = tpu.memref_slice %arg2[%dma_wait3A_207, %dma_wait3A_208] : memref<20480x64xf32, #tpu.memory_space<hbm>> -> memref<20480x64xf32, #tpu.memory_space<hbm>>
      tpu.wait_indirect_dma semaphore(%arg17 : memref<!tpu.dma_semaphore, #tpu.memory_space<semaphore_mem>>) src(%dma_wait3A_209 : memref<20480x64xf32, #tpu.memory_space<hbm>>) dst(%arg12 : memref<128x64xf32, #tpu.memory_space<vmem>>)
      %dma_start3A_210 = arith.constant 0 : i32
      %dma_start3A_211 = tpu.memref_slice %arg9[%add3A_203, %dma_start3A_210] : memref<160x128xi32, #tpu.memory_space<vmem>> -> memref<1x128xi32, #tpu.memory_space<vmem>>
      %dma_start3A_212 = tpu.memref_squeeze %dma_start3A_211 : memref<1x128xi32, #tpu.memory_space<vmem>> -> memref<128xi32, #tpu.memory_space<vmem>>
      %dma_start3A_213 = arith.constant 0 : i32
      %dma_start3A_214 = arith.constant 0 : i32
      %dma_start3A_215 = tpu.memref_slice %arg14[%dma_start3A_213, %dma_start3A_214] : memref<10240x64xf32, #tpu.memory_space<vmem_shared>> -> memref<10240x64xf32, #tpu.memory_space<vmem_shared>>
      tpu.enqueue_indirect_dma source(%arg12 : memref<128x64xf32, #tpu.memory_space<vmem>>) target(%dma_start3A_215 : memref<10240x64xf32, #tpu.memory_space<vmem_shared>>) offsets(%dma_start3A_212 : memref<128xi32, #tpu.memory_space<vmem>>) semaphore(%arg21 : memref<!tpu.dma_semaphore, #tpu.memory_space<semaphore_mem>>) {add = true}
      %add3A_216 = arith.constant 3 : i32
      %add3A_217 = arith.addi %add3A_23, %add3A_216 : i32
      %dma_wait3A_218 = arith.constant 0 : i32
      %dma_wait3A_219 = tpu.memref_slice %arg8[%add3A_217, %dma_wait3A_218] : memref<160x128xi32, #tpu.memory_space<vmem>> -> memref<1x128xi32, #tpu.memory_space<vmem>>
      %dma_wait3A_220 = tpu.memref_squeeze %dma_wait3A_219 : memref<1x128xi32, #tpu.memory_space<vmem>> -> memref<128xi32, #tpu.memory_space<vmem>>
      %dma_wait3A_221 = arith.constant 0 : i32
      %dma_wait3A_222 = arith.constant 0 : i32
      %dma_wait3A_223 = tpu.memref_slice %arg2[%dma_wait3A_221, %dma_wait3A_222] : memref<20480x64xf32, #tpu.memory_space<hbm>> -> memref<20480x64xf32, #tpu.memory_space<hbm>>
      tpu.wait_indirect_dma semaphore(%arg18 : memref<!tpu.dma_semaphore, #tpu.memory_space<semaphore_mem>>) src(%dma_wait3A_223 : memref<20480x64xf32, #tpu.memory_space<hbm>>) dst(%arg13 : memref<128x64xf32, #tpu.memory_space<vmem>>)
      %dma_start3A_224 = arith.constant 0 : i32
      %dma_start3A_225 = tpu.memref_slice %arg9[%add3A_217, %dma_start3A_224] : memref<160x128xi32, #tpu.memory_space<vmem>> -> memref<1x128xi32, #tpu.memory_space<vmem>>
      %dma_start3A_226 = tpu.memref_squeeze %dma_start3A_225 : memref<1x128xi32, #tpu.memory_space<vmem>> -> memref<128xi32, #tpu.memory_space<vmem>>
      %dma_start3A_227 = arith.constant 0 : i32
      %dma_start3A_228 = arith.constant 0 : i32
      %dma_start3A_229 = tpu.memref_slice %arg14[%dma_start3A_227, %dma_start3A_228] : memref<10240x64xf32, #tpu.memory_space<vmem_shared>> -> memref<10240x64xf32, #tpu.memory_space<vmem_shared>>
      tpu.enqueue_indirect_dma source(%arg13 : memref<128x64xf32, #tpu.memory_space<vmem>>) target(%dma_start3A_229 : memref<10240x64xf32, #tpu.memory_space<vmem_shared>>) offsets(%dma_start3A_226 : memref<128xi32, #tpu.memory_space<vmem>>) semaphore(%arg22 : memref<!tpu.dma_semaphore, #tpu.memory_space<semaphore_mem>>) {add = true}
      %add3A_230 = arith.constant 0 : i32
      %add3A_231 = arith.addi %add3A_23, %add3A_230 : i32
      %dma_wait3A_232 = arith.constant 0 : i32
      %dma_wait3A_233 = tpu.memref_slice %arg9[%add3A_231, %dma_wait3A_232] : memref<160x128xi32, #tpu.memory_space<vmem>> -> memref<1x128xi32, #tpu.memory_space<vmem>>
      %dma_wait3A_234 = tpu.memref_squeeze %dma_wait3A_233 : memref<1x128xi32, #tpu.memory_space<vmem>> -> memref<128xi32, #tpu.memory_space<vmem>>
      %dma_wait3A_235 = arith.constant 0 : i32
      %dma_wait3A_236 = arith.constant 0 : i32
      %dma_wait3A_237 = tpu.memref_slice %arg14[%dma_wait3A_235, %dma_wait3A_236] : memref<10240x64xf32, #tpu.memory_space<vmem_shared>> -> memref<10240x64xf32, #tpu.memory_space<vmem_shared>>
      tpu.wait_indirect_dma semaphore(%arg19 : memref<!tpu.dma_semaphore, #tpu.memory_space<semaphore_mem>>) src(%arg10 : memref<128x64xf32, #tpu.memory_space<vmem>>) dst(%dma_wait3A_237 : memref<10240x64xf32, #tpu.memory_space<vmem_shared>>)
      %add3A_238 = arith.constant 1 : i32
      %add3A_239 = arith.addi %add3A_23, %add3A_238 : i32
      %dma_wait3A_240 = arith.constant 0 : i32
      %dma_wait3A_241 = tpu.memref_slice %arg9[%add3A_239, %dma_wait3A_240] : memref<160x128xi32, #tpu.memory_space<vmem>> -> memref<1x128xi32, #tpu.memory_space<vmem>>
      %dma_wait3A_242 = tpu.memref_squeeze %dma_wait3A_241 : memref<1x128xi32, #tpu.memory_space<vmem>> -> memref<128xi32, #tpu.memory_space<vmem>>
      %dma_wait3A_243 = arith.constant 0 : i32
      %dma_wait3A_244 = arith.constant 0 : i32
      %dma_wait3A_245 = tpu.memref_slice %arg14[%dma_wait3A_243, %dma_wait3A_244] : memref<10240x64xf32, #tpu.memory_space<vmem_shared>> -> memref<10240x64xf32, #tpu.memory_space<vmem_shared>>
      tpu.wait_indirect_dma semaphore(%arg20 : memref<!tpu.dma_semaphore, #tpu.memory_space<semaphore_mem>>) src(%arg11 : memref<128x64xf32, #tpu.memory_space<vmem>>) dst(%dma_wait3A_245 : memref<10240x64xf32, #tpu.memory_space<vmem_shared>>)
      %add3A_246 = arith.constant 2 : i32
      %add3A_247 = arith.addi %add3A_23, %add3A_246 : i32
      %dma_wait3A_248 = arith.constant 0 : i32
      %dma_wait3A_249 = tpu.memref_slice %arg9[%add3A_247, %dma_wait3A_248] : memref<160x128xi32, #tpu.memory_space<vmem>> -> memref<1x128xi32, #tpu.memory_space<vmem>>
      %dma_wait3A_250 = tpu.memref_squeeze %dma_wait3A_249 : memref<1x128xi32, #tpu.memory_space<vmem>> -> memref<128xi32, #tpu.memory_space<vmem>>
      %dma_wait3A_251 = arith.constant 0 : i32
      %dma_wait3A_252 = arith.constant 0 : i32
      %dma_wait3A_253 = tpu.memref_slice %arg14[%dma_wait3A_251, %dma_wait3A_252] : memref<10240x64xf32, #tpu.memory_space<vmem_shared>> -> memref<10240x64xf32, #tpu.memory_space<vmem_shared>>
      tpu.wait_indirect_dma semaphore(%arg21 : memref<!tpu.dma_semaphore, #tpu.memory_space<semaphore_mem>>) src(%arg12 : memref<128x64xf32, #tpu.memory_space<vmem>>) dst(%dma_wait3A_253 : memref<10240x64xf32, #tpu.memory_space<vmem_shared>>)
      %add3A_254 = arith.constant 3 : i32
      %add3A_255 = arith.addi %add3A_23, %add3A_254 : i32
      %dma_wait3A_256 = arith.constant 0 : i32
      %dma_wait3A_257 = tpu.memref_slice %arg9[%add3A_255, %dma_wait3A_256] : memref<160x128xi32, #tpu.memory_space<vmem>> -> memref<1x128xi32, #tpu.memory_space<vmem>>
      %dma_wait3A_258 = tpu.memref_squeeze %dma_wait3A_257 : memref<1x128xi32, #tpu.memory_space<vmem>> -> memref<128xi32, #tpu.memory_space<vmem>>
      %dma_wait3A_259 = arith.constant 0 : i32
      %dma_wait3A_260 = arith.constant 0 : i32
      %dma_wait3A_261 = tpu.memref_slice %arg14[%dma_wait3A_259, %dma_wait3A_260] : memref<10240x64xf32, #tpu.memory_space<vmem_shared>> -> memref<10240x64xf32, #tpu.memory_space<vmem_shared>>
      tpu.wait_indirect_dma semaphore(%arg22 : memref<!tpu.dma_semaphore, #tpu.memory_space<semaphore_mem>>) src(%arg13 : memref<128x64xf32, #tpu.memory_space<vmem>>) dst(%dma_wait3A_261 : memref<10240x64xf32, #tpu.memory_space<vmem_shared>>)
    }
    %scan3A_14 = arith.constant 20 : i32
    %barrier3A_15 = arith.constant 0 : index
    tpu.barrier barrier_id(%barrier3A_15)
    %mul3A_16 = arith.constant 64 : i32
    %mul3A_17 = arith.muli %arg0, %mul3A_16 : i32
    "tpu.region"() ({
      %run_scoped3A = tpu.sem_alloc : memref<!tpu.dma_semaphore, #tpu.memory_space<semaphore_mem>>
      %dma_start3A = tpu.memref_slice %arg7[%mul3A_0, %mul3A_17] : memref<10240x128xf32, #tpu.memory_space<hbm>> -> memref<640x64xf32, #tpu.memory_space<hbm>>
      %dma_start3A_18 = arith.constant 0 : i32
      %dma_start3A_19 = tpu.memref_slice %arg14[%mul3A_0, %dma_start3A_18] : memref<10240x64xf32, #tpu.memory_space<vmem_shared>> -> memref<640x64xf32, #tpu.memory_space<vmem_shared>>
      tpu.enqueue_dma source(%dma_start3A_19 : memref<640x64xf32, #tpu.memory_space<vmem_shared>>) target(%dma_start3A : memref<640x64xf32, #tpu.memory_space<hbm>>) target_semaphore(%run_scoped3A : memref<!tpu.dma_semaphore, #tpu.memory_space<semaphore_mem>>)
      %dma_wait3A = tpu.memref_slice %arg7[%mul3A_0, %mul3A_17] : memref<10240x128xf32, #tpu.memory_space<hbm>> -> memref<640x64xf32, #tpu.memory_space<hbm>>
      %dma_wait3A_20 = arith.constant 0 : i32
      %dma_wait3A_21 = tpu.memref_slice %arg14[%mul3A_0, %dma_wait3A_20] : memref<10240x64xf32, #tpu.memory_space<vmem_shared>> -> memref<640x64xf32, #tpu.memory_space<vmem_shared>>
      tpu.wait_dma2 semaphore(%run_scoped3A : memref<!tpu.dma_semaphore, #tpu.memory_space<semaphore_mem>>) src(%dma_wait3A_21 : memref<640x64xf32, #tpu.memory_space<vmem_shared>>) dst(%dma_wait3A : memref<640x64xf32, #tpu.memory_space<hbm>>)
      tpu.yield
    }) : () -> ()
    return
  }
}

module attributes {stable_mosaic.version = 14 : i64} {
  func.func @body(%arg0: i32, %arg1: memref<512x128xf32, #tpu.memory_space<vmem>>, %arg2: memref<512x128xf32, #tpu.memory_space<vmem>>, %arg3: memref<512x128xf32, #tpu.memory_space<vmem>>, %arg4: memref<512x1xf32, #tpu.memory_space<vmem>>, %arg5: memref<512x1xf32, #tpu.memory_space<vmem>>) attributes {dimension_semantics = [#tpu.dimension_semantics<arbitrary>], iteration_bounds = array<i64: 20>, scalar_prefetch = 0 : i64, scratch_operands = 0 : i64, tpu.core_type = #tpu.core_type<tc>, window_params = [{transform_indices = @transform_0, window_bounds = array<i64: 512, 128>}, {transform_indices = @transform_1, window_bounds = array<i64: 512, 128>}, {transform_indices = @transform_2, window_bounds = array<i64: 512, 128>}, {transform_indices = @transform_3, window_bounds = array<i64: 512, 1>}, {transform_indices = @transform_4, window_bounds = array<i64: 512, 1>}]} {
    %get3A = arith.constant 0 : index
    %get3A_0 = arith.constant 0 : index
    %get3A_1 = vector.load %arg2[%get3A, %get3A_0] : memref<512x128xf32, #tpu.memory_space<vmem>>, vector<512x1xf32>
    %max3A = arith.constant 1.000000e+00 : f32
    %max3A_2 = vector.broadcast %max3A : f32 to vector<512x1xf32>
    %max3A_3 = arith.maximumf %get3A_1, %max3A_2 : vector<512x1xf32>
    %rsqrt3A = math.rsqrt %max3A_3 : vector<512x1xf32>
    %get3A_4 = arith.constant 0 : index
    %get3A_5 = arith.constant 64 : index
    %get3A_6 = vector.load %arg2[%get3A_4, %get3A_5] : memref<512x128xf32, #tpu.memory_space<vmem>>, vector<512x1xf32>
    %max3A_7 = arith.constant 1.000000e+00 : f32
    %max3A_8 = vector.broadcast %max3A_7 : f32 to vector<512x1xf32>
    %max3A_9 = arith.maximumf %get3A_6, %max3A_8 : vector<512x1xf32>
    %rsqrt3A_10 = math.rsqrt %max3A_9 : vector<512x1xf32>
    %get3A_11 = arith.constant 0 : index
    %get3A_12 = arith.constant 0 : index
    %get3A_13 = vector.load %arg1[%get3A_11, %get3A_12] : memref<512x128xf32, #tpu.memory_space<vmem>>, vector<512x128xf32>
    %mul3A = vector.broadcast %rsqrt3A : vector<512x1xf32> to vector<512x128xf32>
    %mul3A_14 = arith.mulf %get3A_13, %mul3A : vector<512x128xf32>
    %swap3A = arith.constant 0 : index
    %swap3A_15 = arith.constant 0 : index
    %swap3A_16 = vector.load %arg3[%swap3A, %swap3A_15] : memref<512x128xf32, #tpu.memory_space<vmem>>, vector<512x128xf32>
    tpu.vector_store %arg3[%swap3A, %swap3A_15], %mul3A_14 {strides = array<i32>} : memref<512x128xf32, #tpu.memory_space<vmem>>, vector<512x128xf32>,
    %swap3A_17 = arith.constant 0 : index
    %swap3A_18 = arith.constant 0 : index
    %swap3A_19 = vector.load %arg4[%swap3A_17, %swap3A_18] : memref<512x1xf32, #tpu.memory_space<vmem>>, vector<512x1xf32>
    tpu.vector_store %arg4[%swap3A_17, %swap3A_18], %rsqrt3A {strides = array<i32>} : memref<512x1xf32, #tpu.memory_space<vmem>>, vector<512x1xf32>,
    %swap3A_20 = arith.constant 0 : index
    %swap3A_21 = arith.constant 0 : index
    %swap3A_22 = vector.load %arg5[%swap3A_20, %swap3A_21] : memref<512x1xf32, #tpu.memory_space<vmem>>, vector<512x1xf32>
    tpu.vector_store %arg5[%swap3A_20, %swap3A_21], %rsqrt3A_10 {strides = array<i32>} : memref<512x1xf32, #tpu.memory_space<vmem>>, vector<512x1xf32>,
    return
  }
  func.func @transform_0(%arg0: i32) -> (i32, i32) {
    %c0_i32 = arith.constant 0 : i32
    %c0_i32_0 = arith.constant 0 : i32
    return %arg0, %c0_i32 : i32, i32
  }
  func.func @transform_1(%arg0: i32) -> (i32, i32) {
    %c0_i32 = arith.constant 0 : i32
    %c0_i32_0 = arith.constant 0 : i32
    return %arg0, %c0_i32 : i32, i32
  }
  func.func @transform_2(%arg0: i32) -> (i32, i32) {
    %c0_i32 = arith.constant 0 : i32
    %c0_i32_0 = arith.constant 0 : i32
    return %arg0, %c0_i32 : i32, i32
  }
  func.func @transform_3(%arg0: i32) -> (i32, i32) {
    %c0_i32 = arith.constant 0 : i32
    %c0_i32_0 = arith.constant 0 : i32
    return %arg0, %c0_i32 : i32, i32
  }
  func.func @transform_4(%arg0: i32) -> (i32, i32) {
    %c0_i32 = arith.constant 0 : i32
    %c0_i32_0 = arith.constant 0 : i32
    return %arg0, %c0_i32 : i32, i32
  }
}

module attributes {stable_mosaic.version = 14 : i64} {
  func.func @body(%arg0: i32, %arg1: memref<512x128xf32, #tpu.memory_space<vmem>>, %arg2: memref<512x1xf32, #tpu.memory_space<vmem>>, %arg3: memref<512x1xf32, #tpu.memory_space<vmem>>, %arg4: memref<128x128xf32, #tpu.memory_space<vmem>>, %arg5: memref<1x128xf32, #tpu.memory_space<vmem>>, %arg6: memref<512x128xf32, #tpu.memory_space<vmem>>) attributes {dimension_semantics = [#tpu.dimension_semantics<arbitrary>], iteration_bounds = array<i64: 20>, scalar_prefetch = 0 : i64, scratch_operands = 0 : i64, tpu.core_type = #tpu.core_type<tc>, window_params = [{transform_indices = @transform_0, window_bounds = array<i64: 512, 128>}, {transform_indices = @transform_1, window_bounds = array<i64: 512, 1>}, {transform_indices = @transform_2, window_bounds = array<i64: 512, 1>}, {pipeline_mode = #tpu.pipeline_mode<synchronous>, transform_indices = @transform_3, window_bounds = array<i64: 128, 128>}, {pipeline_mode = #tpu.pipeline_mode<synchronous>, transform_indices = @transform_4, window_bounds = array<i64: 1, 128>}, {transform_indices = @transform_5, window_bounds = array<i64: 512, 128>}]} {
    %get3A = arith.constant 0 : index
    %get3A_0 = arith.constant 0 : index
    %get3A_1 = vector.load %arg1[%get3A, %get3A_0] : memref<512x128xf32, #tpu.memory_space<vmem>>, vector<512x128xf32>
    %get3A_2 = arith.constant 0 : index
    %get3A_3 = arith.constant 0 : index
    %get3A_4 = vector.load %arg2[%get3A_2, %get3A_3] : memref<512x1xf32, #tpu.memory_space<vmem>>, vector<512x1xf32>
    %mul3A = vector.broadcast %get3A_4 : vector<512x1xf32> to vector<512x128xf32>
    %mul3A_5 = arith.mulf %get3A_1, %mul3A : vector<512x128xf32>
    %get3A_6 = arith.constant 0 : index
    %get3A_7 = arith.constant 0 : index
    %get3A_8 = vector.load %arg4[%get3A_6, %get3A_7] : memref<128x128xf32, #tpu.memory_space<vmem>>, vector<128x128xf32>
    %dot_general3A = arith.constant dense<0.000000e+00> : vector<512x128xf32>
    %dot_general3A_9 = tpu.matmul %mul3A_5, %get3A_8, %dot_general3A {dimension_numbers = #tpu.dot_dimension_numbers<[1], [0], [0], [1], [0, 0, 1, 1], [], []>, transpose_lhs_hint = false} : vector<512x128xf32>, vector<128x128xf32>, vector<512x128xf32> -> vector<512x128xf32>
    %get3A_10 = arith.constant 0 : index
    %get3A_11 = arith.constant 0 : index
    %get3A_12 = vector.load %arg5[%get3A_10, %get3A_11] : memref<1x128xf32, #tpu.memory_space<vmem>>, vector<1x128xf32>
    %add3A = vector.broadcast %get3A_12 : vector<1x128xf32> to vector<512x128xf32>
    %add3A_13 = arith.addf %dot_general3A_9, %add3A : vector<512x128xf32>
    %gt3A = arith.constant 0.000000e+00 : f32
    %gt3A_14 = vector.broadcast %gt3A : f32 to vector<512x128xf32>
    %gt3A_15 = arith.cmpf ogt, %add3A_13, %gt3A_14 : vector<512x128xf32>
    %exp3A = math.exp %add3A_13 : vector<512x128xf32>
    %sub3A = arith.constant 1.000000e+00 : f32
    %sub3A_16 = vector.broadcast %sub3A : f32 to vector<512x128xf32>
    %sub3A_17 = arith.subf %exp3A, %sub3A_16 : vector<512x128xf32>
    %select_n3A = arith.select %gt3A_15, %add3A_13, %sub3A_17 : vector<512x128xi1>, vector<512x128xf32>
    %get3A_18 = arith.constant 0 : index
    %get3A_19 = arith.constant 0 : index
    %get3A_20 = vector.load %arg3[%get3A_18, %get3A_19] : memref<512x1xf32, #tpu.memory_space<vmem>>, vector<512x1xf32>
    %mul3A_21 = vector.broadcast %get3A_20 : vector<512x1xf32> to vector<512x128xf32>
    %mul3A_22 = arith.mulf %select_n3A, %mul3A_21 : vector<512x128xf32>
    %swap3A = arith.constant 0 : index
    %swap3A_23 = arith.constant 0 : index
    %swap3A_24 = vector.load %arg6[%swap3A, %swap3A_23] : memref<512x128xf32, #tpu.memory_space<vmem>>, vector<512x128xf32>
    tpu.vector_store %arg6[%swap3A, %swap3A_23], %mul3A_22 {strides = array<i32>} : memref<512x128xf32, #tpu.memory_space<vmem>>, vector<512x128xf32>,
    return
  }
  func.func @transform_0(%arg0: i32) -> (i32, i32) {
    %c0_i32 = arith.constant 0 : i32
    %c0_i32_0 = arith.constant 0 : i32
    return %arg0, %c0_i32 : i32, i32
  }
  func.func @transform_1(%arg0: i32) -> (i32, i32) {
    %c0_i32 = arith.constant 0 : i32
    %c0_i32_0 = arith.constant 0 : i32
    return %arg0, %c0_i32 : i32, i32
  }
  func.func @transform_2(%arg0: i32) -> (i32, i32) {
    %c0_i32 = arith.constant 0 : i32
    %c0_i32_0 = arith.constant 0 : i32
    return %arg0, %c0_i32 : i32, i32
  }
  func.func @transform_3(%arg0: i32) -> (i32, i32) {
    %c0_i32 = arith.constant 0 : i32
    %c0_i32_0 = arith.constant 0 : i32
    %c0_i32_1 = arith.constant 0 : i32
    return %c0_i32, %c0_i32_0 : i32, i32
  }
  func.func @transform_4(%arg0: i32) -> (i32, i32) {
    %c0_i32 = arith.constant 0 : i32
    %c0_i32_0 = arith.constant 0 : i32
    %c0_i32_1 = arith.constant 0 : i32
    return %c0_i32, %c0_i32_0 : i32, i32
  }
  func.func @transform_5(%arg0: i32) -> (i32, i32) {
    %c0_i32 = arith.constant 0 : i32
    %c0_i32_0 = arith.constant 0 : i32
    return %arg0, %c0_i32 : i32, i32
  }
}

module attributes {stable_mosaic.version = 14 : i64} {
  func.func @body(%arg0: i32, %arg1: memref<512x128xf32, #tpu.memory_space<vmem>>, %arg2: memref<512x1xf32, #tpu.memory_space<vmem>>, %arg3: memref<512x1xf32, #tpu.memory_space<vmem>>, %arg4: memref<128x128xf32, #tpu.memory_space<vmem>>, %arg5: memref<1x128xf32, #tpu.memory_space<vmem>>, %arg6: memref<128x48xf32, #tpu.memory_space<vmem>>, %arg7: memref<512x48xf32, #tpu.memory_space<vmem>>) attributes {dimension_semantics = [#tpu.dimension_semantics<arbitrary>], iteration_bounds = array<i64: 20>, scalar_prefetch = 0 : i64, scratch_operands = 0 : i64, tpu.core_type = #tpu.core_type<tc>, window_params = [{transform_indices = @transform_0, window_bounds = array<i64: 512, 128>}, {transform_indices = @transform_1, window_bounds = array<i64: 512, 1>}, {transform_indices = @transform_2, window_bounds = array<i64: 512, 1>}, {pipeline_mode = #tpu.pipeline_mode<synchronous>, transform_indices = @transform_3, window_bounds = array<i64: 128, 128>}, {pipeline_mode = #tpu.pipeline_mode<synchronous>, transform_indices = @transform_4, window_bounds = array<i64: 1, 128>}, {pipeline_mode = #tpu.pipeline_mode<synchronous>, transform_indices = @transform_5, window_bounds = array<i64: 128, 48>}, {transform_indices = @transform_6, window_bounds = array<i64: 512, 48>}]} {
    %get3A = arith.constant 0 : index
    %get3A_0 = arith.constant 0 : index
    %get3A_1 = vector.load %arg1[%get3A, %get3A_0] : memref<512x128xf32, #tpu.memory_space<vmem>>, vector<512x128xf32>
    %get3A_2 = arith.constant 0 : index
    %get3A_3 = arith.constant 0 : index
    %get3A_4 = vector.load %arg2[%get3A_2, %get3A_3] : memref<512x1xf32, #tpu.memory_space<vmem>>, vector<512x1xf32>
    %mul3A = vector.broadcast %get3A_4 : vector<512x1xf32> to vector<512x128xf32>
    %mul3A_5 = arith.mulf %get3A_1, %mul3A : vector<512x128xf32>
    %get3A_6 = arith.constant 0 : index
    %get3A_7 = arith.constant 0 : index
    %get3A_8 = vector.load %arg4[%get3A_6, %get3A_7] : memref<128x128xf32, #tpu.memory_space<vmem>>, vector<128x128xf32>
    %dot_general3A = arith.constant dense<0.000000e+00> : vector<512x128xf32>
    %dot_general3A_9 = tpu.matmul %mul3A_5, %get3A_8, %dot_general3A {dimension_numbers = #tpu.dot_dimension_numbers<[1], [0], [0], [1], [0, 0, 1, 1], [], []>, transpose_lhs_hint = false} : vector<512x128xf32>, vector<128x128xf32>, vector<512x128xf32> -> vector<512x128xf32>
    %get3A_10 = arith.constant 0 : index
    %get3A_11 = arith.constant 0 : index
    %get3A_12 = vector.load %arg5[%get3A_10, %get3A_11] : memref<1x128xf32, #tpu.memory_space<vmem>>, vector<1x128xf32>
    %add3A = vector.broadcast %get3A_12 : vector<1x128xf32> to vector<512x128xf32>
    %add3A_13 = arith.addf %dot_general3A_9, %add3A : vector<512x128xf32>
    %gt3A = arith.constant 0.000000e+00 : f32
    %gt3A_14 = vector.broadcast %gt3A : f32 to vector<512x128xf32>
    %gt3A_15 = arith.cmpf ogt, %add3A_13, %gt3A_14 : vector<512x128xf32>
    %exp3A = math.exp %add3A_13 : vector<512x128xf32>
    %sub3A = arith.constant 1.000000e+00 : f32
    %sub3A_16 = vector.broadcast %sub3A : f32 to vector<512x128xf32>
    %sub3A_17 = arith.subf %exp3A, %sub3A_16 : vector<512x128xf32>
    %select_n3A = arith.select %gt3A_15, %add3A_13, %sub3A_17 : vector<512x128xi1>, vector<512x128xf32>
    %get3A_18 = arith.constant 0 : index
    %get3A_19 = arith.constant 0 : index
    %get3A_20 = vector.load %arg3[%get3A_18, %get3A_19] : memref<512x1xf32, #tpu.memory_space<vmem>>, vector<512x1xf32>
    %mul3A_21 = vector.broadcast %get3A_20 : vector<512x1xf32> to vector<512x128xf32>
    %mul3A_22 = arith.mulf %select_n3A, %mul3A_21 : vector<512x128xf32>
    %get3A_23 = arith.constant 0 : index
    %get3A_24 = arith.constant 0 : index
    %get3A_25 = vector.load %arg6[%get3A_23, %get3A_24] : memref<128x48xf32, #tpu.memory_space<vmem>>, vector<128x48xf32>
    %dot_general3A_26 = arith.constant dense<0.000000e+00> : vector<512x48xf32>
    %dot_general3A_27 = tpu.matmul %mul3A_22, %get3A_25, %dot_general3A_26 {dimension_numbers = #tpu.dot_dimension_numbers<[1], [0], [0], [1], [0, 0, 1, 1], [], []>, transpose_lhs_hint = false} : vector<512x128xf32>, vector<128x48xf32>, vector<512x48xf32> -> vector<512x48xf32>
    %swap3A = arith.constant 0 : index
    %swap3A_28 = arith.constant 0 : index
    %swap3A_29 = vector.load %arg7[%swap3A, %swap3A_28] : memref<512x48xf32, #tpu.memory_space<vmem>>, vector<512x48xf32>
    tpu.vector_store %arg7[%swap3A, %swap3A_28], %dot_general3A_27 {strides = array<i32>} : memref<512x48xf32, #tpu.memory_space<vmem>>, vector<512x48xf32>,
    return
  }
  func.func @transform_0(%arg0: i32) -> (i32, i32) {
    %c0_i32 = arith.constant 0 : i32
    %c0_i32_0 = arith.constant 0 : i32
    return %arg0, %c0_i32 : i32, i32
  }
  func.func @transform_1(%arg0: i32) -> (i32, i32) {
    %c0_i32 = arith.constant 0 : i32
    %c0_i32_0 = arith.constant 0 : i32
    return %arg0, %c0_i32 : i32, i32
  }
  func.func @transform_2(%arg0: i32) -> (i32, i32) {
    %c0_i32 = arith.constant 0 : i32
    %c0_i32_0 = arith.constant 0 : i32
    return %arg0, %c0_i32 : i32, i32
  }
  func.func @transform_3(%arg0: i32) -> (i32, i32) {
    %c0_i32 = arith.constant 0 : i32
    %c0_i32_0 = arith.constant 0 : i32
    %c0_i32_1 = arith.constant 0 : i32
    return %c0_i32, %c0_i32_0 : i32, i32
  }
  func.func @transform_4(%arg0: i32) -> (i32, i32) {
    %c0_i32 = arith.constant 0 : i32
    %c0_i32_0 = arith.constant 0 : i32
    %c0_i32_1 = arith.constant 0 : i32
    return %c0_i32, %c0_i32_0 : i32, i32
  }
  func.func @transform_5(%arg0: i32) -> (i32, i32) {
    %c0_i32 = arith.constant 0 : i32
    %c0_i32_0 = arith.constant 0 : i32
    %c0_i32_1 = arith.constant 0 : i32
    return %c0_i32, %c0_i32_0 : i32, i32
  }
  func.func @transform_6(%arg0: i32) -> (i32, i32) {
    %c0_i32 = arith.constant 0 : i32
    %c0_i32_0 = arith.constant 0 : i32
    return %arg0, %c0_i32 : i32, i32
  }
}

module attributes {stable_mosaic.version = 14 : i64} {
  func.func @body(%arg0: i32, %arg1: memref<512x128xf32, #tpu.memory_space<vmem>>, %arg2: memref<512x1xf32, #tpu.memory_space<vmem>>, %arg3: memref<1x48xf32, #tpu.memory_space<vmem>>, %arg4: memref<512x40xf32, #tpu.memory_space<vmem>>) attributes {dimension_semantics = [#tpu.dimension_semantics<arbitrary>], iteration_bounds = array<i64: 20>, scalar_prefetch = 0 : i64, scratch_operands = 0 : i64, tpu.core_type = #tpu.core_type<tc>, window_params = [{transform_indices = @transform_0, window_bounds = array<i64: 512, 128>}, {transform_indices = @transform_1, window_bounds = array<i64: 512, 1>}, {pipeline_mode = #tpu.pipeline_mode<synchronous>, transform_indices = @transform_2, window_bounds = array<i64: 1, 48>}, {transform_indices = @transform_3, window_bounds = array<i64: 512, 40>}]} {
    %get3A = arith.constant 0 : index
    %get3A_0 = arith.constant 0 : index
    %get3A_1 = vector.load %arg1[%get3A, %get3A_0] : memref<512x128xf32, #tpu.memory_space<vmem>>, vector<512x128xf32>
    %slice3A = vector.extract_strided_slice %get3A_1 {offsets = [0, 0], sizes = [512, 48], strides = [1, 1]} : vector<512x128xf32> to vector<512x48xf32>
    %slice3A_2 = vector.extract_strided_slice %get3A_1 {offsets = [0, 64], sizes = [512, 48], strides = [1, 1]} : vector<512x128xf32> to vector<512x48xf32>
    %add3A = arith.addf %slice3A, %slice3A_2 : vector<512x48xf32>
    %get3A_3 = arith.constant 0 : index
    %get3A_4 = arith.constant 0 : index
    %get3A_5 = vector.load %arg2[%get3A_3, %get3A_4] : memref<512x1xf32, #tpu.memory_space<vmem>>, vector<512x1xf32>
    %mul3A = vector.broadcast %get3A_5 : vector<512x1xf32> to vector<512x48xf32>
    %mul3A_6 = arith.mulf %add3A, %mul3A : vector<512x48xf32>
    %get3A_7 = arith.constant 0 : index
    %get3A_8 = arith.constant 0 : index
    %get3A_9 = vector.load %arg3[%get3A_7, %get3A_8] : memref<1x48xf32, #tpu.memory_space<vmem>>, vector<1x48xf32>
    %add3A_10 = vector.broadcast %get3A_9 : vector<1x48xf32> to vector<512x48xf32>
    %add3A_11 = arith.addf %mul3A_6, %add3A_10 : vector<512x48xf32>
    %slice3A_12 = vector.extract_strided_slice %add3A_11 {offsets = [0, 0], sizes = [512, 40], strides = [1, 1]} : vector<512x48xf32> to vector<512x40xf32>
    %swap3A = arith.constant 0 : index
    %swap3A_13 = arith.constant 0 : index
    %swap3A_14 = vector.load %arg4[%swap3A, %swap3A_13] : memref<512x40xf32, #tpu.memory_space<vmem>>, vector<512x40xf32>
    tpu.vector_store %arg4[%swap3A, %swap3A_13], %slice3A_12 {strides = array<i32>} : memref<512x40xf32, #tpu.memory_space<vmem>>, vector<512x40xf32>,
    return
  }
  func.func @transform_0(%arg0: i32) -> (i32, i32) {
    %c0_i32 = arith.constant 0 : i32
    %c0_i32_0 = arith.constant 0 : i32
    return %arg0, %c0_i32 : i32, i32
  }
  func.func @transform_1(%arg0: i32) -> (i32, i32) {
    %c0_i32 = arith.constant 0 : i32
    %c0_i32_0 = arith.constant 0 : i32
    return %arg0, %c0_i32 : i32, i32
  }
  func.func @transform_2(%arg0: i32) -> (i32, i32) {
    %c0_i32 = arith.constant 0 : i32
    %c0_i32_0 = arith.constant 0 : i32
    %c0_i32_1 = arith.constant 0 : i32
    return %c0_i32, %c0_i32_0 : i32, i32
  }
  func.func @transform_3(%arg0: i32) -> (i32, i32) {
    %c0_i32 = arith.constant 0 : i32
    %c0_i32_0 = arith.constant 0 : i32
    return %arg0, %c0_i32 : i32, i32
  }
}

</mosaic_0001>

<sc_bundles>
// kernel: kernel.10.cloned.1.call-start
scs
__scs_entry_jumppad:
0x0: {  	(pc) =	sbr.rel $0x88, $3  }
0x1: {  	(tag) =	ssettag $0x0;
	lr =	simm.s32 $0x1  }
0x2: {  	[smem:$0x3F99] =	sst lr;
	_ =	strace $0xD0000000  }
0x3: {  	_ = 	snop  }
0x4: {  	_ = 	snop  }
0x5: {  	_ = 	snop  }
0x6: {  	_ = 	snop  }
0x7: {  	_ = 	snop  }
__scs_overlays_trampoline_lowered:
0x8: {  	[smem:$0x3FA8] =	sst s0  }
0x9: {  	[smem:$0x3FA9] =	sst s1  }
0xa: {  	[smem:$0x3FAA] =	sst s2  }
0xb: {  	[smem:$0x3FAB] =	sst s3  }
0xc: {  	[smem:$0x3FAC] =	sst s4  }
0xd: {  	[smem:$0x3FAD] =	sst s5  }
0xe: {  	[smem:$0x3FAE] =	sst s6  }
0xf: {  	[smem:$0x3FAF] =	sst s7  }
0x10: {  	[smem:$0x3FB0] =	sst s8  }
0x11: {  	[smem:$0x3FB1] =	sst s9;
	s0 =	simm.s32 @!p0 $0x0  }
0x12: {  	s1 =	sld [smem:$0x3F97];
	s0 =	simm.s32 @p0 $0x1  }
0x13: {  	[smem:$0x3FB2] =	sst s0;
	s0 =	simm.s32 @!p1 $0x0  }
0x14: {  	s2 =	sld [smem:$0x3F96];
	s0 =	simm.s32 @p1 $0x1  }
0x15: {  	[smem:$0x3FB3] =	sst s0;
	s0 =	simm.s32 @!p2 $0x0  }
0x16: {  	s3 =	sld [smem:$0x3FDB];
	s0 =	simm.s32 @p2 $0x1  }
0x17: {  	s4 =	simm.s32 $0x1BF5;
	[smem:$0x3FB5] =	sst s0  }
0x18: {  	s0 =	sld [smem:$0x3F98];
	_ =	swait.ge [sflag:s4], $0x0  }
0x19: {  	s7 =	sld [smem:$0x3F99]  }
0x1a: {  	s8 =	sadd.s32 $0xFFFFE003, lr  }
0x1b: {  	s9 =	sadd.s32 $0xFFFFFEF7, lr;
	s5 =	simm.s32 $0xFFFFFFFF;
	p2 =	slt.u32 s8, $0xFFFFF086  }
0x1c: {  	p1 =	slt.u32 s9, $0xF7A;
	s5 =	simm.s32 @!p2 $0x0  }
0x1d: {  	s5 =	simm.s32 @p1 $0x1;
	p0 =	seq.s32 s7, s2  }
0x1e: {  	s7 =	smul.u32 @!p0 $0xF7A, s2;
	p2 =	seq.s32 @!p0 s5, $0x0  }
0x1f: {  	s9 =	smul.u32 $0xF7A, s1;
	s8 =	simm.s32 @!p0 $0x1BF5;
	p2 =	por !p2, p0  }
0x20: {  	[sflag:s8] =	ssyncset.s32 @!p0 $0xFFFFF086;
	s6 =	sadd.s32 @!p0 s3, s7;
	s7 =	simm.s32 @!p0 $0x108  }
0x21: {  	s3 =	sadd.s32 s3, s9;
	s6 =	sadd.s32 @!p0 $0x88, s6;
	s7 =	simm.s32 @p2 $0x1082  }
0x22: {  	[simem:s7], [sflag:s8] =	dma.local @!p0 [hbm:s6], $0xF7A  }
0x23: {  	s9 =	sor.u32 $0xD0000000, s2;
	s6 =	simm.s32 $0x108;
	_ =	swait.ge @!p0 [sflag:s8], $0x0  }
0x24: {  	s3 =	sadd.s32 $0x88, s3;
	s6 =	simm.s32 @!p1 $0x1082;
	[sflag:s4] =	ssyncset.s32 $0xFFFFF086  }
0x25: {  	[simem:s6], [sflag:s4] =	dma.local [hbm:s3], $0xF7A  }
0x26: {  	[smem:$0x3F99] =	sst s1;
	(tag) =	ssettag s2;
	_ =	strace s9  }
0x27: {  	s1 =	sld [smem:$0x3FA9]  }
0x28: {  	s2 =	sld [smem:$0x3FAA]  }
0x29: {  	s4 =	sld [smem:$0x3FAC]  }
0x2a: {  	p0 =	seq.s32 s5, $0x0;
	s5 =	sld [smem:$0x3FAD]  }
0x2b: {  	s6 =	sld [smem:$0x3FAE]  }
0x2c: {  	s7 =	sld [smem:$0x3FAF]  }
0x2d: {  	s3 =	simm.s32 $0x108;
	s8 =	sld [smem:$0x3FB0]  }
0x2e: {  	s3 =	simm.s32 @!p0 $0x1082;
	s9 =	sld [smem:$0x3FB1]  }
0x2f: {  	lr =	sadd.s32 s0, s3;
	s0 =	sld [smem:$0x3FA8]  }
0x30: {  	s3 =	sld [smem:$0x3FAB]  }
0x31: {  	[smem:$0x3FB4] =	sst s10  }
0x32: {  	s10 =	sld [smem:$0x3FB2];
	_ =	sdelay $0x3  }
0x33: {  	p0 =	seq.s32 s10, $0x1;
	s10 =	sld [smem:$0x3FB4];
	_ =	sdelay $0x3  }
0x34: {  	[smem:$0x3FB4] =	sst s10  }
0x35: {  	s10 =	sld [smem:$0x3FB3];
	_ =	sdelay $0x3  }
0x36: {  	p1 =	seq.s32 s10, $0x1;
	s10 =	sld [smem:$0x3FB4];
	_ =	sdelay $0x3  }
0x37: {  	[smem:$0x3FB4] =	sst s10  }
0x38: {  	s10 =	sld [smem:$0x3FB5]  }
0x39: {  	_ = 	snop;
	(pc) =	sbr.ind lr, $3  }
0x3a: {  	_ = 	snop  }
0x3b: {  	_ = 	snop  }
0x3c: {  	p2 =	seq.s32 s10, $0x1;
	s10 =	sld [smem:$0x3FB4]  }
0x3d: {  	_ =	shalt  }
0x3e: {  	_ =	shalt  }
0x3f: {  	_ =	shalt  }
0x40: {  	_ =	shalt  }
0x41: {  	_ =	shalt  }
0x42: {  	_ =	shalt  }
0x43: {  	_ =	shalt  }
0x44: {  	_ =	shalt  }
0x45: {  	_ =	shalt  }
0x46: {  	_ =	shalt  }
0x47: {  	_ =	shalt  }
0x48: {  	_ =	shalt  }
0x49: {  	_ =	shalt  }
0x4a: {  	_ =	shalt  }
0x4b: {  	_ =	shalt  }
0x4c: {  	_ =	shalt  }
0x4d: {  	_ =	shalt  }
0x4e: {  	_ =	shalt  }
0x4f: {  	_ =	shalt  }
0x50: {  	_ =	shalt  }
0x51: {  	_ =	shalt  }
0x52: {  	_ =	shalt  }
0x53: {  	_ =	shalt  }
0x54: {  	_ =	shalt  }
0x55: {  	_ =	shalt  }
0x56: {  	_ =	shalt  }
0x57: {  	_ =	shalt  }
0x58: {  	_ =	shalt  }
0x59: {  	_ =	shalt  }
0x5a: {  	_ =	shalt  }
0x5b: {  	_ =	shalt  }
0x5c: {  	_ =	shalt  }
0x5d: {  	_ =	shalt  }
0x5e: {  	_ =	shalt  }
0x5f: {  	_ =	shalt  }
0x60: {  	_ =	shalt  }
0x61: {  	_ =	shalt  }
0x62: {  	_ =	shalt  }
0x63: {  	_ =	shalt  }
0x64: {  	_ =	shalt  }
0x65: {  	_ =	shalt  }
0x66: {  	_ =	shalt  }
0x67: {  	_ =	shalt  }
0x68: {  	_ =	shalt  }
0x69: {  	_ =	shalt  }
0x6a: {  	_ =	shalt  }
0x6b: {  	_ =	shalt  }
0x6c: {  	_ =	shalt  }
0x6d: {  	_ =	shalt  }
0x6e: {  	_ =	shalt  }
0x6f: {  	_ =	shalt  }
0x70: {  	_ =	shalt  }
0x71: {  	_ =	shalt  }
0x72: {  	_ =	shalt  }
0x73: {  	_ =	shalt  }
0x74: {  	_ =	shalt  }
0x75: {  	_ =	shalt  }
0x76: {  	_ =	shalt  }
0x77: {  	_ =	shalt  }
0x78: {  	_ =	shalt  }
0x79: {  	_ =	shalt  }
0x7a: {  	_ =	shalt  }
0x7b: {  	_ =	shalt  }
0x7c: {  	_ =	shalt  }
0x7d: {  	_ =	shalt  }
0x7e: {  	_ =	shalt  }
0x7f: {  	_ =	shalt  }
0x80: {  	_ =	shalt  }
0x81: {  	_ =	shalt  }
0x82: {  	_ =	shalt  }
0x83: {  	_ =	shalt  }
0x84: {  	_ =	shalt  }
0x85: {  	_ =	shalt  }
0x86: {  	_ =	shalt  }
0x87: {  	_ =	shalt  }
.Lfunc_end0:
.L_simem_size_0:
called_computation_lowered:
.L_overlay_start_0:
0x88: {  	s2 =	sld [smem:$0x3FD9]  }
0x89: {  	s3 =	sld [smem:$0x3FFE];
	_ =	sdelay $0x1  }
0x8a: {  	s1 =	srdreg.scid  }
0x8b: {  	s0 =	sand.u32 $0x1, s1  }
0x8c: {  	s16 =	sshll.u32 s0, $0xA;
	s2 =	sadd.s32 s3, s2  }
0x8d: {  	s2 =	sadd.s32 s2, s16  }
0x8e: {  	[smem:$0x3FC0] =	sst s2  }
0x8f: {  	_ = 	snop  }
0x90: {  	(tm) =	ssettm $0x1  }
0x91: {  	s17 =	sld [smem:$0x3FFB];
	_ =	sdelay $0x3  }
0x92: {  	_ =	strace s17  }
0x93: {  	s2 =	sld [smem:$0x3FFC];
	_ =	sdelay $0x3  }
0x94: {  	_ =	strace s2  }
0x95: {  	s2 =	sld [smem:$0x3FFD];
	_ =	sdelay $0x3  }
0x96: {  	_ =	strace s2  }
0x97: {  	_ =	strace $0x8FFFFFFF  }
0x98: {  	s18 =	sld [smem:$0x3FDB];
	_ =	sdelay $0x1  }
0x99: {  	s19 =	simm.s32 $_scs_section_size  }
0x9a: {  	s4 =	simm.s32 $_size__tile_overlayer_lowered;
	s5 =	simm.s32 $_tile_overlayer_lowered  }
0x9b: {  	s22 =	simm.s32 $0x1BFF;
	s21 =	sshll.u32 s5, $0x1;
	s2 =	sadd.s32 s19, s18  }
0x9c: {  	s6 =	simm.s32 $0x0;
	s20 =	sshll.u32 s4, $0x1;
	s4 =	sadd.s32 s21, s2  }
0x9d: {  	[timem:s6], [sflag:s22] =	dma.local [hbm:s4], s20  }
0x9e: {  	_ =	swait.ge [sflag:s22], s20  }
0x9f: {  	s3 =	ssub.s32 $0x0, s20;
	[sflag:s22] =	ssyncset.done $0x0  }
0xa0: {  	[sflag:s22] =	ssyncadd.s32 s3;
	_ =	sdelay $0x1  }
0xa1: {  	s23 =	simm.s32 $0x1B8B  }
0xa2: {  	_ =	swait.ge [sflag:s23], $0x1  }
0xa3: {  	[sflag:s23] =	ssyncset.done $0x0  }
0xa4: {  	s25 =	simm.s32 $0x1B8E;
	s24 =	sld [smem:$0x3FFE];
	[sflag:s23] =	ssyncadd.s32 $0xFFFFFFFF  }
0xa5: {  	s26 =	simm.s32 $execute0_lowered;
	[smem:$0x3FD2] =	sst s25  }
0xa6: {  	s4 =	sshll.u32 s26, $0x1;
	_ =	strace $0x80000046;
	[dreg:$0x1] =	wrdreg $0xFFFFFFFF  }
0xa7: {  	s28 =	simm.s32 $_size_execute0_lowered;
	s2 =	sadd.s32 s2, s4;
	[dreg:$0x0] =	wrdreg $0x0  }
0xa8: {  	s4 =	sshll.u32 s28, $0x1;
	[dreg:$0x2] =	wrdreg s2  }
0xa9: {  	[dreg:$0x3] =	wrdreg s4  }
0xaa: {  	[dreg:$0x4] =	wrdreg $0xC0  }
0xab: {  	_ =	task [dreg:s6], $0x5FFFF  }
0xac: {  	[dreg:$0x1] =	wrdreg $0xFFFFFFFF  }
0xad: {  	[dreg:$0x0] =	wrdreg $0x60  }
0xae: {  	[dreg:$0x2] =	wrdreg s24  }
0xaf: {  	[dreg:$0x3] =	wrdreg $0x58000  }
0xb0: {  	[dreg:$0x4] =	wrdreg $0x9  }
0xb1: {  	_ =	task.clear_ibuf [dreg:s6], $0x5FFFF;
	_ =	strace $0x90000046  }
0xb2: {  	s29 =	simm.s32 $0x9;
	_ =	strace $0x80000048  }
0xb3: {  	_ =	swait.ge [sflag:s29], $0x1  }
0xb4: {  	[sflag:s29] =	ssyncadd.s32 $0xFFFFFFFF  }
0xb5: {  	_ =	strace $0x90000048  }
0xb6: {  	_ =	sfence  }
0xb7: {  	s30 =	sld [smem:$0x0];
	_ =	sdelay $0x2  }
0xb8: {  	s31 =	sshll.u32 s1, $0xD;
	s1 =	sshrl.u32 s1, $0x2  }
0xb9: {  	s3 =	sand.u32 $0x4000, s31;
	s1 =	sadd.s32 s1, s30  }
0xba: {  	s0 =	sor.u32 s3, s0;
	s1 =	sshll.u32 s1, $0x11  }
0xbb: {  	s0 =	sor.u32 s1, s0  }
0xbc: {  	s0 =	sadd.s32 $0x8F2B, s0  }
0xbd: {  	[sflag:s0] =	ssyncadd.remote.s32 $0x1  }
0xbe: {  	_ =	sfence.sel $0xFFFF  }
0xbf: {  	[dreg:$0x0] =	wrdreg $0xFFFFFFFF;
	(pc) =	sbr.abs _section_cstart, $3  }
0xc0: {  	[dreg:$0x1] =	wrdreg $0xFFFFFFFF  }
0xc1: {  	_ =	task.clear_ibuf [dreg:s6], $0x2FFFF;
	_ =	strace $0x9FFFFFFF  }
0xc2: {  	(tm) =	ssettm $0x7FFFFFFF  }
0xc3: {  	_ =	shalt  }
tec
execute0_lowered:
.L_overlay_start_1:
0x0: {  	(tag) =	ssettag $0x1  }
0x1: {  	s7 =	rddreg [dreg:$0x0]  }
0x2: {  	s2 =	rddreg [dreg:$0x1]  }
0x3: {  	s0 =	rddreg [dreg:$0x2]  }
0x4: {  	s1 =	stileid.u32;
	s4 =	srdreg.scid  }
0x5: {  	s3 =	simm.s32 $0x0;
	s13 =	simm.s32 $0x80;
	s14 =	simm.s32 $0x1  }
0x6: {  	s15 =	simm.s32 $0x2;
	s16 =	simm.s32 $0x10;
	s6 =	smul.u32 $0x14000, s1  }
0x7: {  	s17 =	simm.s32 $0x0;
	s5 =	sand.u32 $0x1, s4;
	s8 =	smul.u32 $0x2800, s1  }
0x8: {  	[smem:$0x7FF] =	sst s3;
	s4 =	sadd.s32 $0x1BC00, s7;
	s29 =	smul.u32 $0xA00, s1  }
0x9: {  	s31 =	sshll.u32 s1, $0x6;
	s9 =	sshll.u32 s5, $0x6;
	_ =	strace $0x80000047  }
0xa: {  	s10 =	ssub.s32 $0x2, s5;
	p0 =	seq.s32 s5, $0x1;
	s6 =	sor.u32 s9, s6  }
0xb: {  	s28 =	sshrl.u32 s8, $0x3;
	s11 =	sshrl.u32 s10, $0x1;
	s12 =	sadd.s32 s8, s2  }
0xc: {  	s6 =	sshrl.u32 s6, $0x3;
	s9 =	sadd.s32 s28, s7;
	s10 =	ssub.s32 s10, s11  }
0xd: {  	s11 =	simm.s32 $0xCC00;
	s12 =	sshrl.u32 s12, $0x3;
	s6 =	sadd.s32 s6, s7  }
0xe: {  	s11 =	simm.s32 @!p0 $0x2C00;
	s5 =	sadd.s32 $0x16C00, s9;
	s9 =	simm.s32 $0x5000  }
0xf: {  	s6 =	sadd.s32 $0x1BE00, s6;
	s30 =	sadd.s32 s11, s7;
	s7 =	smax.u32 s10, $0x1  }
0x10: {  	s10 =	simm.s32 $0x3;
	s11 =	sor.u32 $0x1C03, s31;
	s8 =	sadd.s32 s30, s29  }
.LBB2_1:
0x11: {  	[tilespmem:s9], [sflag:$0x3] =	stream.linear.gather [hbm4b:s4+s3], $0x800, $0x38;
	[tilespmem:$0x8000] =	vst v63  }
0x12: {  	_ =	swait.ge [sflag:s10], $0x800  }
0x13: {  	[sflag:s10] =	ssyncset.done $0x0  }
0x14: {  	[sflag:s10] =	ssyncadd.s32 $0xFFFFF800  }
0x15: {  	[spmem:s12], [sflag:s11] =	dma.local [hbm:s5], $0x500  }
0x16: {  	_ =	swait.ge [sflag:s10], $0x500  }
0x17: {  	[sflag:s10] =	ssyncset.done $0x0  }
0x18: {  	[sflag:s10] =	ssyncadd.s32 $0xFFFFFB00  }
0x19: {  	[tilespmem:s3], [sflag:$0x3] =	stream.linear.gather [hbm4b:s8+s3], $0x5000, $0x38;
	[tilespmem:$0x8000] =	vst v63  }
0x1a: {  	_ =	swait.ge [sflag:s10], $0x5000  }
0x1b: {  	[sflag:s10] =	ssyncset.done $0x0  }
0x1c: {  	[sflag:s10] =	ssyncadd.s32 $0xFFFFB000  }
0x1d: {  	s18 =	simm.s32 $0x0;
	[bflag:$0x0] =	sbarrier.arrive $0xFFFF  }
0x1e: {  	[spmem:s2] =	stream.indirect.scatter.add.f32 [tilespmem:s9], [sflag:$0x1], $0x10, s18, s13, $0xb8;
	[tilespmem:$0x8000] =	vst v63  }
0x1f: {  	s24 =	simm.s32 $0x80  }
0x20: {  	[spmem:s2] =	stream.indirect.scatter.add.f32 [tilespmem:s9], [sflag:$0x2], $0x10, s24, s13, $0xb8;
	[tilespmem:$0x8000] =	vst v63  }
0x21: {  	s25 =	simm.s32 $0x100  }
0x22: {  	[spmem:s2] =	stream.indirect.scatter.add.f32 [tilespmem:s9], [sflag:$0x1], $0x10, s25, s13, $0xb8;
	[tilespmem:$0x8000] =	vst v63  }
0x23: {  	s26 =	simm.s32 $0x180  }
0x24: {  	[spmem:s2] =	stream.indirect.scatter.add.f32 [tilespmem:s9], [sflag:$0x2], $0x10, s26, s13, $0xb8;
	[tilespmem:$0x8000] =	vst v63  }
0x25: {  	s28 =	simm.s32 $0x200  }
0x26: {  	[spmem:s2] =	stream.indirect.scatter.add.f32 [tilespmem:s9], [sflag:$0x1], $0x10, s28, s13, $0xb8;
	[tilespmem:$0x8000] =	vst v63  }
0x27: {  	s29 =	simm.s32 $0x280  }
0x28: {  	[spmem:s2] =	stream.indirect.scatter.add.f32 [tilespmem:s9], [sflag:$0x2], $0x10, s29, s13, $0xb8;
	[tilespmem:$0x8000] =	vst v63  }
0x29: {  	s30 =	simm.s32 $0x300  }
0x2a: {  	[spmem:s2] =	stream.indirect.scatter.add.f32 [tilespmem:s9], [sflag:$0x1], $0x10, s30, s13, $0xb8;
	[tilespmem:$0x8000] =	vst v63  }
0x2b: {  	s31 =	simm.s32 $0x380  }
0x2c: {  	[spmem:s2] =	stream.indirect.scatter.add.f32 [tilespmem:s9], [sflag:$0x2], $0x10, s31, s13, $0xb8;
	[tilespmem:$0x8000] =	vst v63  }
0x2d: {  	_ =	swait.ge [sflag:s14], $0x800  }
0x2e: {  	[sflag:s14] =	ssyncset.done $0x0  }
0x2f: {  	[sflag:s14] =	ssyncadd.s32 $0xFFFFF800  }
0x30: {  	_ =	swait.ge [sflag:s15], $0x800  }
0x31: {  	[sflag:s15] =	ssyncset.done $0x0  }
0x32: {  	[sflag:s15] =	ssyncadd.s32 $0xFFFFF800  }
0x33: {  	_ =	swait.ge [sflag:s14], $0x800  }
0x34: {  	[sflag:s14] =	ssyncset.done $0x0  }
0x35: {  	[sflag:s14] =	ssyncadd.s32 $0xFFFFF800  }
0x36: {  	_ =	swait.ge [sflag:s15], $0x800  }
0x37: {  	[sflag:s15] =	ssyncset.done $0x0  }
0x38: {  	[sflag:s15] =	ssyncadd.s32 $0xFFFFF800  }
0x39: {  	_ =	swait.ge [sflag:s14], $0x800  }
0x3a: {  	[sflag:s14] =	ssyncset.done $0x0  }
0x3b: {  	[sflag:s14] =	ssyncadd.s32 $0xFFFFF800  }
0x3c: {  	_ =	swait.ge [sflag:s15], $0x800  }
0x3d: {  	[sflag:s15] =	ssyncset.done $0x0  }
0x3e: {  	[sflag:s15] =	ssyncadd.s32 $0xFFFFF800  }
0x3f: {  	_ =	swait.ge [sflag:s14], $0x800  }
0x40: {  	[sflag:s14] =	ssyncset.done $0x0  }
0x41: {  	[sflag:s14] =	ssyncadd.s32 $0xFFFFF800  }
0x42: {  	_ =	swait.ge [sflag:s15], $0x800  }
0x43: {  	s20 =	simm.s32 $0x2000;
	s18 =	simm.s32 $0x1000;
	[sflag:s15] =	ssyncset.done $0x0  }
.LBB2_2:
0x44: {  	s21 =	sshra.s32 s18, $0x2  }
0x45: {  	[sflag:s15] =	ssyncadd.s32 $0xFFFFF800;
	s18 =	smov.u32 s20;
	s19 =	sadd.s32 $0x1000, s20  }
0x46: {  	[spmem:s2] =	stream.indirect.scatter.add.f32 [tilespmem:s9], [sflag:$0x1], $0x10, s21, s13, $0xb8;
	[tilespmem:$0x8000] =	vst v63  }
0x47: {  	p0 =	sne.s32 s20, $0x13000;
	s20 =	sadd.s32 $0x80, s21  }
0x48: {  	[spmem:s2] =	stream.indirect.scatter.add.f32 [tilespmem:s9], [sflag:$0x2], $0x10, s20, s13, $0xb8;
	[tilespmem:$0x8000] =	vst v63  }
0x49: {  	s20 =	sadd.s32 $0x100, s21  }
0x4a: {  	[spmem:s2] =	stream.indirect.scatter.add.f32 [tilespmem:s9], [sflag:$0x1], $0x10, s20, s13, $0xb8;
	[tilespmem:$0x8000] =	vst v63  }
0x4b: {  	s20 =	sadd.s32 $0x180, s21  }
0x4c: {  	[spmem:s2] =	stream.indirect.scatter.add.f32 [tilespmem:s9], [sflag:$0x2], $0x10, s20, s13, $0xb8;
	[tilespmem:$0x8000] =	vst v63  }
0x4d: {  	s20 =	sadd.s32 $0x200, s21  }
0x4e: {  	[spmem:s2] =	stream.indirect.scatter.add.f32 [tilespmem:s9], [sflag:$0x1], $0x10, s20, s13, $0xb8;
	[tilespmem:$0x8000] =	vst v63  }
0x4f: {  	s20 =	sadd.s32 $0x280, s21  }
0x50: {  	[spmem:s2] =	stream.indirect.scatter.add.f32 [tilespmem:s9], [sflag:$0x2], $0x10, s20, s13, $0xb8;
	[tilespmem:$0x8000] =	vst v63  }
0x51: {  	s20 =	sadd.s32 $0x300, s21  }
0x52: {  	[spmem:s2] =	stream.indirect.scatter.add.f32 [tilespmem:s9], [sflag:$0x1], $0x10, s20, s13, $0xb8;
	[tilespmem:$0x8000] =	vst v63  }
0x53: {  	s20 =	sadd.s32 $0x380, s21  }
0x54: {  	[spmem:s2] =	stream.indirect.scatter.add.f32 [tilespmem:s9], [sflag:$0x2], $0x10, s20, s13, $0xb8;
	[tilespmem:$0x8000] =	vst v63  }
0x55: {  	_ =	swait.ge [sflag:s14], $0x800  }
0x56: {  	[sflag:s14] =	ssyncset.done $0x0  }
0x57: {  	[sflag:s14] =	ssyncadd.s32 $0xFFFFF800  }
0x58: {  	_ =	swait.ge [sflag:s15], $0x800  }
0x59: {  	[sflag:s15] =	ssyncset.done $0x0  }
0x5a: {  	[sflag:s15] =	ssyncadd.s32 $0xFFFFF800  }
0x5b: {  	_ =	swait.ge [sflag:s14], $0x800  }
0x5c: {  	[sflag:s14] =	ssyncset.done $0x0  }
0x5d: {  	[sflag:s14] =	ssyncadd.s32 $0xFFFFF800  }
0x5e: {  	_ =	swait.ge [sflag:s15], $0x800  }
0x5f: {  	[sflag:s15] =	ssyncset.done $0x0  }
0x60: {  	[sflag:s15] =	ssyncadd.s32 $0xFFFFF800  }
0x61: {  	_ =	swait.ge [sflag:s14], $0x800  }
0x62: {  	[sflag:s14] =	ssyncset.done $0x0  }
0x63: {  	[sflag:s14] =	ssyncadd.s32 $0xFFFFF800  }
0x64: {  	_ =	swait.ge [sflag:s15], $0x800  }
0x65: {  	[sflag:s15] =	ssyncset.done $0x0  }
0x66: {  	[sflag:s15] =	ssyncadd.s32 $0xFFFFF800  }
.Ltmp0:
0x67: {  	_ =	swait.ge [sflag:s14], $0x800;
	(pc) =	sbr.rel @p0 .LBB2_2-.Ltmp0, $4  }
0x68: {  	[sflag:s14] =	ssyncset.done $0x0  }
0x69: {  	[sflag:s14] =	ssyncadd.s32 $0xFFFFF800  }
0x6a: {  	_ =	swait.ge [sflag:s15], $0x800  }
0x6b: {  	s20 =	smov.u32 s19;
	[sflag:s15] =	ssyncset.done $0x0  }
0x6c: {  	s18 =	sshra.s32 s18, $0x2;
	[sflag:s15] =	ssyncadd.s32 $0xFFFFF800  }
0x6d: {  	[spmem:s2] =	stream.indirect.scatter.add.f32 [tilespmem:s9], [sflag:$0x1], $0x10, s18, s13, $0xb8;
	[tilespmem:$0x8000] =	vst v63  }
0x6e: {  	s19 =	sadd.s32 $0x80, s18  }
0x6f: {  	[spmem:s2] =	stream.indirect.scatter.add.f32 [tilespmem:s9], [sflag:$0x2], $0x10, s19, s13, $0xb8;
	[tilespmem:$0x8000] =	vst v63  }
0x70: {  	s26 =	sadd.s32 $0x100, s18  }
0x71: {  	[spmem:s2] =	stream.indirect.scatter.add.f32 [tilespmem:s9], [sflag:$0x1], $0x10, s26, s13, $0xb8;
	[tilespmem:$0x8000] =	vst v63  }
0x72: {  	s28 =	sadd.s32 $0x180, s18  }
0x73: {  	[spmem:s2] =	stream.indirect.scatter.add.f32 [tilespmem:s9], [sflag:$0x2], $0x10, s28, s13, $0xb8;
	[tilespmem:$0x8000] =	vst v63  }
0x74: {  	s29 =	sadd.s32 $0x200, s18  }
0x75: {  	[spmem:s2] =	stream.indirect.scatter.add.f32 [tilespmem:s9], [sflag:$0x1], $0x10, s29, s13, $0xb8;
	[tilespmem:$0x8000] =	vst v63  }
0x76: {  	s30 =	sadd.s32 $0x280, s18  }
0x77: {  	[spmem:s2] =	stream.indirect.scatter.add.f32 [tilespmem:s9], [sflag:$0x2], $0x10, s30, s13, $0xb8;
	[tilespmem:$0x8000] =	vst v63  }
0x78: {  	s31 =	sadd.s32 $0x300, s18  }
0x79: {  	[spmem:s2] =	stream.indirect.scatter.add.f32 [tilespmem:s9], [sflag:$0x1], $0x10, s31, s13, $0xb8;
	[tilespmem:$0x8000] =	vst v63  }
0x7a: {  	s18 =	sadd.s32 $0x380, s18  }
0x7b: {  	[spmem:s2] =	stream.indirect.scatter.add.f32 [tilespmem:s9], [sflag:$0x2], $0x10, s18, s13, $0xb8;
	[tilespmem:$0x8000] =	vst v63  }
0x7c: {  	_ =	swait.ge [sflag:s14], $0x800  }
0x7d: {  	[sflag:s14] =	ssyncset.done $0x0  }
0x7e: {  	[sflag:s14] =	ssyncadd.s32 $0xFFFFF800  }
0x7f: {  	_ =	swait.ge [sflag:s15], $0x800  }
0x80: {  	[sflag:s15] =	ssyncset.done $0x0  }
0x81: {  	[sflag:s15] =	ssyncadd.s32 $0xFFFFF800  }
0x82: {  	_ =	swait.ge [sflag:s14], $0x800  }
0x83: {  	[sflag:s14] =	ssyncset.done $0x0  }
0x84: {  	[sflag:s14] =	ssyncadd.s32 $0xFFFFF800  }
0x85: {  	_ =	swait.ge [sflag:s15], $0x800  }
0x86: {  	[sflag:s15] =	ssyncset.done $0x0  }
0x87: {  	[sflag:s15] =	ssyncadd.s32 $0xFFFFF800  }
0x88: {  	_ =	swait.ge [sflag:s14], $0x800  }
0x89: {  	[sflag:s14] =	ssyncset.done $0x0  }
0x8a: {  	[sflag:s14] =	ssyncadd.s32 $0xFFFFF800  }
0x8b: {  	_ =	swait.ge [sflag:s15], $0x800  }
0x8c: {  	[sflag:s15] =	ssyncset.done $0x0  }
0x8d: {  	[sflag:s15] =	ssyncadd.s32 $0xFFFFF800  }
0x8e: {  	_ =	swait.ge [sflag:s14], $0x800  }
0x8f: {  	[sflag:s14] =	ssyncset.done $0x0  }
0x90: {  	[sflag:s14] =	ssyncadd.s32 $0xFFFFF800  }
0x91: {  	_ =	swait.ge [sflag:s15], $0x800  }
0x92: {  	s17 =	sadd.s32 $0x1, s17;
	[sflag:s15] =	ssyncset.done $0x0  }
0x93: {  	p0 =	sne.s32 s17, s7;
	[sflag:s15] =	ssyncadd.s32 $0xFFFFF800  }
.Ltmp1:
0x94: {  	[bflag:$0x0] =	sbarrier.arrive $0xFFFF;
	(pc) =	sbr.rel @p0 .LBB2_1-.Ltmp1, $4  }
0x95: {  	[hbm:s6@s16], [sflag:s11] =	dma.strided [spmem:s12@s15], $0x500, s14, $0x2   }
0x96: {  	_ =	swait.ge [sflag:s10], $0x500  }
0x97: {  	[sflag:s10] =	ssyncset.done $0x0  }
0x98: {  	[sflag:s10] =	ssyncadd.s32 $0xFFFFFB00  }
0x99: {  	_ =	sfence.sel $0x180000  }
0x9a: {  	[bflag:$0x0] =	sbarrier.arrive $0xFFFF  }
0x9b: {  	p0 =	sne.s32 s1, $0x0;
	_ =	strace $0x90000047  }
0x9c: {  	s0 =	sadd.s32 @!p0 $0x100000, s0;
	[bflag:$0x2] =	sbarrier.arrive $0xFFFF  }
0x9d: {  	[sflag:s0] =	ssyncadd.tile.s32 @!p0 $0x1;
	_ =	shalt  }
.Lfunc_end2:
_tile_overlayer_lowered:
.L_overlay_start_2:
0x9e: {  	(tag) =	ssettag $0x2  }
0x9f: {  	s0 =	rddreg [dreg:$0x0];
	s2 =	stileid.u32  }
0xa0: {  	s1 =	rddreg [dreg:$0x1];
	p0 =	sne.s32 s2, $0x0  }
0xa1: {  	s3 =	rddreg [dreg:$0x2];
	[bflag:$0x3] =	sbarrier.arrive $0xFFFF;
	s2 =	simm.s32 @!p0 $0x1C03  }
0xa2: {  	[timem:s3], [sflag:s2] =	dma.local @!p0 [hbm:s0], s1  }
0xa3: {  	s0 =	simm.s32 @!p0 $0x3  }
0xa4: {  	_ =	swait.ge @!p0 [sflag:s0], s1  }
0xa5: {  	s1 =	ssub.s32 @!p0 $0x0, s1;
	[sflag:s0] =	ssyncset.done @!p0 $0x0  }
0xa6: {  	[sflag:s0] =	ssyncadd.s32 @!p0 s1  }
0xa7: {  	[bflag:$0x3] =	sbarrier.arrive $0xFFFF  }
0xa8: {  	_ =	shalt  }

// kernel: kernel.13.cloned.1.call-start
scs
__scs_entry_jumppad:
0x0: {  	(pc) =	sbr.rel $0x88, $3  }
0x1: {  	(tag) =	ssettag $0x0;
	lr =	simm.s32 $0x1  }
0x2: {  	[smem:$0x3F99] =	sst lr;
	_ =	strace $0xD0000000  }
0x3: {  	_ = 	snop  }
0x4: {  	_ = 	snop  }
0x5: {  	_ = 	snop  }
0x6: {  	_ = 	snop  }
0x7: {  	_ = 	snop  }
__scs_overlays_trampoline_lowered:
0x8: {  	[smem:$0x3FA8] =	sst s0  }
0x9: {  	[smem:$0x3FA9] =	sst s1  }
0xa: {  	[smem:$0x3FAA] =	sst s2  }
0xb: {  	[smem:$0x3FAB] =	sst s3  }
0xc: {  	[smem:$0x3FAC] =	sst s4  }
0xd: {  	[smem:$0x3FAD] =	sst s5  }
0xe: {  	[smem:$0x3FAE] =	sst s6  }
0xf: {  	[smem:$0x3FAF] =	sst s7  }
0x10: {  	[smem:$0x3FB0] =	sst s8  }
0x11: {  	[smem:$0x3FB1] =	sst s9;
	s0 =	simm.s32 @!p0 $0x0  }
0x12: {  	s1 =	sld [smem:$0x3F97];
	s0 =	simm.s32 @p0 $0x1  }
0x13: {  	[smem:$0x3FB2] =	sst s0;
	s0 =	simm.s32 @!p1 $0x0  }
0x14: {  	s2 =	sld [smem:$0x3F96];
	s0 =	simm.s32 @p1 $0x1  }
0x15: {  	[smem:$0x3FB3] =	sst s0;
	s0 =	simm.s32 @!p2 $0x0  }
0x16: {  	s3 =	sld [smem:$0x3FDB];
	s0 =	simm.s32 @p2 $0x1  }
0x17: {  	s4 =	simm.s32 $0x1BF5;
	[smem:$0x3FB5] =	sst s0  }
0x18: {  	s0 =	sld [smem:$0x3F98];
	_ =	swait.ge [sflag:s4], $0x0  }
0x19: {  	s7 =	sld [smem:$0x3F99]  }
0x1a: {  	s8 =	sadd.s32 $0xFFFFE003, lr  }
0x1b: {  	s9 =	sadd.s32 $0xFFFFFEF7, lr;
	s5 =	simm.s32 $0xFFFFFFFF;
	p2 =	slt.u32 s8, $0xFFFFF086  }
0x1c: {  	p1 =	slt.u32 s9, $0xF7A;
	s5 =	simm.s32 @!p2 $0x0  }
0x1d: {  	s5 =	simm.s32 @p1 $0x1;
	p0 =	seq.s32 s7, s2  }
0x1e: {  	s7 =	smul.u32 @!p0 $0xF7A, s2;
	p2 =	seq.s32 @!p0 s5, $0x0  }
0x1f: {  	s9 =	smul.u32 $0xF7A, s1;
	s8 =	simm.s32 @!p0 $0x1BF5;
	p2 =	por !p2, p0  }
0x20: {  	[sflag:s8] =	ssyncset.s32 @!p0 $0xFFFFF086;
	s6 =	sadd.s32 @!p0 s3, s7;
	s7 =	simm.s32 @!p0 $0x108  }
0x21: {  	s3 =	sadd.s32 s3, s9;
	s6 =	sadd.s32 @!p0 $0x88, s6;
	s7 =	simm.s32 @p2 $0x1082  }
0x22: {  	[simem:s7], [sflag:s8] =	dma.local @!p0 [hbm:s6], $0xF7A  }
0x23: {  	s9 =	sor.u32 $0xD0000000, s2;
	s6 =	simm.s32 $0x108;
	_ =	swait.ge @!p0 [sflag:s8], $0x0  }
0x24: {  	s3 =	sadd.s32 $0x88, s3;
	s6 =	simm.s32 @!p1 $0x1082;
	[sflag:s4] =	ssyncset.s32 $0xFFFFF086  }
0x25: {  	[simem:s6], [sflag:s4] =	dma.local [hbm:s3], $0xF7A  }
0x26: {  	[smem:$0x3F99] =	sst s1;
	(tag) =	ssettag s2;
	_ =	strace s9  }
0x27: {  	s1 =	sld [smem:$0x3FA9]  }
0x28: {  	s2 =	sld [smem:$0x3FAA]  }
0x29: {  	s4 =	sld [smem:$0x3FAC]  }
0x2a: {  	p0 =	seq.s32 s5, $0x0;
	s5 =	sld [smem:$0x3FAD]  }
0x2b: {  	s6 =	sld [smem:$0x3FAE]  }
0x2c: {  	s7 =	sld [smem:$0x3FAF]  }
0x2d: {  	s3 =	simm.s32 $0x108;
	s8 =	sld [smem:$0x3FB0]  }
0x2e: {  	s3 =	simm.s32 @!p0 $0x1082;
	s9 =	sld [smem:$0x3FB1]  }
0x2f: {  	lr =	sadd.s32 s0, s3;
	s0 =	sld [smem:$0x3FA8]  }
0x30: {  	s3 =	sld [smem:$0x3FAB]  }
0x31: {  	[smem:$0x3FB4] =	sst s10  }
0x32: {  	s10 =	sld [smem:$0x3FB2];
	_ =	sdelay $0x3  }
0x33: {  	p0 =	seq.s32 s10, $0x1;
	s10 =	sld [smem:$0x3FB4];
	_ =	sdelay $0x3  }
0x34: {  	[smem:$0x3FB4] =	sst s10  }
0x35: {  	s10 =	sld [smem:$0x3FB3];
	_ =	sdelay $0x3  }
0x36: {  	p1 =	seq.s32 s10, $0x1;
	s10 =	sld [smem:$0x3FB4];
	_ =	sdelay $0x3  }
0x37: {  	[smem:$0x3FB4] =	sst s10  }
0x38: {  	s10 =	sld [smem:$0x3FB5]  }
0x39: {  	_ = 	snop;
	(pc) =	sbr.ind lr, $3  }
0x3a: {  	_ = 	snop  }
0x3b: {  	_ = 	snop  }
0x3c: {  	p2 =	seq.s32 s10, $0x1;
	s10 =	sld [smem:$0x3FB4]  }
0x3d: {  	_ =	shalt  }
0x3e: {  	_ =	shalt  }
0x3f: {  	_ =	shalt  }
0x40: {  	_ =	shalt  }
0x41: {  	_ =	shalt  }
0x42: {  	_ =	shalt  }
0x43: {  	_ =	shalt  }
0x44: {  	_ =	shalt  }
0x45: {  	_ =	shalt  }
0x46: {  	_ =	shalt  }
0x47: {  	_ =	shalt  }
0x48: {  	_ =	shalt  }
0x49: {  	_ =	shalt  }
0x4a: {  	_ =	shalt  }
0x4b: {  	_ =	shalt  }
0x4c: {  	_ =	shalt  }
0x4d: {  	_ =	shalt  }
0x4e: {  	_ =	shalt  }
0x4f: {  	_ =	shalt  }
0x50: {  	_ =	shalt  }
0x51: {  	_ =	shalt  }
0x52: {  	_ =	shalt  }
0x53: {  	_ =	shalt  }
0x54: {  	_ =	shalt  }
0x55: {  	_ =	shalt  }
0x56: {  	_ =	shalt  }
0x57: {  	_ =	shalt  }
0x58: {  	_ =	shalt  }
0x59: {  	_ =	shalt  }
0x5a: {  	_ =	shalt  }
0x5b: {  	_ =	shalt  }
0x5c: {  	_ =	shalt  }
0x5d: {  	_ =	shalt  }
0x5e: {  	_ =	shalt  }
0x5f: {  	_ =	shalt  }
0x60: {  	_ =	shalt  }
0x61: {  	_ =	shalt  }
0x62: {  	_ =	shalt  }
0x63: {  	_ =	shalt  }
0x64: {  	_ =	shalt  }
0x65: {  	_ =	shalt  }
0x66: {  	_ =	shalt  }
0x67: {  	_ =	shalt  }
0x68: {  	_ =	shalt  }
0x69: {  	_ =	shalt  }
0x6a: {  	_ =	shalt  }
0x6b: {  	_ =	shalt  }
0x6c: {  	_ =	shalt  }
0x6d: {  	_ =	shalt  }
0x6e: {  	_ =	shalt  }
0x6f: {  	_ =	shalt  }
0x70: {  	_ =	shalt  }
0x71: {  	_ =	shalt  }
0x72: {  	_ =	shalt  }
0x73: {  	_ =	shalt  }
0x74: {  	_ =	shalt  }
0x75: {  	_ =	shalt  }
0x76: {  	_ =	shalt  }
0x77: {  	_ =	shalt  }
0x78: {  	_ =	shalt  }
0x79: {  	_ =	shalt  }
0x7a: {  	_ =	shalt  }
0x7b: {  	_ =	shalt  }
0x7c: {  	_ =	shalt  }
0x7d: {  	_ =	shalt  }
0x7e: {  	_ =	shalt  }
0x7f: {  	_ =	shalt  }
0x80: {  	_ =	shalt  }
0x81: {  	_ =	shalt  }
0x82: {  	_ =	shalt  }
0x83: {  	_ =	shalt  }
0x84: {  	_ =	shalt  }
0x85: {  	_ =	shalt  }
0x86: {  	_ =	shalt  }
0x87: {  	_ =	shalt  }
.Lfunc_end0:
.L_simem_size_0:
called_computation.1_lowered:
.L_overlay_start_0:
0x88: {  	s2 =	sld [smem:$0x3FD9]  }
0x89: {  	s3 =	sld [smem:$0x3FFE];
	_ =	sdelay $0x1  }
0x8a: {  	s1 =	srdreg.scid  }
0x8b: {  	s0 =	sand.u32 $0x1, s1  }
0x8c: {  	s17 =	sshll.u32 s0, $0xA;
	s2 =	sadd.s32 s3, s2  }
0x8d: {  	s2 =	sadd.s32 s2, s17  }
0x8e: {  	[smem:$0x3FC0] =	sst s2  }
0x8f: {  	_ = 	snop  }
0x90: {  	s2 =	sld [smem:$0x3FD0];
	(tm) =	ssettm $0x1  }
0x91: {  	s18 =	sld [smem:$0x3FFB];
	_ =	sdelay $0x3  }
0x92: {  	_ =	strace s18  }
0x93: {  	s3 =	sld [smem:$0x3FFC];
	_ =	sdelay $0x3  }
0x94: {  	_ =	strace s3  }
0x95: {  	s3 =	sld [smem:$0x3FFD];
	_ =	sdelay $0x3  }
0x96: {  	_ =	strace s3  }
0x97: {  	_ =	strace $0x8FFFFFFF  }
0x98: {  	s19 =	sld [smem:$0x3FDB];
	_ =	sdelay $0x1  }
0x99: {  	s4 =	simm.s32 $_scs_section_size  }
0x9a: {  	s5 =	simm.s32 $_size__tile_overlayer_lowered;
	s6 =	simm.s32 $_tile_overlayer_lowered  }
0x9b: {  	s22 =	simm.s32 $0x1BFF;
	s21 =	sshll.u32 s6, $0x1;
	s3 =	sadd.s32 s4, s19  }
0x9c: {  	s7 =	simm.s32 $0x0;
	s20 =	sshll.u32 s5, $0x1;
	s5 =	sadd.s32 s21, s3  }
0x9d: {  	[timem:s7], [sflag:s22] =	dma.local [hbm:s5], s20  }
0x9e: {  	_ =	swait.ge [sflag:s22], s20  }
0x9f: {  	s4 =	ssub.s32 $0x0, s20;
	[sflag:s22] =	ssyncset.done $0x0  }
0xa0: {  	[sflag:s22] =	ssyncadd.s32 s4;
	_ =	sdelay $0x1  }
0xa1: {  	s23 =	simm.s32 $0x1B8B  }
0xa2: {  	_ =	swait.ge [sflag:s23], $0x1  }
0xa3: {  	[sflag:s23] =	ssyncset.done $0x0  }
0xa4: {  	s25 =	simm.s32 $0x1B8E;
	s24 =	sld [smem:$0x3FFE];
	[sflag:s23] =	ssyncadd.s32 $0xFFFFFFFF  }
0xa5: {  	s26 =	simm.s32 $execute0_lowered;
	[smem:$0x3FD2] =	sst s25  }
0xa6: {  	s5 =	sshll.u32 s26, $0x1;
	_ =	strace $0x80000049;
	[dreg:$0x1] =	wrdreg $0xFFFFFFFF  }
0xa7: {  	s28 =	simm.s32 $_size_execute0_lowered;
	s3 =	sadd.s32 s3, s5;
	[dreg:$0x0] =	wrdreg $0x0  }
0xa8: {  	s5 =	sshll.u32 s28, $0x1;
	[dreg:$0x2] =	wrdreg s3  }
0xa9: {  	[dreg:$0x3] =	wrdreg s5  }
0xaa: {  	[dreg:$0x4] =	wrdreg $0xC0  }
0xab: {  	_ =	task [dreg:s7], $0x5FFFF  }
0xac: {  	[dreg:$0x1] =	wrdreg $0xFFFFFFFF  }
0xad: {  	[dreg:$0x0] =	wrdreg $0x60  }
0xae: {  	[dreg:$0x2] =	wrdreg s24  }
0xaf: {  	[dreg:$0x3] =	wrdreg s2  }
0xb0: {  	[dreg:$0x4] =	wrdreg $0x120000  }
0xb1: {  	[dreg:$0x5] =	wrdreg $0x9  }
0xb2: {  	_ =	task.clear_ibuf [dreg:s7], $0x6FFFF;
	_ =	strace $0x90000049  }
0xb3: {  	s29 =	simm.s32 $0x9;
	_ =	strace $0x8000004B  }
0xb4: {  	_ =	swait.ge [sflag:s29], $0x1  }
0xb5: {  	[sflag:s29] =	ssyncadd.s32 $0xFFFFFFFF  }
0xb6: {  	_ =	strace $0x9000004B  }
0xb7: {  	_ =	sfence  }
0xb8: {  	s30 =	sld [smem:$0x0];
	_ =	sdelay $0x2  }
0xb9: {  	s31 =	sshll.u32 s1, $0xD;
	s1 =	sshrl.u32 s1, $0x2  }
0xba: {  	s3 =	sand.u32 $0x4000, s31;
	s1 =	sadd.s32 s1, s30  }
0xbb: {  	s0 =	sor.u32 s3, s0;
	s1 =	sshll.u32 s1, $0x11  }
0xbc: {  	s0 =	sor.u32 s1, s0  }
0xbd: {  	s0 =	sadd.s32 $0x8F2B, s0  }
0xbe: {  	[sflag:s0] =	ssyncadd.remote.s32 $0x1  }
0xbf: {  	_ =	sfence.sel $0xFFFF  }
0xc0: {  	[dreg:$0x0] =	wrdreg $0xFFFFFFFF;
	(pc) =	sbr.abs _section_cstart, $3  }
0xc1: {  	[dreg:$0x1] =	wrdreg $0xFFFFFFFF  }
0xc2: {  	_ =	task.clear_ibuf [dreg:s7], $0x2FFFF;
	_ =	strace $0x9FFFFFFF  }
0xc3: {  	(tm) =	ssettm $0x7FFFFFFF  }
tec
execute0_lowered:
.L_overlay_start_1:
0x0: {  	(tag) =	ssettag $0x1  }
0x1: {  	s0 =	rddreg [dreg:$0x0]  }
0x2: {  	s1 =	rddreg [dreg:$0x1]  }
0x3: {  	s2 =	rddreg [dreg:$0x2];
	s3 =	simm.s32 $0x0  }
0x4: {  	s14 =	stileid.u32;
	s6 =	srdreg.scid;
	s15 =	simm.s32 $0xA000  }
0x5: {  	s16 =	simm.s32 $0xC000;
	s17 =	simm.s32 $0xE000;
	s18 =	simm.s32 $0x10000  }
0x6: {  	s19 =	simm.s32 $0x1;
	s20 =	simm.s32 $0x2;
	s21 =	simm.s32 $0x3  }
0x7: {  	s22 =	simm.s32 $0x4;
	s23 =	simm.s32 $0x5;
	s24 =	simm.s32 $0x6  }
0x8: {  	s25 =	simm.s32 $0x7;
	s28 =	simm.s32 $0x10;
	s10 =	smul.u32 $0xA00, s14  }
0x9: {  	s29 =	simm.s32 $0x0;
	[smem:$0x7FF] =	sst s3;
	s5 =	smul.u32 $0xA000, s14  }
0xa: {  	s4 =	sadd.s32 $0x16C00, s0;
	s6 =	sand.u32 $0x1, s6;
	s7 =	smul.u32 $0x14000, s14  }
0xb: {  	s11 =	sadd.s32 $0x43E00, s0;
	s31 =	sshll.u32 s14, $0x6;
	s14 =	simm.s32 $0x80  }
0xc: {  	_ =	strace $0x8000004A;
	s9 =	sshll.u32 s6, $0x6;
	s26 =	ssub.s32 $0x2, s6  }
0xd: {  	p0 =	seq.s32 s6, $0x1;
	s6 =	sor.u32 $0x1C09, s31;
	s8 =	sadd.s32 s10, s0  }
0xe: {  	s12 =	sshrl.u32 s5, $0x3;
	s7 =	sor.u32 s9, s7;
	s13 =	sshrl.u32 s26, $0x1  }
0xf: {  	s30 =	sadd.s32 s5, s2;
	s11 =	smov.u32 @p0 s1;
	s12 =	sadd.s32 s12, s0  }
0x10: {  	s7 =	sshrl.u32 s7, $0x3;
	s9 =	ssub.s32 s26, s13;
	s10 =	sadd.s32 s11, s10  }
0x11: {  	s11 =	sshrl.u32 s30, $0x3;
	s13 =	simm.s32 $0x5000;
	s26 =	simm.s32 $0x8  }
0x12: {  	s0 =	sadd.s32 s7, s0;
	s5 =	sadd.s32 $0x4DE00, s12;
	s7 =	sadd.s32 $0xCC00, s8  }
0x13: {  	s9 =	smax.u32 s9, $0x1;
	s12 =	simm.s32 $0x9;
	s8 =	sadd.s32 $0x61E00, s0  }
.LBB2_1:
0x14: {  	[spmem:s11], [sflag:s6] =	dma.local [hbm:s5], $0x1400  }
0x15: {  	_ =	swait.ge [sflag:s12], $0x1400  }
0x16: {  	[sflag:s12] =	ssyncset.done $0x0  }
0x17: {  	[sflag:s12] =	ssyncadd.s32 $0xFFFFEC00  }
0x18: {  	[tilespmem:s3], [sflag:$0x9] =	stream.linear.gather [hbm4b:s10+s3], $0x5000, $0x38;
	[tilespmem:$0x1C000] =	vst v63  }
0x19: {  	_ =	swait.ge [sflag:s12], $0x5000  }
0x1a: {  	[sflag:s12] =	ssyncset.done $0x0  }
0x1b: {  	[sflag:s12] =	ssyncadd.s32 $0xFFFFB000  }
0x1c: {  	[tilespmem:s13], [sflag:$0x9] =	stream.linear.gather [hbm4b:s7+s3], $0x5000, $0x38;
	[tilespmem:$0x1C000] =	vst v63  }
0x1d: {  	_ =	swait.ge [sflag:s12], $0x5000  }
0x1e: {  	[sflag:s12] =	ssyncset.done $0x0  }
0x1f: {  	[sflag:s12] =	ssyncadd.s32 $0xFFFFB000  }
0x20: {  	s0 =	simm.s32 $0x0;
	[bflag:$0x0] =	sbarrier.arrive $0xFFFF  }
0x21: {  	[tilespmem:s15], [sflag:$0x1] =	stream.indirect.gather [hbm4b:s4+s14], $0x40, s0, s14, $0xb8;
	[tilespmem:$0x1C000] =	vst v63  }
0x22: {  	s1 =	simm.s32 $0x80  }
0x23: {  	[tilespmem:s16], [sflag:$0x2] =	stream.indirect.gather [hbm4b:s4+s14], $0x40, s1, s14, $0xb8;
	[tilespmem:$0x1C000] =	vst v63  }
0x24: {  	s1 =	simm.s32 $0x100  }
0x25: {  	[tilespmem:s17], [sflag:$0x3] =	stream.indirect.gather [hbm4b:s4+s14], $0x40, s1, s14, $0xb8;
	[tilespmem:$0x1C000] =	vst v63  }
0x26: {  	s1 =	simm.s32 $0x180  }
0x27: {  	[tilespmem:s18], [sflag:$0x4] =	stream.indirect.gather [hbm4b:s4+s14], $0x40, s1, s14, $0xb8;
	[tilespmem:$0x1C000] =	vst v63  }
0x28: {  	_ =	swait.ge [sflag:s19], $0x2000  }
0x29: {  	[sflag:s19] =	ssyncset.done $0x0  }
0x2a: {  	s1 =	simm.s32 $0x5000;
	[sflag:s19] =	ssyncadd.s32 $0xFFFFE000  }
0x2b: {  	[spmem:s2] =	stream.indirect.scatter.add.f32 [tilespmem:s15], [sflag:$0x5], $0x40, s1, s14, $0xb8;
	[tilespmem:$0x1C000] =	vst v63  }
0x2c: {  	_ =	swait.ge [sflag:s20], $0x2000  }
0x2d: {  	[sflag:s20] =	ssyncset.done $0x0  }
0x2e: {  	s1 =	simm.s32 $0x5080;
	[sflag:s20] =	ssyncadd.s32 $0xFFFFE000  }
0x2f: {  	[spmem:s2] =	stream.indirect.scatter.add.f32 [tilespmem:s16], [sflag:$0x6], $0x40, s1, s14, $0xb8;
	[tilespmem:$0x1C000] =	vst v63  }
0x30: {  	_ =	swait.ge [sflag:s21], $0x2000  }
0x31: {  	[sflag:s21] =	ssyncset.done $0x0  }
0x32: {  	s1 =	simm.s32 $0x5100;
	[sflag:s21] =	ssyncadd.s32 $0xFFFFE000  }
0x33: {  	[spmem:s2] =	stream.indirect.scatter.add.f32 [tilespmem:s17], [sflag:$0x7], $0x40, s1, s14, $0xb8;
	[tilespmem:$0x1C000] =	vst v63  }
0x34: {  	_ =	swait.ge [sflag:s22], $0x2000  }
0x35: {  	[sflag:s22] =	ssyncset.done $0x0  }
0x36: {  	s1 =	simm.s32 $0x5180;
	[sflag:s22] =	ssyncadd.s32 $0xFFFFE000  }
0x37: {  	[spmem:s2] =	stream.indirect.scatter.add.f32 [tilespmem:s18], [sflag:$0x8], $0x40, s1, s14, $0xb8;
	[tilespmem:$0x1C000] =	vst v63  }
0x38: {  	_ =	swait.ge [sflag:s23], $0x2000  }
0x39: {  	[sflag:s23] =	ssyncset.done $0x0  }
0x3a: {  	s1 =	simm.s32 $0x200;
	[sflag:s23] =	ssyncadd.s32 $0xFFFFE000  }
0x3b: {  	[tilespmem:s15], [sflag:$0x1] =	stream.indirect.gather [hbm4b:s4+s14], $0x40, s1, s14, $0xb8;
	[tilespmem:$0x1C000] =	vst v63  }
0x3c: {  	_ =	swait.ge [sflag:s24], $0x2000  }
0x3d: {  	[sflag:s24] =	ssyncset.done $0x0  }
0x3e: {  	s1 =	simm.s32 $0x280;
	[sflag:s24] =	ssyncadd.s32 $0xFFFFE000  }
0x3f: {  	[tilespmem:s16], [sflag:$0x2] =	stream.indirect.gather [hbm4b:s4+s14], $0x40, s1, s14, $0xb8;
	[tilespmem:$0x1C000] =	vst v63  }
0x40: {  	_ =	swait.ge [sflag:s25], $0x2000  }
0x41: {  	[sflag:s25] =	ssyncset.done $0x0  }
0x42: {  	s1 =	simm.s32 $0x300;
	[sflag:s25] =	ssyncadd.s32 $0xFFFFE000  }
0x43: {  	[tilespmem:s17], [sflag:$0x3] =	stream.indirect.gather [hbm4b:s4+s14], $0x40, s1, s14, $0xb8;
	[tilespmem:$0x1C000] =	vst v63  }
0x44: {  	_ =	swait.ge [sflag:s26], $0x2000  }
0x45: {  	[sflag:s26] =	ssyncset.done $0x0  }
0x46: {  	s1 =	simm.s32 $0x380;
	[sflag:s26] =	ssyncadd.s32 $0xFFFFE000  }
0x47: {  	[tilespmem:s18], [sflag:$0x4] =	stream.indirect.gather [hbm4b:s4+s14], $0x40, s1, s14, $0xb8;
	[tilespmem:$0x1C000] =	vst v63  }
0x48: {  	_ =	swait.ge [sflag:s19], $0x2000  }
0x49: {  	[sflag:s19] =	ssyncset.done $0x0  }
0x4a: {  	s1 =	simm.s32 $0x5200;
	[sflag:s19] =	ssyncadd.s32 $0xFFFFE000  }
0x4b: {  	[spmem:s2] =	stream.indirect.scatter.add.f32 [tilespmem:s15], [sflag:$0x5], $0x40, s1, s14, $0xb8;
	[tilespmem:$0x1C000] =	vst v63  }
0x4c: {  	_ =	swait.ge [sflag:s20], $0x2000  }
0x4d: {  	[sflag:s20] =	ssyncset.done $0x0  }
0x4e: {  	s1 =	simm.s32 $0x5280;
	[sflag:s20] =	ssyncadd.s32 $0xFFFFE000  }
0x4f: {  	[spmem:s2] =	stream.indirect.scatter.add.f32 [tilespmem:s16], [sflag:$0x6], $0x40, s1, s14, $0xb8;
	[tilespmem:$0x1C000] =	vst v63  }
0x50: {  	_ =	swait.ge [sflag:s21], $0x2000  }
0x51: {  	[sflag:s21] =	ssyncset.done $0x0  }
0x52: {  	s1 =	simm.s32 $0x5300;
	[sflag:s21] =	ssyncadd.s32 $0xFFFFE000  }
0x53: {  	[spmem:s2] =	stream.indirect.scatter.add.f32 [tilespmem:s17], [sflag:$0x7], $0x40, s1, s14, $0xb8;
	[tilespmem:$0x1C000] =	vst v63  }
0x54: {  	_ =	swait.ge [sflag:s22], $0x2000  }
0x55: {  	[sflag:s22] =	ssyncset.done $0x0  }
0x56: {  	s1 =	simm.s32 $0x5380;
	[sflag:s22] =	ssyncadd.s32 $0xFFFFE000  }
0x57: {  	[spmem:s2] =	stream.indirect.scatter.add.f32 [tilespmem:s18], [sflag:$0x8], $0x40, s1, s14, $0xb8;
	[tilespmem:$0x1C000] =	vst v63  }
0x58: {  	_ =	swait.ge [sflag:s23], $0x2000  }
0x59: {  	[sflag:s23] =	ssyncset.done $0x0  }
0x5a: {  	[sflag:s23] =	ssyncadd.s32 $0xFFFFE000  }
0x5b: {  	_ =	swait.ge [sflag:s24], $0x2000  }
0x5c: {  	[sflag:s24] =	ssyncset.done $0x0  }
0x5d: {  	[sflag:s24] =	ssyncadd.s32 $0xFFFFE000  }
0x5e: {  	_ =	swait.ge [sflag:s25], $0x2000  }
0x5f: {  	[sflag:s25] =	ssyncset.done $0x0  }
0x60: {  	[sflag:s25] =	ssyncadd.s32 $0xFFFFE000  }
0x61: {  	_ =	swait.ge [sflag:s26], $0x2000  }
0x62: {  	s30 =	simm.s32 $0x1000;
	s31 =	simm.s32 $0x2000;
	[sflag:s26] =	ssyncset.done $0x0  }
.LBB2_2:
0x63: {  	s0 =	sshra.s32 s30, $0x2  }
0x64: {  	[sflag:s26] =	ssyncadd.s32 $0xFFFFE000;
	s30 =	smov.u32 s31;
	s1 =	sadd.s32 $0x1000, s31  }
0x65: {  	[tilespmem:s15], [sflag:$0x1] =	stream.indirect.gather [hbm4b:s4+s14], $0x40, s0, s14, $0xb8;
	[tilespmem:$0x1C000] =	vst v63  }
0x66: {  	p0 =	sne.s32 s31, $0x13000;
	s31 =	sadd.s32 $0x80, s0  }
0x67: {  	[tilespmem:s16], [sflag:$0x2] =	stream.indirect.gather [hbm4b:s4+s14], $0x40, s31, s14, $0xb8;
	[tilespmem:$0x1C000] =	vst v63  }
0x68: {  	s31 =	sadd.s32 $0x100, s0  }
0x69: {  	[tilespmem:s17], [sflag:$0x3] =	stream.indirect.gather [hbm4b:s4+s14], $0x40, s31, s14, $0xb8;
	[tilespmem:$0x1C000] =	vst v63  }
0x6a: {  	s31 =	sadd.s32 $0x180, s0  }
0x6b: {  	[tilespmem:s18], [sflag:$0x4] =	stream.indirect.gather [hbm4b:s4+s14], $0x40, s31, s14, $0xb8;
	[tilespmem:$0x1C000] =	vst v63  }
0x6c: {  	_ =	swait.ge [sflag:s19], $0x2000  }
0x6d: {  	[sflag:s19] =	ssyncset.done $0x0  }
0x6e: {  	s31 =	sadd.s32 $0x5000, s0;
	[sflag:s19] =	ssyncadd.s32 $0xFFFFE000  }
0x6f: {  	[spmem:s2] =	stream.indirect.scatter.add.f32 [tilespmem:s15], [sflag:$0x5], $0x40, s31, s14, $0xb8;
	[tilespmem:$0x1C000] =	vst v63  }
0x70: {  	_ =	swait.ge [sflag:s20], $0x2000  }
0x71: {  	[sflag:s20] =	ssyncset.done $0x0  }
0x72: {  	s31 =	sadd.s32 $0x5080, s0;
	[sflag:s20] =	ssyncadd.s32 $0xFFFFE000  }
0x73: {  	[spmem:s2] =	stream.indirect.scatter.add.f32 [tilespmem:s16], [sflag:$0x6], $0x40, s31, s14, $0xb8;
	[tilespmem:$0x1C000] =	vst v63  }
0x74: {  	_ =	swait.ge [sflag:s21], $0x2000  }
0x75: {  	[sflag:s21] =	ssyncset.done $0x0  }
0x76: {  	s31 =	sadd.s32 $0x5100, s0;
	[sflag:s21] =	ssyncadd.s32 $0xFFFFE000  }
0x77: {  	[spmem:s2] =	stream.indirect.scatter.add.f32 [tilespmem:s17], [sflag:$0x7], $0x40, s31, s14, $0xb8;
	[tilespmem:$0x1C000] =	vst v63  }
0x78: {  	_ =	swait.ge [sflag:s22], $0x2000  }
0x79: {  	[sflag:s22] =	ssyncset.done $0x0  }
0x7a: {  	s31 =	sadd.s32 $0x5180, s0;
	[sflag:s22] =	ssyncadd.s32 $0xFFFFE000  }
0x7b: {  	[spmem:s2] =	stream.indirect.scatter.add.f32 [tilespmem:s18], [sflag:$0x8], $0x40, s31, s14, $0xb8;
	[tilespmem:$0x1C000] =	vst v63  }
0x7c: {  	_ =	swait.ge [sflag:s23], $0x2000  }
0x7d: {  	[sflag:s23] =	ssyncset.done $0x0  }
0x7e: {  	s31 =	sadd.s32 $0x200, s0;
	[sflag:s23] =	ssyncadd.s32 $0xFFFFE000  }
0x7f: {  	[tilespmem:s15], [sflag:$0x1] =	stream.indirect.gather [hbm4b:s4+s14], $0x40, s31, s14, $0xb8;
	[tilespmem:$0x1C000] =	vst v63  }
0x80: {  	_ =	swait.ge [sflag:s24], $0x2000  }
0x81: {  	[sflag:s24] =	ssyncset.done $0x0  }
0x82: {  	s31 =	sadd.s32 $0x280, s0;
	[sflag:s24] =	ssyncadd.s32 $0xFFFFE000  }
0x83: {  	[tilespmem:s16], [sflag:$0x2] =	stream.indirect.gather [hbm4b:s4+s14], $0x40, s31, s14, $0xb8;
	[tilespmem:$0x1C000] =	vst v63  }
0x84: {  	_ =	swait.ge [sflag:s25], $0x2000  }
0x85: {  	[sflag:s25] =	ssyncset.done $0x0  }
0x86: {  	s31 =	sadd.s32 $0x300, s0;
	[sflag:s25] =	ssyncadd.s32 $0xFFFFE000  }
0x87: {  	[tilespmem:s17], [sflag:$0x3] =	stream.indirect.gather [hbm4b:s4+s14], $0x40, s31, s14, $0xb8;
	[tilespmem:$0x1C000] =	vst v63  }
0x88: {  	_ =	swait.ge [sflag:s26], $0x2000  }
0x89: {  	[sflag:s26] =	ssyncset.done $0x0  }
0x8a: {  	s31 =	sadd.s32 $0x380, s0;
	[sflag:s26] =	ssyncadd.s32 $0xFFFFE000  }
0x8b: {  	[tilespmem:s18], [sflag:$0x4] =	stream.indirect.gather [hbm4b:s4+s14], $0x40, s31, s14, $0xb8;
	[tilespmem:$0x1C000] =	vst v63  }
0x8c: {  	_ =	swait.ge [sflag:s19], $0x2000  }
0x8d: {  	[sflag:s19] =	ssyncset.done $0x0  }
0x8e: {  	s31 =	sadd.s32 $0x5200, s0;
	[sflag:s19] =	ssyncadd.s32 $0xFFFFE000  }
0x8f: {  	[spmem:s2] =	stream.indirect.scatter.add.f32 [tilespmem:s15], [sflag:$0x5], $0x40, s31, s14, $0xb8;
	[tilespmem:$0x1C000] =	vst v63  }
0x90: {  	_ =	swait.ge [sflag:s20], $0x2000  }
0x91: {  	[sflag:s20] =	ssyncset.done $0x0  }
0x92: {  	s31 =	sadd.s32 $0x5280, s0;
	[sflag:s20] =	ssyncadd.s32 $0xFFFFE000  }
0x93: {  	[spmem:s2] =	stream.indirect.scatter.add.f32 [tilespmem:s16], [sflag:$0x6], $0x40, s31, s14, $0xb8;
	[tilespmem:$0x1C000] =	vst v63  }
0x94: {  	_ =	swait.ge [sflag:s21], $0x2000  }
0x95: {  	[sflag:s21] =	ssyncset.done $0x0  }
0x96: {  	s31 =	sadd.s32 $0x5300, s0;
	[sflag:s21] =	ssyncadd.s32 $0xFFFFE000  }
0x97: {  	[spmem:s2] =	stream.indirect.scatter.add.f32 [tilespmem:s17], [sflag:$0x7], $0x40, s31, s14, $0xb8;
	[tilespmem:$0x1C000] =	vst v63  }
0x98: {  	_ =	swait.ge [sflag:s22], $0x2000  }
0x99: {  	[sflag:s22] =	ssyncset.done $0x0  }
0x9a: {  	s0 =	sadd.s32 $0x5380, s0;
	[sflag:s22] =	ssyncadd.s32 $0xFFFFE000  }
0x9b: {  	[spmem:s2] =	stream.indirect.scatter.add.f32 [tilespmem:s18], [sflag:$0x8], $0x40, s0, s14, $0xb8;
	[tilespmem:$0x1C000] =	vst v63  }
0x9c: {  	_ =	swait.ge [sflag:s23], $0x2000  }
0x9d: {  	[sflag:s23] =	ssyncset.done $0x0  }
0x9e: {  	[sflag:s23] =	ssyncadd.s32 $0xFFFFE000  }
0x9f: {  	_ =	swait.ge [sflag:s24], $0x2000  }
0xa0: {  	[sflag:s24] =	ssyncset.done $0x0  }
0xa1: {  	[sflag:s24] =	ssyncadd.s32 $0xFFFFE000  }
.Ltmp0:
0xa2: {  	_ =	swait.ge [sflag:s25], $0x2000;
	(pc) =	sbr.rel @p0 .LBB2_2-.Ltmp0, $4  }
0xa3: {  	[sflag:s25] =	ssyncset.done $0x0  }
0xa4: {  	[sflag:s25] =	ssyncadd.s32 $0xFFFFE000  }
0xa5: {  	_ =	swait.ge [sflag:s26], $0x2000  }
0xa6: {  	s31 =	smov.u32 s1;
	[sflag:s26] =	ssyncset.done $0x0  }
0xa7: {  	s0 =	sshra.s32 s30, $0x2;
	[sflag:s26] =	ssyncadd.s32 $0xFFFFE000  }
0xa8: {  	[tilespmem:s15], [sflag:$0x1] =	stream.indirect.gather [hbm4b:s4+s14], $0x40, s0, s14, $0xb8;
	[tilespmem:$0x1C000] =	vst v63  }
0xa9: {  	s1 =	sadd.s32 $0x80, s0  }
0xaa: {  	[tilespmem:s16], [sflag:$0x2] =	stream.indirect.gather [hbm4b:s4+s14], $0x40, s1, s14, $0xb8;
	[tilespmem:$0x1C000] =	vst v63  }
0xab: {  	s31 =	sadd.s32 $0x100, s0  }
0xac: {  	[tilespmem:s17], [sflag:$0x3] =	stream.indirect.gather [hbm4b:s4+s14], $0x40, s31, s14, $0xb8;
	[tilespmem:$0x1C000] =	vst v63  }
0xad: {  	s30 =	sadd.s32 $0x180, s0  }
0xae: {  	[tilespmem:s18], [sflag:$0x4] =	stream.indirect.gather [hbm4b:s4+s14], $0x40, s30, s14, $0xb8;
	[tilespmem:$0x1C000] =	vst v63  }
0xaf: {  	_ =	swait.ge [sflag:s19], $0x2000  }
0xb0: {  	[sflag:s19] =	ssyncset.done $0x0  }
0xb1: {  	s31 =	sadd.s32 $0x5000, s0;
	[sflag:s19] =	ssyncadd.s32 $0xFFFFE000  }
0xb2: {  	[spmem:s2] =	stream.indirect.scatter.add.f32 [tilespmem:s15], [sflag:$0x5], $0x40, s31, s14, $0xb8;
	[tilespmem:$0x1C000] =	vst v63  }
0xb3: {  	_ =	swait.ge [sflag:s20], $0x2000  }
0xb4: {  	[sflag:s20] =	ssyncset.done $0x0  }
0xb5: {  	s30 =	sadd.s32 $0x5080, s0;
	[sflag:s20] =	ssyncadd.s32 $0xFFFFE000  }
0xb6: {  	[spmem:s2] =	stream.indirect.scatter.add.f32 [tilespmem:s16], [sflag:$0x6], $0x40, s30, s14, $0xb8;
	[tilespmem:$0x1C000] =	vst v63  }
0xb7: {  	_ =	swait.ge [sflag:s21], $0x2000  }
0xb8: {  	[sflag:s21] =	ssyncset.done $0x0  }
0xb9: {  	s31 =	sadd.s32 $0x5100, s0;
	[sflag:s21] =	ssyncadd.s32 $0xFFFFE000  }
0xba: {  	[spmem:s2] =	stream.indirect.scatter.add.f32 [tilespmem:s17], [sflag:$0x7], $0x40, s31, s14, $0xb8;
	[tilespmem:$0x1C000] =	vst v63  }
0xbb: {  	_ =	swait.ge [sflag:s22], $0x2000  }
0xbc: {  	[sflag:s22] =	ssyncset.done $0x0  }
0xbd: {  	s30 =	sadd.s32 $0x5180, s0;
	[sflag:s22] =	ssyncadd.s32 $0xFFFFE000  }
0xbe: {  	[spmem:s2] =	stream.indirect.scatter.add.f32 [tilespmem:s18], [sflag:$0x8], $0x40, s30, s14, $0xb8;
	[tilespmem:$0x1C000] =	vst v63  }
0xbf: {  	_ =	swait.ge [sflag:s23], $0x2000  }
0xc0: {  	[sflag:s23] =	ssyncset.done $0x0  }
0xc1: {  	s31 =	sadd.s32 $0x200, s0;
	[sflag:s23] =	ssyncadd.s32 $0xFFFFE000  }
0xc2: {  	[tilespmem:s15], [sflag:$0x1] =	stream.indirect.gather [hbm4b:s4+s14], $0x40, s31, s14, $0xb8;
	[tilespmem:$0x1C000] =	vst v63  }
0xc3: {  	_ =	swait.ge [sflag:s24], $0x2000  }
0xc4: {  	[sflag:s24] =	ssyncset.done $0x0  }
0xc5: {  	s30 =	sadd.s32 $0x280, s0;
	[sflag:s24] =	ssyncadd.s32 $0xFFFFE000  }
0xc6: {  	[tilespmem:s16], [sflag:$0x2] =	stream.indirect.gather [hbm4b:s4+s14], $0x40, s30, s14, $0xb8;
	[tilespmem:$0x1C000] =	vst v63  }
0xc7: {  	_ =	swait.ge [sflag:s25], $0x2000  }
0xc8: {  	[sflag:s25] =	ssyncset.done $0x0  }
0xc9: {  	s31 =	sadd.s32 $0x300, s0;
	[sflag:s25] =	ssyncadd.s32 $0xFFFFE000  }
0xca: {  	[tilespmem:s17], [sflag:$0x3] =	stream.indirect.gather [hbm4b:s4+s14], $0x40, s31, s14, $0xb8;
	[tilespmem:$0x1C000] =	vst v63  }
0xcb: {  	_ =	swait.ge [sflag:s26], $0x2000  }
0xcc: {  	[sflag:s26] =	ssyncset.done $0x0  }
0xcd: {  	s30 =	sadd.s32 $0x380, s0;
	[sflag:s26] =	ssyncadd.s32 $0xFFFFE000  }
0xce: {  	[tilespmem:s18], [sflag:$0x4] =	stream.indirect.gather [hbm4b:s4+s14], $0x40, s30, s14, $0xb8;
	[tilespmem:$0x1C000] =	vst v63  }
0xcf: {  	_ =	swait.ge [sflag:s19], $0x2000  }
0xd0: {  	[sflag:s19] =	ssyncset.done $0x0  }
0xd1: {  	s31 =	sadd.s32 $0x5200, s0;
	[sflag:s19] =	ssyncadd.s32 $0xFFFFE000  }
0xd2: {  	[spmem:s2] =	stream.indirect.scatter.add.f32 [tilespmem:s15], [sflag:$0x5], $0x40, s31, s14, $0xb8;
	[tilespmem:$0x1C000] =	vst v63  }
0xd3: {  	_ =	swait.ge [sflag:s20], $0x2000  }
0xd4: {  	[sflag:s20] =	ssyncset.done $0x0  }
0xd5: {  	s30 =	sadd.s32 $0x5280, s0;
	[sflag:s20] =	ssyncadd.s32 $0xFFFFE000  }
0xd6: {  	[spmem:s2] =	stream.indirect.scatter.add.f32 [tilespmem:s16], [sflag:$0x6], $0x40, s30, s14, $0xb8;
	[tilespmem:$0x1C000] =	vst v63  }
0xd7: {  	_ =	swait.ge [sflag:s21], $0x2000  }
0xd8: {  	[sflag:s21] =	ssyncset.done $0x0  }
0xd9: {  	s31 =	sadd.s32 $0x5300, s0;
	[sflag:s21] =	ssyncadd.s32 $0xFFFFE000  }
0xda: {  	[spmem:s2] =	stream.indirect.scatter.add.f32 [tilespmem:s17], [sflag:$0x7], $0x40, s31, s14, $0xb8;
	[tilespmem:$0x1C000] =	vst v63  }
0xdb: {  	_ =	swait.ge [sflag:s22], $0x2000  }
0xdc: {  	[sflag:s22] =	ssyncset.done $0x0  }
0xdd: {  	s0 =	sadd.s32 $0x5380, s0;
	[sflag:s22] =	ssyncadd.s32 $0xFFFFE000  }
0xde: {  	[spmem:s2] =	stream.indirect.scatter.add.f32 [tilespmem:s18], [sflag:$0x8], $0x40, s0, s14, $0xb8;
	[tilespmem:$0x1C000] =	vst v63  }
0xdf: {  	_ =	swait.ge [sflag:s23], $0x2000  }
0xe0: {  	[sflag:s23] =	ssyncset.done $0x0  }
0xe1: {  	[sflag:s23] =	ssyncadd.s32 $0xFFFFE000  }
0xe2: {  	_ =	swait.ge [sflag:s24], $0x2000  }
0xe3: {  	[sflag:s24] =	ssyncset.done $0x0  }
0xe4: {  	[sflag:s24] =	ssyncadd.s32 $0xFFFFE000  }
0xe5: {  	_ =	swait.ge [sflag:s25], $0x2000  }
0xe6: {  	[sflag:s25] =	ssyncset.done $0x0  }
0xe7: {  	[sflag:s25] =	ssyncadd.s32 $0xFFFFE000  }
0xe8: {  	_ =	swait.ge [sflag:s26], $0x2000  }
0xe9: {  	s29 =	sadd.s32 $0x1, s29;
	[sflag:s26] =	ssyncset.done $0x0  }
0xea: {  	p0 =	sne.s32 s29, s9;
	[sflag:s26] =	ssyncadd.s32 $0xFFFFE000  }
.Ltmp1:
0xeb: {  	[bflag:$0x0] =	sbarrier.arrive $0xFFFF;
	(pc) =	sbr.rel @p0 .LBB2_1-.Ltmp1, $4  }
0xec: {  	[hbm:s8@s28], [sflag:s6] =	dma.strided [spmem:s11@s26], $0x1400, s19, $0x8   }
0xed: {  	_ =	swait.ge [sflag:s12], $0x1400  }
0xee: {  	[sflag:s12] =	ssyncset.done $0x0  }
0xef: {  	[sflag:s12] =	ssyncadd.s32 $0xFFFFEC00  }
0xf0: {  	_ =	sfence.sel $0x180000  }
0xf1: {  	[bflag:$0x0] =	sbarrier.arrive $0xFFFF  }
0xf2: {  	_ =	strace $0x9000004A  }
0xf3: {  	s0 =	stileid.u32;
	[bflag:$0x2] =	sbarrier.arrive $0xFFFF  }
0xf4: {  	p0 =	sne.s32 s0, $0x0;
	s0 =	rddreg [dreg:$0x3]  }
0xf5: {  	s0 =	sadd.s32 @!p0 $0x100000, s0  }
0xf6: {  	[sflag:s0] =	ssyncadd.tile.s32 @!p0 $0x1;
	_ =	shalt  }
.Lfunc_end2:
_tile_overlayer_lowered:
.L_overlay_start_2:
0xf7: {  	(tag) =	ssettag $0x2  }
0xf8: {  	s0 =	rddreg [dreg:$0x0];
	s2 =	stileid.u32  }
0xf9: {  	s1 =	rddreg [dreg:$0x1];
	p0 =	sne.s32 s2, $0x0  }
0xfa: {  	s3 =	rddreg [dreg:$0x2];
	[bflag:$0x3] =	sbarrier.arrive $0xFFFF;
	s2 =	simm.s32 @!p0 $0x1C09  }
0xfb: {  	[timem:s3], [sflag:s2] =	dma.local @!p0 [hbm:s0], s1  }
0xfc: {  	s0 =	simm.s32 @!p0 $0x9  }
0xfd: {  	_ =	swait.ge @!p0 [sflag:s0], s1  }
0xfe: {  	s1 =	ssub.s32 @!p0 $0x0, s1;
	[sflag:s0] =	ssyncset.done @!p0 $0x0  }
0xff: {  	[sflag:s0] =	ssyncadd.s32 @!p0 s1  }
0x100: {  	[bflag:$0x3] =	sbarrier.arrive $0xFFFF  }
0x101: {  	_ =	shalt  }

// kernel: kernel.16.cloned.1.call-start
scs
__scs_entry_jumppad:
0x0: {  	(pc) =	sbr.rel $0x88, $3  }
0x1: {  	(tag) =	ssettag $0x0;
	lr =	simm.s32 $0x1  }
0x2: {  	[smem:$0x3F99] =	sst lr;
	_ =	strace $0xD0000000  }
0x3: {  	_ = 	snop  }
0x4: {  	_ = 	snop  }
0x5: {  	_ = 	snop  }
0x6: {  	_ = 	snop  }
0x7: {  	_ = 	snop  }
__scs_overlays_trampoline_lowered:
0x8: {  	[smem:$0x3FA8] =	sst s0  }
0x9: {  	[smem:$0x3FA9] =	sst s1  }
0xa: {  	[smem:$0x3FAA] =	sst s2  }
0xb: {  	[smem:$0x3FAB] =	sst s3  }
0xc: {  	[smem:$0x3FAC] =	sst s4  }
0xd: {  	[smem:$0x3FAD] =	sst s5  }
0xe: {  	[smem:$0x3FAE] =	sst s6  }
0xf: {  	[smem:$0x3FAF] =	sst s7  }
0x10: {  	[smem:$0x3FB0] =	sst s8  }
0x11: {  	[smem:$0x3FB1] =	sst s9;
	s0 =	simm.s32 @!p0 $0x0  }
0x12: {  	s1 =	sld [smem:$0x3F97];
	s0 =	simm.s32 @p0 $0x1  }
0x13: {  	[smem:$0x3FB2] =	sst s0;
	s0 =	simm.s32 @!p1 $0x0  }
0x14: {  	s2 =	sld [smem:$0x3F96];
	s0 =	simm.s32 @p1 $0x1  }
0x15: {  	[smem:$0x3FB3] =	sst s0;
	s0 =	simm.s32 @!p2 $0x0  }
0x16: {  	s3 =	sld [smem:$0x3FDB];
	s0 =	simm.s32 @p2 $0x1  }
0x17: {  	s4 =	simm.s32 $0x1BF5;
	[smem:$0x3FB5] =	sst s0  }
0x18: {  	s0 =	sld [smem:$0x3F98];
	_ =	swait.ge [sflag:s4], $0x0  }
0x19: {  	s7 =	sld [smem:$0x3F99]  }
0x1a: {  	s8 =	sadd.s32 $0xFFFFE003, lr  }
0x1b: {  	s9 =	sadd.s32 $0xFFFFFEF7, lr;
	s5 =	simm.s32 $0xFFFFFFFF;
	p2 =	slt.u32 s8, $0xFFFFF086  }
0x1c: {  	p1 =	slt.u32 s9, $0xF7A;
	s5 =	simm.s32 @!p2 $0x0  }
0x1d: {  	s5 =	simm.s32 @p1 $0x1;
	p0 =	seq.s32 s7, s2  }
0x1e: {  	s7 =	smul.u32 @!p0 $0xF7A, s2;
	p2 =	seq.s32 @!p0 s5, $0x0  }
0x1f: {  	s9 =	smul.u32 $0xF7A, s1;
	s8 =	simm.s32 @!p0 $0x1BF5;
	p2 =	por !p2, p0  }
0x20: {  	[sflag:s8] =	ssyncset.s32 @!p0 $0xFFFFF086;
	s6 =	sadd.s32 @!p0 s3, s7;
	s7 =	simm.s32 @!p0 $0x108  }
0x21: {  	s3 =	sadd.s32 s3, s9;
	s6 =	sadd.s32 @!p0 $0x88, s6;
	s7 =	simm.s32 @p2 $0x1082  }
0x22: {  	[simem:s7], [sflag:s8] =	dma.local @!p0 [hbm:s6], $0xF7A  }
0x23: {  	s9 =	sor.u32 $0xD0000000, s2;
	s6 =	simm.s32 $0x108;
	_ =	swait.ge @!p0 [sflag:s8], $0x0  }
0x24: {  	s3 =	sadd.s32 $0x88, s3;
	s6 =	simm.s32 @!p1 $0x1082;
	[sflag:s4] =	ssyncset.s32 $0xFFFFF086  }
0x25: {  	[simem:s6], [sflag:s4] =	dma.local [hbm:s3], $0xF7A  }
0x26: {  	[smem:$0x3F99] =	sst s1;
	(tag) =	ssettag s2;
	_ =	strace s9  }
0x27: {  	s1 =	sld [smem:$0x3FA9]  }
0x28: {  	s2 =	sld [smem:$0x3FAA]  }
0x29: {  	s4 =	sld [smem:$0x3FAC]  }
0x2a: {  	p0 =	seq.s32 s5, $0x0;
	s5 =	sld [smem:$0x3FAD]  }
0x2b: {  	s6 =	sld [smem:$0x3FAE]  }
0x2c: {  	s7 =	sld [smem:$0x3FAF]  }
0x2d: {  	s3 =	simm.s32 $0x108;
	s8 =	sld [smem:$0x3FB0]  }
0x2e: {  	s3 =	simm.s32 @!p0 $0x1082;
	s9 =	sld [smem:$0x3FB1]  }
0x2f: {  	lr =	sadd.s32 s0, s3;
	s0 =	sld [smem:$0x3FA8]  }
0x30: {  	s3 =	sld [smem:$0x3FAB]  }
0x31: {  	[smem:$0x3FB4] =	sst s10  }
0x32: {  	s10 =	sld [smem:$0x3FB2];
	_ =	sdelay $0x3  }
0x33: {  	p0 =	seq.s32 s10, $0x1;
	s10 =	sld [smem:$0x3FB4];
	_ =	sdelay $0x3  }
0x34: {  	[smem:$0x3FB4] =	sst s10  }
0x35: {  	s10 =	sld [smem:$0x3FB3];
	_ =	sdelay $0x3  }
0x36: {  	p1 =	seq.s32 s10, $0x1;
	s10 =	sld [smem:$0x3FB4];
	_ =	sdelay $0x3  }
0x37: {  	[smem:$0x3FB4] =	sst s10  }
0x38: {  	s10 =	sld [smem:$0x3FB5]  }
0x39: {  	_ = 	snop;
	(pc) =	sbr.ind lr, $3  }
0x3a: {  	_ = 	snop  }
0x3b: {  	_ = 	snop  }
0x3c: {  	p2 =	seq.s32 s10, $0x1;
	s10 =	sld [smem:$0x3FB4]  }
0x3d: {  	_ =	shalt  }
0x3e: {  	_ =	shalt  }
0x3f: {  	_ =	shalt  }
0x40: {  	_ =	shalt  }
0x41: {  	_ =	shalt  }
0x42: {  	_ =	shalt  }
0x43: {  	_ =	shalt  }
0x44: {  	_ =	shalt  }
0x45: {  	_ =	shalt  }
0x46: {  	_ =	shalt  }
0x47: {  	_ =	shalt  }
0x48: {  	_ =	shalt  }
0x49: {  	_ =	shalt  }
0x4a: {  	_ =	shalt  }
0x4b: {  	_ =	shalt  }
0x4c: {  	_ =	shalt  }
0x4d: {  	_ =	shalt  }
0x4e: {  	_ =	shalt  }
0x4f: {  	_ =	shalt  }
0x50: {  	_ =	shalt  }
0x51: {  	_ =	shalt  }
0x52: {  	_ =	shalt  }
0x53: {  	_ =	shalt  }
0x54: {  	_ =	shalt  }
0x55: {  	_ =	shalt  }
0x56: {  	_ =	shalt  }
0x57: {  	_ =	shalt  }
0x58: {  	_ =	shalt  }
0x59: {  	_ =	shalt  }
0x5a: {  	_ =	shalt  }
0x5b: {  	_ =	shalt  }
0x5c: {  	_ =	shalt  }
0x5d: {  	_ =	shalt  }
0x5e: {  	_ =	shalt  }
0x5f: {  	_ =	shalt  }
0x60: {  	_ =	shalt  }
0x61: {  	_ =	shalt  }
0x62: {  	_ =	shalt  }
0x63: {  	_ =	shalt  }
0x64: {  	_ =	shalt  }
0x65: {  	_ =	shalt  }
0x66: {  	_ =	shalt  }
0x67: {  	_ =	shalt  }
0x68: {  	_ =	shalt  }
0x69: {  	_ =	shalt  }
0x6a: {  	_ =	shalt  }
0x6b: {  	_ =	shalt  }
0x6c: {  	_ =	shalt  }
0x6d: {  	_ =	shalt  }
0x6e: {  	_ =	shalt  }
0x6f: {  	_ =	shalt  }
0x70: {  	_ =	shalt  }
0x71: {  	_ =	shalt  }
0x72: {  	_ =	shalt  }
0x73: {  	_ =	shalt  }
0x74: {  	_ =	shalt  }
0x75: {  	_ =	shalt  }
0x76: {  	_ =	shalt  }
0x77: {  	_ =	shalt  }
0x78: {  	_ =	shalt  }
0x79: {  	_ =	shalt  }
0x7a: {  	_ =	shalt  }
0x7b: {  	_ =	shalt  }
0x7c: {  	_ =	shalt  }
0x7d: {  	_ =	shalt  }
0x7e: {  	_ =	shalt  }
0x7f: {  	_ =	shalt  }
0x80: {  	_ =	shalt  }
0x81: {  	_ =	shalt  }
0x82: {  	_ =	shalt  }
0x83: {  	_ =	shalt  }
0x84: {  	_ =	shalt  }
0x85: {  	_ =	shalt  }
0x86: {  	_ =	shalt  }
0x87: {  	_ =	shalt  }
.Lfunc_end0:
.L_simem_size_0:
called_computation.2_lowered:
.L_overlay_start_0:
0x88: {  	s2 =	sld [smem:$0x3FD9]  }
0x89: {  	s3 =	sld [smem:$0x3FFE];
	_ =	sdelay $0x1  }
0x8a: {  	s1 =	srdreg.scid  }
0x8b: {  	s0 =	sand.u32 $0x1, s1  }
0x8c: {  	s17 =	sshll.u32 s0, $0xA;
	s2 =	sadd.s32 s3, s2  }
0x8d: {  	s2 =	sadd.s32 s2, s17  }
0x8e: {  	[smem:$0x3FC0] =	sst s2  }
0x8f: {  	_ = 	snop  }
0x90: {  	s2 =	sld [smem:$0x3FD0];
	(tm) =	ssettm $0x1  }
0x91: {  	s18 =	sld [smem:$0x3FFB];
	_ =	sdelay $0x3  }
0x92: {  	_ =	strace s18  }
0x93: {  	s3 =	sld [smem:$0x3FFC];
	_ =	sdelay $0x3  }
0x94: {  	_ =	strace s3  }
0x95: {  	s3 =	sld [smem:$0x3FFD];
	_ =	sdelay $0x3  }
0x96: {  	_ =	strace s3  }
0x97: {  	_ =	strace $0x8FFFFFFF  }
0x98: {  	s19 =	sld [smem:$0x3FDB];
	_ =	sdelay $0x1  }
0x99: {  	s4 =	simm.s32 $_scs_section_size  }
0x9a: {  	s5 =	simm.s32 $_size__tile_overlayer_lowered;
	s6 =	simm.s32 $_tile_overlayer_lowered  }
0x9b: {  	s22 =	simm.s32 $0x1BFF;
	s21 =	sshll.u32 s6, $0x1;
	s3 =	sadd.s32 s4, s19  }
0x9c: {  	s7 =	simm.s32 $0x0;
	s20 =	sshll.u32 s5, $0x1;
	s5 =	sadd.s32 s21, s3  }
0x9d: {  	[timem:s7], [sflag:s22] =	dma.local [hbm:s5], s20  }
0x9e: {  	_ =	swait.ge [sflag:s22], s20  }
0x9f: {  	s4 =	ssub.s32 $0x0, s20;
	[sflag:s22] =	ssyncset.done $0x0  }
0xa0: {  	[sflag:s22] =	ssyncadd.s32 s4;
	_ =	sdelay $0x1  }
0xa1: {  	s23 =	simm.s32 $0x1B8B  }
0xa2: {  	_ =	swait.ge [sflag:s23], $0x1  }
0xa3: {  	[sflag:s23] =	ssyncset.done $0x0  }
0xa4: {  	s25 =	simm.s32 $0x1B8E;
	s24 =	sld [smem:$0x3FFE];
	[sflag:s23] =	ssyncadd.s32 $0xFFFFFFFF  }
0xa5: {  	s26 =	simm.s32 $execute0_lowered;
	[smem:$0x3FD2] =	sst s25  }
0xa6: {  	s5 =	sshll.u32 s26, $0x1;
	_ =	strace $0x8000004C;
	[dreg:$0x1] =	wrdreg $0xFFFFFFFF  }
0xa7: {  	s28 =	simm.s32 $_size_execute0_lowered;
	s3 =	sadd.s32 s3, s5;
	[dreg:$0x0] =	wrdreg $0x0  }
0xa8: {  	s5 =	sshll.u32 s28, $0x1;
	[dreg:$0x2] =	wrdreg s3  }
0xa9: {  	[dreg:$0x3] =	wrdreg s5  }
0xaa: {  	[dreg:$0x4] =	wrdreg $0xC0  }
0xab: {  	_ =	task [dreg:s7], $0x5FFFF  }
0xac: {  	[dreg:$0x1] =	wrdreg $0xFFFFFFFF  }
0xad: {  	[dreg:$0x0] =	wrdreg $0x60  }
0xae: {  	[dreg:$0x2] =	wrdreg s24  }
0xaf: {  	[dreg:$0x3] =	wrdreg s2  }
0xb0: {  	[dreg:$0x4] =	wrdreg $0x120000  }
0xb1: {  	[dreg:$0x5] =	wrdreg $0x9  }
0xb2: {  	_ =	task.clear_ibuf [dreg:s7], $0x6FFFF;
	_ =	strace $0x9000004C  }
0xb3: {  	s29 =	simm.s32 $0x9;
	_ =	strace $0x8000004E  }
0xb4: {  	_ =	swait.ge [sflag:s29], $0x1  }
0xb5: {  	[sflag:s29] =	ssyncadd.s32 $0xFFFFFFFF  }
0xb6: {  	_ =	strace $0x9000004E  }
0xb7: {  	_ =	sfence  }
0xb8: {  	s30 =	sld [smem:$0x0];
	_ =	sdelay $0x2  }
0xb9: {  	s31 =	sshll.u32 s1, $0xD;
	s1 =	sshrl.u32 s1, $0x2  }
0xba: {  	s3 =	sand.u32 $0x4000, s31;
	s1 =	sadd.s32 s1, s30  }
0xbb: {  	s0 =	sor.u32 s3, s0;
	s1 =	sshll.u32 s1, $0x11  }
0xbc: {  	s0 =	sor.u32 s1, s0  }
0xbd: {  	s0 =	sadd.s32 $0x8F2B, s0  }
0xbe: {  	[sflag:s0] =	ssyncadd.remote.s32 $0x1  }
0xbf: {  	_ =	sfence.sel $0xFFFF  }
0xc0: {  	[dreg:$0x0] =	wrdreg $0xFFFFFFFF;
	(pc) =	sbr.abs _section_cstart, $3  }
0xc1: {  	[dreg:$0x1] =	wrdreg $0xFFFFFFFF  }
0xc2: {  	_ =	task.clear_ibuf [dreg:s7], $0x2FFFF;
	_ =	strace $0x9FFFFFFF  }
0xc3: {  	(tm) =	ssettm $0x7FFFFFFF  }
tec
execute0_lowered:
.L_overlay_start_1:
0x0: {  	(tag) =	ssettag $0x1  }
0x1: {  	s0 =	rddreg [dreg:$0x0]  }
0x2: {  	s1 =	rddreg [dreg:$0x1]  }
0x3: {  	s2 =	rddreg [dreg:$0x2];
	s3 =	simm.s32 $0x0  }
0x4: {  	s14 =	stileid.u32;
	s6 =	srdreg.scid;
	s15 =	simm.s32 $0xA000  }
0x5: {  	s16 =	simm.s32 $0xC000;
	s17 =	simm.s32 $0xE000;
	s18 =	simm.s32 $0x10000  }
0x6: {  	s19 =	simm.s32 $0x1;
	s20 =	simm.s32 $0x2;
	s21 =	simm.s32 $0x3  }
0x7: {  	s22 =	simm.s32 $0x4;
	s23 =	simm.s32 $0x5;
	s24 =	simm.s32 $0x6  }
0x8: {  	s25 =	simm.s32 $0x7;
	s28 =	simm.s32 $0x10;
	s10 =	smul.u32 $0xA00, s14  }
0x9: {  	s29 =	simm.s32 $0x0;
	[smem:$0x7FF] =	sst s3;
	s5 =	smul.u32 $0xA000, s14  }
0xa: {  	s4 =	sadd.s32 $0x16C00, s0;
	s6 =	sand.u32 $0x1, s6;
	s7 =	smul.u32 $0x14000, s14  }
0xb: {  	s11 =	sadd.s32 $0x43E00, s0;
	s31 =	sshll.u32 s14, $0x6;
	s14 =	simm.s32 $0x80  }
0xc: {  	_ =	strace $0x8000004D;
	s9 =	sshll.u32 s6, $0x6;
	s26 =	ssub.s32 $0x2, s6  }
0xd: {  	p0 =	seq.s32 s6, $0x1;
	s6 =	sor.u32 $0x1C09, s31;
	s8 =	sadd.s32 s10, s0  }
0xe: {  	s12 =	sshrl.u32 s5, $0x3;
	s7 =	sor.u32 s9, s7;
	s13 =	sshrl.u32 s26, $0x1  }
0xf: {  	s30 =	sadd.s32 s5, s2;
	s11 =	smov.u32 @p0 s1;
	s12 =	sadd.s32 s12, s0  }
0x10: {  	s7 =	sshrl.u32 s7, $0x3;
	s9 =	ssub.s32 s26, s13;
	s10 =	sadd.s32 s11, s10  }
0x11: {  	s11 =	sshrl.u32 s30, $0x3;
	s13 =	simm.s32 $0x5000;
	s26 =	simm.s32 $0x8  }
0x12: {  	s0 =	sadd.s32 s7, s0;
	s5 =	sadd.s32 $0x4DE00, s12;
	s7 =	sadd.s32 $0xCC00, s8  }
0x13: {  	s9 =	smax.u32 s9, $0x1;
	s12 =	simm.s32 $0x9;
	s8 =	sadd.s32 $0x61E00, s0  }
.LBB2_1:
0x14: {  	[spmem:s11], [sflag:s6] =	dma.local [hbm:s5], $0x1400  }
0x15: {  	_ =	swait.ge [sflag:s12], $0x1400  }
0x16: {  	[sflag:s12] =	ssyncset.done $0x0  }
0x17: {  	[sflag:s12] =	ssyncadd.s32 $0xFFFFEC00  }
0x18: {  	[tilespmem:s3], [sflag:$0x9] =	stream.linear.gather [hbm4b:s10+s3], $0x5000, $0x38;
	[tilespmem:$0x1C000] =	vst v63  }
0x19: {  	_ =	swait.ge [sflag:s12], $0x5000  }
0x1a: {  	[sflag:s12] =	ssyncset.done $0x0  }
0x1b: {  	[sflag:s12] =	ssyncadd.s32 $0xFFFFB000  }
0x1c: {  	[tilespmem:s13], [sflag:$0x9] =	stream.linear.gather [hbm4b:s7+s3], $0x5000, $0x38;
	[tilespmem:$0x1C000] =	vst v63  }
0x1d: {  	_ =	swait.ge [sflag:s12], $0x5000  }
0x1e: {  	[sflag:s12] =	ssyncset.done $0x0  }
0x1f: {  	[sflag:s12] =	ssyncadd.s32 $0xFFFFB000  }
0x20: {  	s0 =	simm.s32 $0x0;
	[bflag:$0x0] =	sbarrier.arrive $0xFFFF  }
0x21: {  	[tilespmem:s15], [sflag:$0x1] =	stream.indirect.gather [hbm4b:s4+s14], $0x40, s0, s14, $0xb8;
	[tilespmem:$0x1C000] =	vst v63  }
0x22: {  	s1 =	simm.s32 $0x80  }
0x23: {  	[tilespmem:s16], [sflag:$0x2] =	stream.indirect.gather [hbm4b:s4+s14], $0x40, s1, s14, $0xb8;
	[tilespmem:$0x1C000] =	vst v63  }
0x24: {  	s1 =	simm.s32 $0x100  }
0x25: {  	[tilespmem:s17], [sflag:$0x3] =	stream.indirect.gather [hbm4b:s4+s14], $0x40, s1, s14, $0xb8;
	[tilespmem:$0x1C000] =	vst v63  }
0x26: {  	s1 =	simm.s32 $0x180  }
0x27: {  	[tilespmem:s18], [sflag:$0x4] =	stream.indirect.gather [hbm4b:s4+s14], $0x40, s1, s14, $0xb8;
	[tilespmem:$0x1C000] =	vst v63  }
0x28: {  	_ =	swait.ge [sflag:s19], $0x2000  }
0x29: {  	[sflag:s19] =	ssyncset.done $0x0  }
0x2a: {  	s1 =	simm.s32 $0x5000;
	[sflag:s19] =	ssyncadd.s32 $0xFFFFE000  }
0x2b: {  	[spmem:s2] =	stream.indirect.scatter.add.f32 [tilespmem:s15], [sflag:$0x5], $0x40, s1, s14, $0xb8;
	[tilespmem:$0x1C000] =	vst v63  }
0x2c: {  	_ =	swait.ge [sflag:s20], $0x2000  }
0x2d: {  	[sflag:s20] =	ssyncset.done $0x0  }
0x2e: {  	s1 =	simm.s32 $0x5080;
	[sflag:s20] =	ssyncadd.s32 $0xFFFFE000  }
0x2f: {  	[spmem:s2] =	stream.indirect.scatter.add.f32 [tilespmem:s16], [sflag:$0x6], $0x40, s1, s14, $0xb8;
	[tilespmem:$0x1C000] =	vst v63  }
0x30: {  	_ =	swait.ge [sflag:s21], $0x2000  }
0x31: {  	[sflag:s21] =	ssyncset.done $0x0  }
0x32: {  	s1 =	simm.s32 $0x5100;
	[sflag:s21] =	ssyncadd.s32 $0xFFFFE000  }
0x33: {  	[spmem:s2] =	stream.indirect.scatter.add.f32 [tilespmem:s17], [sflag:$0x7], $0x40, s1, s14, $0xb8;
	[tilespmem:$0x1C000] =	vst v63  }
0x34: {  	_ =	swait.ge [sflag:s22], $0x2000  }
0x35: {  	[sflag:s22] =	ssyncset.done $0x0  }
0x36: {  	s1 =	simm.s32 $0x5180;
	[sflag:s22] =	ssyncadd.s32 $0xFFFFE000  }
0x37: {  	[spmem:s2] =	stream.indirect.scatter.add.f32 [tilespmem:s18], [sflag:$0x8], $0x40, s1, s14, $0xb8;
	[tilespmem:$0x1C000] =	vst v63  }
0x38: {  	_ =	swait.ge [sflag:s23], $0x2000  }
0x39: {  	[sflag:s23] =	ssyncset.done $0x0  }
0x3a: {  	s1 =	simm.s32 $0x200;
	[sflag:s23] =	ssyncadd.s32 $0xFFFFE000  }
0x3b: {  	[tilespmem:s15], [sflag:$0x1] =	stream.indirect.gather [hbm4b:s4+s14], $0x40, s1, s14, $0xb8;
	[tilespmem:$0x1C000] =	vst v63  }
0x3c: {  	_ =	swait.ge [sflag:s24], $0x2000  }
0x3d: {  	[sflag:s24] =	ssyncset.done $0x0  }
0x3e: {  	s1 =	simm.s32 $0x280;
	[sflag:s24] =	ssyncadd.s32 $0xFFFFE000  }
0x3f: {  	[tilespmem:s16], [sflag:$0x2] =	stream.indirect.gather [hbm4b:s4+s14], $0x40, s1, s14, $0xb8;
	[tilespmem:$0x1C000] =	vst v63  }
0x40: {  	_ =	swait.ge [sflag:s25], $0x2000  }
0x41: {  	[sflag:s25] =	ssyncset.done $0x0  }
0x42: {  	s1 =	simm.s32 $0x300;
	[sflag:s25] =	ssyncadd.s32 $0xFFFFE000  }
0x43: {  	[tilespmem:s17], [sflag:$0x3] =	stream.indirect.gather [hbm4b:s4+s14], $0x40, s1, s14, $0xb8;
	[tilespmem:$0x1C000] =	vst v63  }
0x44: {  	_ =	swait.ge [sflag:s26], $0x2000  }
0x45: {  	[sflag:s26] =	ssyncset.done $0x0  }
0x46: {  	s1 =	simm.s32 $0x380;
	[sflag:s26] =	ssyncadd.s32 $0xFFFFE000  }
0x47: {  	[tilespmem:s18], [sflag:$0x4] =	stream.indirect.gather [hbm4b:s4+s14], $0x40, s1, s14, $0xb8;
	[tilespmem:$0x1C000] =	vst v63  }
0x48: {  	_ =	swait.ge [sflag:s19], $0x2000  }
0x49: {  	[sflag:s19] =	ssyncset.done $0x0  }
0x4a: {  	s1 =	simm.s32 $0x5200;
	[sflag:s19] =	ssyncadd.s32 $0xFFFFE000  }
0x4b: {  	[spmem:s2] =	stream.indirect.scatter.add.f32 [tilespmem:s15], [sflag:$0x5], $0x40, s1, s14, $0xb8;
	[tilespmem:$0x1C000] =	vst v63  }
0x4c: {  	_ =	swait.ge [sflag:s20], $0x2000  }
0x4d: {  	[sflag:s20] =	ssyncset.done $0x0  }
0x4e: {  	s1 =	simm.s32 $0x5280;
	[sflag:s20] =	ssyncadd.s32 $0xFFFFE000  }
0x4f: {  	[spmem:s2] =	stream.indirect.scatter.add.f32 [tilespmem:s16], [sflag:$0x6], $0x40, s1, s14, $0xb8;
	[tilespmem:$0x1C000] =	vst v63  }
0x50: {  	_ =	swait.ge [sflag:s21], $0x2000  }
0x51: {  	[sflag:s21] =	ssyncset.done $0x0  }
0x52: {  	s1 =	simm.s32 $0x5300;
	[sflag:s21] =	ssyncadd.s32 $0xFFFFE000  }
0x53: {  	[spmem:s2] =	stream.indirect.scatter.add.f32 [tilespmem:s17], [sflag:$0x7], $0x40, s1, s14, $0xb8;
	[tilespmem:$0x1C000] =	vst v63  }
0x54: {  	_ =	swait.ge [sflag:s22], $0x2000  }
0x55: {  	[sflag:s22] =	ssyncset.done $0x0  }
0x56: {  	s1 =	simm.s32 $0x5380;
	[sflag:s22] =	ssyncadd.s32 $0xFFFFE000  }
0x57: {  	[spmem:s2] =	stream.indirect.scatter.add.f32 [tilespmem:s18], [sflag:$0x8], $0x40, s1, s14, $0xb8;
	[tilespmem:$0x1C000] =	vst v63  }
0x58: {  	_ =	swait.ge [sflag:s23], $0x2000  }
0x59: {  	[sflag:s23] =	ssyncset.done $0x0  }
0x5a: {  	[sflag:s23] =	ssyncadd.s32 $0xFFFFE000  }
0x5b: {  	_ =	swait.ge [sflag:s24], $0x2000  }
0x5c: {  	[sflag:s24] =	ssyncset.done $0x0  }
0x5d: {  	[sflag:s24] =	ssyncadd.s32 $0xFFFFE000  }
0x5e: {  	_ =	swait.ge [sflag:s25], $0x2000  }
0x5f: {  	[sflag:s25] =	ssyncset.done $0x0  }
0x60: {  	[sflag:s25] =	ssyncadd.s32 $0xFFFFE000  }
0x61: {  	_ =	swait.ge [sflag:s26], $0x2000  }
0x62: {  	s30 =	simm.s32 $0x1000;
	s31 =	simm.s32 $0x2000;
	[sflag:s26] =	ssyncset.done $0x0  }
.LBB2_2:
0x63: {  	s0 =	sshra.s32 s30, $0x2  }
0x64: {  	[sflag:s26] =	ssyncadd.s32 $0xFFFFE000;
	s30 =	smov.u32 s31;
	s1 =	sadd.s32 $0x1000, s31  }
0x65: {  	[tilespmem:s15], [sflag:$0x1] =	stream.indirect.gather [hbm4b:s4+s14], $0x40, s0, s14, $0xb8;
	[tilespmem:$0x1C000] =	vst v63  }
0x66: {  	p0 =	sne.s32 s31, $0x13000;
	s31 =	sadd.s32 $0x80, s0  }
0x67: {  	[tilespmem:s16], [sflag:$0x2] =	stream.indirect.gather [hbm4b:s4+s14], $0x40, s31, s14, $0xb8;
	[tilespmem:$0x1C000] =	vst v63  }
0x68: {  	s31 =	sadd.s32 $0x100, s0  }
0x69: {  	[tilespmem:s17], [sflag:$0x3] =	stream.indirect.gather [hbm4b:s4+s14], $0x40, s31, s14, $0xb8;
	[tilespmem:$0x1C000] =	vst v63  }
0x6a: {  	s31 =	sadd.s32 $0x180, s0  }
0x6b: {  	[tilespmem:s18], [sflag:$0x4] =	stream.indirect.gather [hbm4b:s4+s14], $0x40, s31, s14, $0xb8;
	[tilespmem:$0x1C000] =	vst v63  }
0x6c: {  	_ =	swait.ge [sflag:s19], $0x2000  }
0x6d: {  	[sflag:s19] =	ssyncset.done $0x0  }
0x6e: {  	s31 =	sadd.s32 $0x5000, s0;
	[sflag:s19] =	ssyncadd.s32 $0xFFFFE000  }
0x6f: {  	[spmem:s2] =	stream.indirect.scatter.add.f32 [tilespmem:s15], [sflag:$0x5], $0x40, s31, s14, $0xb8;
	[tilespmem:$0x1C000] =	vst v63  }
0x70: {  	_ =	swait.ge [sflag:s20], $0x2000  }
0x71: {  	[sflag:s20] =	ssyncset.done $0x0  }
0x72: {  	s31 =	sadd.s32 $0x5080, s0;
	[sflag:s20] =	ssyncadd.s32 $0xFFFFE000  }
0x73: {  	[spmem:s2] =	stream.indirect.scatter.add.f32 [tilespmem:s16], [sflag:$0x6], $0x40, s31, s14, $0xb8;
	[tilespmem:$0x1C000] =	vst v63  }
0x74: {  	_ =	swait.ge [sflag:s21], $0x2000  }
0x75: {  	[sflag:s21] =	ssyncset.done $0x0  }
0x76: {  	s31 =	sadd.s32 $0x5100, s0;
	[sflag:s21] =	ssyncadd.s32 $0xFFFFE000  }
0x77: {  	[spmem:s2] =	stream.indirect.scatter.add.f32 [tilespmem:s17], [sflag:$0x7], $0x40, s31, s14, $0xb8;
	[tilespmem:$0x1C000] =	vst v63  }
0x78: {  	_ =	swait.ge [sflag:s22], $0x2000  }
0x79: {  	[sflag:s22] =	ssyncset.done $0x0  }
0x7a: {  	s31 =	sadd.s32 $0x5180, s0;
	[sflag:s22] =	ssyncadd.s32 $0xFFFFE000  }
0x7b: {  	[spmem:s2] =	stream.indirect.scatter.add.f32 [tilespmem:s18], [sflag:$0x8], $0x40, s31, s14, $0xb8;
	[tilespmem:$0x1C000] =	vst v63  }
0x7c: {  	_ =	swait.ge [sflag:s23], $0x2000  }
0x7d: {  	[sflag:s23] =	ssyncset.done $0x0  }
0x7e: {  	s31 =	sadd.s32 $0x200, s0;
	[sflag:s23] =	ssyncadd.s32 $0xFFFFE000  }
0x7f: {  	[tilespmem:s15], [sflag:$0x1] =	stream.indirect.gather [hbm4b:s4+s14], $0x40, s31, s14, $0xb8;
	[tilespmem:$0x1C000] =	vst v63  }
0x80: {  	_ =	swait.ge [sflag:s24], $0x2000  }
0x81: {  	[sflag:s24] =	ssyncset.done $0x0  }
0x82: {  	s31 =	sadd.s32 $0x280, s0;
	[sflag:s24] =	ssyncadd.s32 $0xFFFFE000  }
0x83: {  	[tilespmem:s16], [sflag:$0x2] =	stream.indirect.gather [hbm4b:s4+s14], $0x40, s31, s14, $0xb8;
	[tilespmem:$0x1C000] =	vst v63  }
0x84: {  	_ =	swait.ge [sflag:s25], $0x2000  }
0x85: {  	[sflag:s25] =	ssyncset.done $0x0  }
0x86: {  	s31 =	sadd.s32 $0x300, s0;
	[sflag:s25] =	ssyncadd.s32 $0xFFFFE000  }
0x87: {  	[tilespmem:s17], [sflag:$0x3] =	stream.indirect.gather [hbm4b:s4+s14], $0x40, s31, s14, $0xb8;
	[tilespmem:$0x1C000] =	vst v63  }
0x88: {  	_ =	swait.ge [sflag:s26], $0x2000  }
0x89: {  	[sflag:s26] =	ssyncset.done $0x0  }
0x8a: {  	s31 =	sadd.s32 $0x380, s0;
	[sflag:s26] =	ssyncadd.s32 $0xFFFFE000  }
0x8b: {  	[tilespmem:s18], [sflag:$0x4] =	stream.indirect.gather [hbm4b:s4+s14], $0x40, s31, s14, $0xb8;
	[tilespmem:$0x1C000] =	vst v63  }
0x8c: {  	_ =	swait.ge [sflag:s19], $0x2000  }
0x8d: {  	[sflag:s19] =	ssyncset.done $0x0  }
0x8e: {  	s31 =	sadd.s32 $0x5200, s0;
	[sflag:s19] =	ssyncadd.s32 $0xFFFFE000  }
0x8f: {  	[spmem:s2] =	stream.indirect.scatter.add.f32 [tilespmem:s15], [sflag:$0x5], $0x40, s31, s14, $0xb8;
	[tilespmem:$0x1C000] =	vst v63  }
0x90: {  	_ =	swait.ge [sflag:s20], $0x2000  }
0x91: {  	[sflag:s20] =	ssyncset.done $0x0  }
0x92: {  	s31 =	sadd.s32 $0x5280, s0;
	[sflag:s20] =	ssyncadd.s32 $0xFFFFE000  }
0x93: {  	[spmem:s2] =	stream.indirect.scatter.add.f32 [tilespmem:s16], [sflag:$0x6], $0x40, s31, s14, $0xb8;
	[tilespmem:$0x1C000] =	vst v63  }
0x94: {  	_ =	swait.ge [sflag:s21], $0x2000  }
0x95: {  	[sflag:s21] =	ssyncset.done $0x0  }
0x96: {  	s31 =	sadd.s32 $0x5300, s0;
	[sflag:s21] =	ssyncadd.s32 $0xFFFFE000  }
0x97: {  	[spmem:s2] =	stream.indirect.scatter.add.f32 [tilespmem:s17], [sflag:$0x7], $0x40, s31, s14, $0xb8;
	[tilespmem:$0x1C000] =	vst v63  }
0x98: {  	_ =	swait.ge [sflag:s22], $0x2000  }
0x99: {  	[sflag:s22] =	ssyncset.done $0x0  }
0x9a: {  	s0 =	sadd.s32 $0x5380, s0;
	[sflag:s22] =	ssyncadd.s32 $0xFFFFE000  }
0x9b: {  	[spmem:s2] =	stream.indirect.scatter.add.f32 [tilespmem:s18], [sflag:$0x8], $0x40, s0, s14, $0xb8;
	[tilespmem:$0x1C000] =	vst v63  }
0x9c: {  	_ =	swait.ge [sflag:s23], $0x2000  }
0x9d: {  	[sflag:s23] =	ssyncset.done $0x0  }
0x9e: {  	[sflag:s23] =	ssyncadd.s32 $0xFFFFE000  }
0x9f: {  	_ =	swait.ge [sflag:s24], $0x2000  }
0xa0: {  	[sflag:s24] =	ssyncset.done $0x0  }
0xa1: {  	[sflag:s24] =	ssyncadd.s32 $0xFFFFE000  }
.Ltmp0:
0xa2: {  	_ =	swait.ge [sflag:s25], $0x2000;
	(pc) =	sbr.rel @p0 .LBB2_2-.Ltmp0, $4  }
0xa3: {  	[sflag:s25] =	ssyncset.done $0x0  }
0xa4: {  	[sflag:s25] =	ssyncadd.s32 $0xFFFFE000  }
0xa5: {  	_ =	swait.ge [sflag:s26], $0x2000  }
0xa6: {  	s31 =	smov.u32 s1;
	[sflag:s26] =	ssyncset.done $0x0  }
0xa7: {  	s0 =	sshra.s32 s30, $0x2;
	[sflag:s26] =	ssyncadd.s32 $0xFFFFE000  }
0xa8: {  	[tilespmem:s15], [sflag:$0x1] =	stream.indirect.gather [hbm4b:s4+s14], $0x40, s0, s14, $0xb8;
	[tilespmem:$0x1C000] =	vst v63  }
0xa9: {  	s1 =	sadd.s32 $0x80, s0  }
0xaa: {  	[tilespmem:s16], [sflag:$0x2] =	stream.indirect.gather [hbm4b:s4+s14], $0x40, s1, s14, $0xb8;
	[tilespmem:$0x1C000] =	vst v63  }
0xab: {  	s31 =	sadd.s32 $0x100, s0  }
0xac: {  	[tilespmem:s17], [sflag:$0x3] =	stream.indirect.gather [hbm4b:s4+s14], $0x40, s31, s14, $0xb8;
	[tilespmem:$0x1C000] =	vst v63  }
0xad: {  	s30 =	sadd.s32 $0x180, s0  }
0xae: {  	[tilespmem:s18], [sflag:$0x4] =	stream.indirect.gather [hbm4b:s4+s14], $0x40, s30, s14, $0xb8;
	[tilespmem:$0x1C000] =	vst v63  }
0xaf: {  	_ =	swait.ge [sflag:s19], $0x2000  }
0xb0: {  	[sflag:s19] =	ssyncset.done $0x0  }
0xb1: {  	s31 =	sadd.s32 $0x5000, s0;
	[sflag:s19] =	ssyncadd.s32 $0xFFFFE000  }
0xb2: {  	[spmem:s2] =	stream.indirect.scatter.add.f32 [tilespmem:s15], [sflag:$0x5], $0x40, s31, s14, $0xb8;
	[tilespmem:$0x1C000] =	vst v63  }
0xb3: {  	_ =	swait.ge [sflag:s20], $0x2000  }
0xb4: {  	[sflag:s20] =	ssyncset.done $0x0  }
0xb5: {  	s30 =	sadd.s32 $0x5080, s0;
	[sflag:s20] =	ssyncadd.s32 $0xFFFFE000  }
0xb6: {  	[spmem:s2] =	stream.indirect.scatter.add.f32 [tilespmem:s16], [sflag:$0x6], $0x40, s30, s14, $0xb8;
	[tilespmem:$0x1C000] =	vst v63  }
0xb7: {  	_ =	swait.ge [sflag:s21], $0x2000  }
0xb8: {  	[sflag:s21] =	ssyncset.done $0x0  }
0xb9: {  	s31 =	sadd.s32 $0x5100, s0;
	[sflag:s21] =	ssyncadd.s32 $0xFFFFE000  }
0xba: {  	[spmem:s2] =	stream.indirect.scatter.add.f32 [tilespmem:s17], [sflag:$0x7], $0x40, s31, s14, $0xb8;
	[tilespmem:$0x1C000] =	vst v63  }
0xbb: {  	_ =	swait.ge [sflag:s22], $0x2000  }
0xbc: {  	[sflag:s22] =	ssyncset.done $0x0  }
0xbd: {  	s30 =	sadd.s32 $0x5180, s0;
	[sflag:s22] =	ssyncadd.s32 $0xFFFFE000  }
0xbe: {  	[spmem:s2] =	stream.indirect.scatter.add.f32 [tilespmem:s18], [sflag:$0x8], $0x40, s30, s14, $0xb8;
	[tilespmem:$0x1C000] =	vst v63  }
0xbf: {  	_ =	swait.ge [sflag:s23], $0x2000  }
0xc0: {  	[sflag:s23] =	ssyncset.done $0x0  }
0xc1: {  	s31 =	sadd.s32 $0x200, s0;
	[sflag:s23] =	ssyncadd.s32 $0xFFFFE000  }
0xc2: {  	[tilespmem:s15], [sflag:$0x1] =	stream.indirect.gather [hbm4b:s4+s14], $0x40, s31, s14, $0xb8;
	[tilespmem:$0x1C000] =	vst v63  }
0xc3: {  	_ =	swait.ge [sflag:s24], $0x2000  }
0xc4: {  	[sflag:s24] =	ssyncset.done $0x0  }
0xc5: {  	s30 =	sadd.s32 $0x280, s0;
	[sflag:s24] =	ssyncadd.s32 $0xFFFFE000  }
0xc6: {  	[tilespmem:s16], [sflag:$0x2] =	stream.indirect.gather [hbm4b:s4+s14], $0x40, s30, s14, $0xb8;
	[tilespmem:$0x1C000] =	vst v63  }
0xc7: {  	_ =	swait.ge [sflag:s25], $0x2000  }
0xc8: {  	[sflag:s25] =	ssyncset.done $0x0  }
0xc9: {  	s31 =	sadd.s32 $0x300, s0;
	[sflag:s25] =	ssyncadd.s32 $0xFFFFE000  }
0xca: {  	[tilespmem:s17], [sflag:$0x3] =	stream.indirect.gather [hbm4b:s4+s14], $0x40, s31, s14, $0xb8;
	[tilespmem:$0x1C000] =	vst v63  }
0xcb: {  	_ =	swait.ge [sflag:s26], $0x2000  }
0xcc: {  	[sflag:s26] =	ssyncset.done $0x0  }
0xcd: {  	s30 =	sadd.s32 $0x380, s0;
	[sflag:s26] =	ssyncadd.s32 $0xFFFFE000  }
0xce: {  	[tilespmem:s18], [sflag:$0x4] =	stream.indirect.gather [hbm4b:s4+s14], $0x40, s30, s14, $0xb8;
	[tilespmem:$0x1C000] =	vst v63  }
0xcf: {  	_ =	swait.ge [sflag:s19], $0x2000  }
0xd0: {  	[sflag:s19] =	ssyncset.done $0x0  }
0xd1: {  	s31 =	sadd.s32 $0x5200, s0;
	[sflag:s19] =	ssyncadd.s32 $0xFFFFE000  }
0xd2: {  	[spmem:s2] =	stream.indirect.scatter.add.f32 [tilespmem:s15], [sflag:$0x5], $0x40, s31, s14, $0xb8;
	[tilespmem:$0x1C000] =	vst v63  }
0xd3: {  	_ =	swait.ge [sflag:s20], $0x2000  }
0xd4: {  	[sflag:s20] =	ssyncset.done $0x0  }
0xd5: {  	s30 =	sadd.s32 $0x5280, s0;
	[sflag:s20] =	ssyncadd.s32 $0xFFFFE000  }
0xd6: {  	[spmem:s2] =	stream.indirect.scatter.add.f32 [tilespmem:s16], [sflag:$0x6], $0x40, s30, s14, $0xb8;
	[tilespmem:$0x1C000] =	vst v63  }
0xd7: {  	_ =	swait.ge [sflag:s21], $0x2000  }
0xd8: {  	[sflag:s21] =	ssyncset.done $0x0  }
0xd9: {  	s31 =	sadd.s32 $0x5300, s0;
	[sflag:s21] =	ssyncadd.s32 $0xFFFFE000  }
0xda: {  	[spmem:s2] =	stream.indirect.scatter.add.f32 [tilespmem:s17], [sflag:$0x7], $0x40, s31, s14, $0xb8;
	[tilespmem:$0x1C000] =	vst v63  }
0xdb: {  	_ =	swait.ge [sflag:s22], $0x2000  }
0xdc: {  	[sflag:s22] =	ssyncset.done $0x0  }
0xdd: {  	s0 =	sadd.s32 $0x5380, s0;
	[sflag:s22] =	ssyncadd.s32 $0xFFFFE000  }
0xde: {  	[spmem:s2] =	stream.indirect.scatter.add.f32 [tilespmem:s18], [sflag:$0x8], $0x40, s0, s14, $0xb8;
	[tilespmem:$0x1C000] =	vst v63  }
0xdf: {  	_ =	swait.ge [sflag:s23], $0x2000  }
0xe0: {  	[sflag:s23] =	ssyncset.done $0x0  }
0xe1: {  	[sflag:s23] =	ssyncadd.s32 $0xFFFFE000  }
0xe2: {  	_ =	swait.ge [sflag:s24], $0x2000  }
0xe3: {  	[sflag:s24] =	ssyncset.done $0x0  }
0xe4: {  	[sflag:s24] =	ssyncadd.s32 $0xFFFFE000  }
0xe5: {  	_ =	swait.ge [sflag:s25], $0x2000  }
0xe6: {  	[sflag:s25] =	ssyncset.done $0x0  }
0xe7: {  	[sflag:s25] =	ssyncadd.s32 $0xFFFFE000  }
0xe8: {  	_ =	swait.ge [sflag:s26], $0x2000  }
0xe9: {  	s29 =	sadd.s32 $0x1, s29;
	[sflag:s26] =	ssyncset.done $0x0  }
0xea: {  	p0 =	sne.s32 s29, s9;
	[sflag:s26] =	ssyncadd.s32 $0xFFFFE000  }
.Ltmp1:
0xeb: {  	[bflag:$0x0] =	sbarrier.arrive $0xFFFF;
	(pc) =	sbr.rel @p0 .LBB2_1-.Ltmp1, $4  }
0xec: {  	[hbm:s8@s28], [sflag:s6] =	dma.strided [spmem:s11@s26], $0x1400, s19, $0x8   }
0xed: {  	_ =	swait.ge [sflag:s12], $0x1400  }
0xee: {  	[sflag:s12] =	ssyncset.done $0x0  }
0xef: {  	[sflag:s12] =	ssyncadd.s32 $0xFFFFEC00  }
0xf0: {  	_ =	sfence.sel $0x180000  }
0xf1: {  	[bflag:$0x0] =	sbarrier.arrive $0xFFFF  }
0xf2: {  	_ =	strace $0x9000004D  }
0xf3: {  	s0 =	stileid.u32;
	[bflag:$0x2] =	sbarrier.arrive $0xFFFF  }
0xf4: {  	p0 =	sne.s32 s0, $0x0;
	s0 =	rddreg [dreg:$0x3]  }
0xf5: {  	s0 =	sadd.s32 @!p0 $0x100000, s0  }
0xf6: {  	[sflag:s0] =	ssyncadd.tile.s32 @!p0 $0x1;
	_ =	shalt  }
.Lfunc_end2:
_tile_overlayer_lowered:
.L_overlay_start_2:
0xf7: {  	(tag) =	ssettag $0x2  }
0xf8: {  	s0 =	rddreg [dreg:$0x0];
	s2 =	stileid.u32  }
0xf9: {  	s1 =	rddreg [dreg:$0x1];
	p0 =	sne.s32 s2, $0x0  }
0xfa: {  	s3 =	rddreg [dreg:$0x2];
	[bflag:$0x3] =	sbarrier.arrive $0xFFFF;
	s2 =	simm.s32 @!p0 $0x1C09  }
0xfb: {  	[timem:s3], [sflag:s2] =	dma.local @!p0 [hbm:s0], s1  }
0xfc: {  	s0 =	simm.s32 @!p0 $0x9  }
0xfd: {  	_ =	swait.ge @!p0 [sflag:s0], s1  }
0xfe: {  	s1 =	ssub.s32 @!p0 $0x0, s1;
	[sflag:s0] =	ssyncset.done @!p0 $0x0  }
0xff: {  	[sflag:s0] =	ssyncadd.s32 @!p0 s1  }
0x100: {  	[bflag:$0x3] =	sbarrier.arrive $0xFFFF  }
0x101: {  	_ =	shalt  }

// kernel: kernel.19.cloned.1.call-start
scs
__scs_entry_jumppad:
0x0: {  	(pc) =	sbr.rel $0x88, $3  }
0x1: {  	(tag) =	ssettag $0x0;
	lr =	simm.s32 $0x1  }
0x2: {  	[smem:$0x3F99] =	sst lr;
	_ =	strace $0xD0000000  }
0x3: {  	_ = 	snop  }
0x4: {  	_ = 	snop  }
0x5: {  	_ = 	snop  }
0x6: {  	_ = 	snop  }
0x7: {  	_ = 	snop  }
__scs_overlays_trampoline_lowered:
0x8: {  	[smem:$0x3FA8] =	sst s0  }
0x9: {  	[smem:$0x3FA9] =	sst s1  }
0xa: {  	[smem:$0x3FAA] =	sst s2  }
0xb: {  	[smem:$0x3FAB] =	sst s3  }
0xc: {  	[smem:$0x3FAC] =	sst s4  }
0xd: {  	[smem:$0x3FAD] =	sst s5  }
0xe: {  	[smem:$0x3FAE] =	sst s6  }
0xf: {  	[smem:$0x3FAF] =	sst s7  }
0x10: {  	[smem:$0x3FB0] =	sst s8  }
0x11: {  	[smem:$0x3FB1] =	sst s9;
	s0 =	simm.s32 @!p0 $0x0  }
0x12: {  	s1 =	sld [smem:$0x3F97];
	s0 =	simm.s32 @p0 $0x1  }
0x13: {  	[smem:$0x3FB2] =	sst s0;
	s0 =	simm.s32 @!p1 $0x0  }
0x14: {  	s2 =	sld [smem:$0x3F96];
	s0 =	simm.s32 @p1 $0x1  }
0x15: {  	[smem:$0x3FB3] =	sst s0;
	s0 =	simm.s32 @!p2 $0x0  }
0x16: {  	s3 =	sld [smem:$0x3FDB];
	s0 =	simm.s32 @p2 $0x1  }
0x17: {  	s4 =	simm.s32 $0x1BF5;
	[smem:$0x3FB5] =	sst s0  }
0x18: {  	s0 =	sld [smem:$0x3F98];
	_ =	swait.ge [sflag:s4], $0x0  }
0x19: {  	s7 =	sld [smem:$0x3F99]  }
0x1a: {  	s8 =	sadd.s32 $0xFFFFE003, lr  }
0x1b: {  	s9 =	sadd.s32 $0xFFFFFEF7, lr;
	s5 =	simm.s32 $0xFFFFFFFF;
	p2 =	slt.u32 s8, $0xFFFFF086  }
0x1c: {  	p1 =	slt.u32 s9, $0xF7A;
	s5 =	simm.s32 @!p2 $0x0  }
0x1d: {  	s5 =	simm.s32 @p1 $0x1;
	p0 =	seq.s32 s7, s2  }
0x1e: {  	s7 =	smul.u32 @!p0 $0xF7A, s2;
	p2 =	seq.s32 @!p0 s5, $0x0  }
0x1f: {  	s9 =	smul.u32 $0xF7A, s1;
	s8 =	simm.s32 @!p0 $0x1BF5;
	p2 =	por !p2, p0  }
0x20: {  	[sflag:s8] =	ssyncset.s32 @!p0 $0xFFFFF086;
	s6 =	sadd.s32 @!p0 s3, s7;
	s7 =	simm.s32 @!p0 $0x108  }
0x21: {  	s3 =	sadd.s32 s3, s9;
	s6 =	sadd.s32 @!p0 $0x88, s6;
	s7 =	simm.s32 @p2 $0x1082  }
0x22: {  	[simem:s7], [sflag:s8] =	dma.local @!p0 [hbm:s6], $0xF7A  }
0x23: {  	s9 =	sor.u32 $0xD0000000, s2;
	s6 =	simm.s32 $0x108;
	_ =	swait.ge @!p0 [sflag:s8], $0x0  }
0x24: {  	s3 =	sadd.s32 $0x88, s3;
	s6 =	simm.s32 @!p1 $0x1082;
	[sflag:s4] =	ssyncset.s32 $0xFFFFF086  }
0x25: {  	[simem:s6], [sflag:s4] =	dma.local [hbm:s3], $0xF7A  }
0x26: {  	[smem:$0x3F99] =	sst s1;
	(tag) =	ssettag s2;
	_ =	strace s9  }
0x27: {  	s1 =	sld [smem:$0x3FA9]  }
0x28: {  	s2 =	sld [smem:$0x3FAA]  }
0x29: {  	s4 =	sld [smem:$0x3FAC]  }
0x2a: {  	p0 =	seq.s32 s5, $0x0;
	s5 =	sld [smem:$0x3FAD]  }
0x2b: {  	s6 =	sld [smem:$0x3FAE]  }
0x2c: {  	s7 =	sld [smem:$0x3FAF]  }
0x2d: {  	s3 =	simm.s32 $0x108;
	s8 =	sld [smem:$0x3FB0]  }
0x2e: {  	s3 =	simm.s32 @!p0 $0x1082;
	s9 =	sld [smem:$0x3FB1]  }
0x2f: {  	lr =	sadd.s32 s0, s3;
	s0 =	sld [smem:$0x3FA8]  }
0x30: {  	s3 =	sld [smem:$0x3FAB]  }
0x31: {  	[smem:$0x3FB4] =	sst s10  }
0x32: {  	s10 =	sld [smem:$0x3FB2];
	_ =	sdelay $0x3  }
0x33: {  	p0 =	seq.s32 s10, $0x1;
	s10 =	sld [smem:$0x3FB4];
	_ =	sdelay $0x3  }
0x34: {  	[smem:$0x3FB4] =	sst s10  }
0x35: {  	s10 =	sld [smem:$0x3FB3];
	_ =	sdelay $0x3  }
0x36: {  	p1 =	seq.s32 s10, $0x1;
	s10 =	sld [smem:$0x3FB4];
	_ =	sdelay $0x3  }
0x37: {  	[smem:$0x3FB4] =	sst s10  }
0x38: {  	s10 =	sld [smem:$0x3FB5]  }
0x39: {  	_ = 	snop;
	(pc) =	sbr.ind lr, $3  }
0x3a: {  	_ = 	snop  }
0x3b: {  	_ = 	snop  }
0x3c: {  	p2 =	seq.s32 s10, $0x1;
	s10 =	sld [smem:$0x3FB4]  }
0x3d: {  	_ =	shalt  }
0x3e: {  	_ =	shalt  }
0x3f: {  	_ =	shalt  }
0x40: {  	_ =	shalt  }
0x41: {  	_ =	shalt  }
0x42: {  	_ =	shalt  }
0x43: {  	_ =	shalt  }
0x44: {  	_ =	shalt  }
0x45: {  	_ =	shalt  }
0x46: {  	_ =	shalt  }
0x47: {  	_ =	shalt  }
0x48: {  	_ =	shalt  }
0x49: {  	_ =	shalt  }
0x4a: {  	_ =	shalt  }
0x4b: {  	_ =	shalt  }
0x4c: {  	_ =	shalt  }
0x4d: {  	_ =	shalt  }
0x4e: {  	_ =	shalt  }
0x4f: {  	_ =	shalt  }
0x50: {  	_ =	shalt  }
0x51: {  	_ =	shalt  }
0x52: {  	_ =	shalt  }
0x53: {  	_ =	shalt  }
0x54: {  	_ =	shalt  }
0x55: {  	_ =	shalt  }
0x56: {  	_ =	shalt  }
0x57: {  	_ =	shalt  }
0x58: {  	_ =	shalt  }
0x59: {  	_ =	shalt  }
0x5a: {  	_ =	shalt  }
0x5b: {  	_ =	shalt  }
0x5c: {  	_ =	shalt  }
0x5d: {  	_ =	shalt  }
0x5e: {  	_ =	shalt  }
0x5f: {  	_ =	shalt  }
0x60: {  	_ =	shalt  }
0x61: {  	_ =	shalt  }
0x62: {  	_ =	shalt  }
0x63: {  	_ =	shalt  }
0x64: {  	_ =	shalt  }
0x65: {  	_ =	shalt  }
0x66: {  	_ =	shalt  }
0x67: {  	_ =	shalt  }
0x68: {  	_ =	shalt  }
0x69: {  	_ =	shalt  }
0x6a: {  	_ =	shalt  }
0x6b: {  	_ =	shalt  }
0x6c: {  	_ =	shalt  }
0x6d: {  	_ =	shalt  }
0x6e: {  	_ =	shalt  }
0x6f: {  	_ =	shalt  }
0x70: {  	_ =	shalt  }
0x71: {  	_ =	shalt  }
0x72: {  	_ =	shalt  }
0x73: {  	_ =	shalt  }
0x74: {  	_ =	shalt  }
0x75: {  	_ =	shalt  }
0x76: {  	_ =	shalt  }
0x77: {  	_ =	shalt  }
0x78: {  	_ =	shalt  }
0x79: {  	_ =	shalt  }
0x7a: {  	_ =	shalt  }
0x7b: {  	_ =	shalt  }
0x7c: {  	_ =	shalt  }
0x7d: {  	_ =	shalt  }
0x7e: {  	_ =	shalt  }
0x7f: {  	_ =	shalt  }
0x80: {  	_ =	shalt  }
0x81: {  	_ =	shalt  }
0x82: {  	_ =	shalt  }
0x83: {  	_ =	shalt  }
0x84: {  	_ =	shalt  }
0x85: {  	_ =	shalt  }
0x86: {  	_ =	shalt  }
0x87: {  	_ =	shalt  }
.Lfunc_end0:
.L_simem_size_0:
called_computation.3_lowered:
.L_overlay_start_0:
0x88: {  	s2 =	sld [smem:$0x3FD9]  }
0x89: {  	s3 =	sld [smem:$0x3FFE];
	_ =	sdelay $0x1  }
0x8a: {  	s1 =	srdreg.scid  }
0x8b: {  	s0 =	sand.u32 $0x1, s1  }
0x8c: {  	s16 =	sshll.u32 s0, $0xA;
	s2 =	sadd.s32 s3, s2  }
0x8d: {  	s2 =	sadd.s32 s2, s16  }
0x8e: {  	[smem:$0x3FC0] =	sst s2  }
0x8f: {  	_ = 	snop  }
0x90: {  	(tm) =	ssettm $0x1  }
0x91: {  	s17 =	sld [smem:$0x3FFB];
	_ =	sdelay $0x3  }
0x92: {  	_ =	strace s17  }
0x93: {  	s2 =	sld [smem:$0x3FFC];
	_ =	sdelay $0x3  }
0x94: {  	_ =	strace s2  }
0x95: {  	s2 =	sld [smem:$0x3FFD];
	_ =	sdelay $0x3  }
0x96: {  	_ =	strace s2  }
0x97: {  	_ =	strace $0x8FFFFFFF  }
0x98: {  	s18 =	sld [smem:$0x3FDB];
	_ =	sdelay $0x1  }
0x99: {  	s19 =	simm.s32 $_scs_section_size  }
0x9a: {  	s4 =	simm.s32 $_size__tile_overlayer_lowered;
	s5 =	simm.s32 $_tile_overlayer_lowered  }
0x9b: {  	s22 =	simm.s32 $0x1BFF;
	s21 =	sshll.u32 s5, $0x1;
	s2 =	sadd.s32 s19, s18  }
0x9c: {  	s6 =	simm.s32 $0x0;
	s20 =	sshll.u32 s4, $0x1;
	s4 =	sadd.s32 s21, s2  }
0x9d: {  	[timem:s6], [sflag:s22] =	dma.local [hbm:s4], s20  }
0x9e: {  	_ =	swait.ge [sflag:s22], s20  }
0x9f: {  	s3 =	ssub.s32 $0x0, s20;
	[sflag:s22] =	ssyncset.done $0x0  }
0xa0: {  	[sflag:s22] =	ssyncadd.s32 s3;
	_ =	sdelay $0x1  }
0xa1: {  	s23 =	simm.s32 $0x1B8B  }
0xa2: {  	_ =	swait.ge [sflag:s23], $0x1  }
0xa3: {  	[sflag:s23] =	ssyncset.done $0x0  }
0xa4: {  	s25 =	simm.s32 $0x1B8E;
	s24 =	sld [smem:$0x3FFE];
	[sflag:s23] =	ssyncadd.s32 $0xFFFFFFFF  }
0xa5: {  	s26 =	simm.s32 $execute0_lowered;
	[smem:$0x3FD2] =	sst s25  }
0xa6: {  	s4 =	sshll.u32 s26, $0x1;
	_ =	strace $0x8000004F;
	[dreg:$0x1] =	wrdreg $0xFFFFFFFF  }
0xa7: {  	s28 =	simm.s32 $_size_execute0_lowered;
	s2 =	sadd.s32 s2, s4;
	[dreg:$0x0] =	wrdreg $0x0  }
0xa8: {  	s4 =	sshll.u32 s28, $0x1;
	[dreg:$0x2] =	wrdreg s2  }
0xa9: {  	[dreg:$0x3] =	wrdreg s4  }
0xaa: {  	[dreg:$0x4] =	wrdreg $0xC0  }
0xab: {  	_ =	task [dreg:s6], $0x5FFFF  }
0xac: {  	[dreg:$0x1] =	wrdreg $0xFFFFFFFF  }
0xad: {  	[dreg:$0x0] =	wrdreg $0x60  }
0xae: {  	[dreg:$0x2] =	wrdreg s24  }
0xaf: {  	[dreg:$0x3] =	wrdreg $0xB0000  }
0xb0: {  	[dreg:$0x4] =	wrdreg $0x9  }
0xb1: {  	_ =	task.clear_ibuf [dreg:s6], $0x5FFFF;
	_ =	strace $0x9000004F  }
0xb2: {  	s29 =	simm.s32 $0x9;
	_ =	strace $0x80000051  }
0xb3: {  	_ =	swait.ge [sflag:s29], $0x1  }
0xb4: {  	[sflag:s29] =	ssyncadd.s32 $0xFFFFFFFF  }
0xb5: {  	_ =	strace $0x90000051  }
0xb6: {  	_ =	sfence  }
0xb7: {  	s30 =	sld [smem:$0x0];
	_ =	sdelay $0x2  }
0xb8: {  	s31 =	sshll.u32 s1, $0xD;
	s1 =	sshrl.u32 s1, $0x2  }
0xb9: {  	s3 =	sand.u32 $0x4000, s31;
	s1 =	sadd.s32 s1, s30  }
0xba: {  	s0 =	sor.u32 s3, s0;
	s1 =	sshll.u32 s1, $0x11  }
0xbb: {  	s0 =	sor.u32 s1, s0  }
0xbc: {  	s0 =	sadd.s32 $0x8F2B, s0  }
0xbd: {  	[sflag:s0] =	ssyncadd.remote.s32 $0x1  }
0xbe: {  	_ =	sfence.sel $0xFFFF  }
0xbf: {  	[dreg:$0x0] =	wrdreg $0xFFFFFFFF;
	(pc) =	sbr.abs _section_cstart, $3  }
0xc0: {  	[dreg:$0x1] =	wrdreg $0xFFFFFFFF  }
0xc1: {  	_ =	task.clear_ibuf [dreg:s6], $0x2FFFF;
	_ =	strace $0x9FFFFFFF  }
0xc2: {  	(tm) =	ssettm $0x7FFFFFFF  }
0xc3: {  	_ =	shalt  }
tec
execute0_lowered:
.L_overlay_start_1:
0x0: {  	(tag) =	ssettag $0x1  }
0x1: {  	s0 =	srdreg.scid;
	s1 =	rddreg [dreg:$0x0]  }
0x2: {  	s10 =	stileid.u32;
	s2 =	rddreg [dreg:$0x1];
	s12 =	simm.s32 $0x9  }
0x3: {  	s13 =	simm.s32 $0x2800;
	s14 =	simm.s32 $0x80;
	s15 =	simm.s32 $0x5000  }
0x4: {  	s16 =	simm.s32 $0x6800;
	s17 =	simm.s32 $0x8000;
	s18 =	simm.s32 $0x9800  }
0x5: {  	s19 =	simm.s32 $0x1;
	s20 =	simm.s32 $0x2;
	s21 =	simm.s32 $0x3  }
0x6: {  	s22 =	simm.s32 $0x4;
	s23 =	simm.s32 $0x5;
	s24 =	simm.s32 $0x6  }
0x7: {  	s28 =	simm.s32 $0x10;
	s29 =	simm.s32 $0x0;
	s6 =	smul.u32 $0x14000, s10  }
0x8: {  	s0 =	sand.u32 $0x1, s0;
	s7 =	smul.u32 $0x7800, s10;
	s31 =	sshll.u32 s10, $0x6  }
0x9: {  	s3 =	sshll.u32 s0, $0x4;
	s8 =	sshll.u32 s0, $0x6;
	s0 =	ssub.s32 $0x2, s0  }
0xa: {  	s4 =	sor.u32 s10, s3;
	s3 =	simm.s32 $0x0;
	s25 =	sor.u32 s8, s6  }
0xb: {  	s26 =	sshrl.u32 s7, $0x3;
	s30 =	sshrl.u32 s0, $0x1;
	s11 =	sadd.s32 s7, s2  }
0xc: {  	s5 =	smul.u32 $0x500, s4;
	[smem:$0x7FF] =	sst s3;
	s4 =	sadd.s32 $0x16C00, s1  }
0xd: {  	s6 =	sadd.s32 s26, s1;
	s0 =	ssub.s32 s0, s30;
	s11 =	sshrl.u32 s11, $0x3  }
0xe: {  	s26 =	simm.s32 $0x8;
	_ =	strace $0x80000050;
	s10 =	smax.u32 s0, $0x1  }
0xf: {  	s9 =	sadd.s32 s5, s1;
	s5 =	sshrl.u32 s25, $0x3;
	s25 =	simm.s32 $0x7  }
0x10: {  	s1 =	sadd.s32 s5, s1;
	s5 =	sadd.s32 $0x25C00, s6;
	s6 =	sor.u32 $0x1C09, s31  }
0x11: {  	s7 =	sadd.s32 $0x2C00, s9;
	s8 =	sadd.s32 $0xCC00, s9;
	s9 =	sadd.s32 $0x34C00, s1  }
.LBB2_1:
0x12: {  	[spmem:s11], [sflag:s6] =	dma.local [hbm:s5], $0xF00  }
0x13: {  	_ =	swait.ge [sflag:s12], $0xF00  }
0x14: {  	[sflag:s12] =	ssyncset.done $0x0  }
0x15: {  	[sflag:s12] =	ssyncadd.s32 $0xFFFFF100  }
0x16: {  	[tilespmem:s3], [sflag:$0x9] =	stream.linear.gather [hbm4b:s7+s3], $0x2800, $0x38;
	[tilespmem:$0x12800] =	vst v63  }
0x17: {  	_ =	swait.ge [sflag:s12], $0x2800  }
0x18: {  	[sflag:s12] =	ssyncset.done $0x0  }
0x19: {  	[sflag:s12] =	ssyncadd.s32 $0xFFFFD800  }
0x1a: {  	[tilespmem:s13], [sflag:$0x9] =	stream.linear.gather [hbm4b:s8+s3], $0x2800, $0x38;
	[tilespmem:$0x12800] =	vst v63  }
0x1b: {  	_ =	swait.ge [sflag:s12], $0x2800  }
0x1c: {  	[sflag:s12] =	ssyncset.done $0x0  }
0x1d: {  	[sflag:s12] =	ssyncadd.s32 $0xFFFFD800  }
0x1e: {  	s0 =	simm.s32 $0x0;
	[bflag:$0x0] =	sbarrier.arrive $0xFFFF  }
0x1f: {  	[tilespmem:s15], [sflag:$0x1] =	stream.indirect.gather [hbm4b:s4+s14], $0x30, s0, s14, $0xb8;
	[tilespmem:$0x12800] =	vst v63  }
0x20: {  	s1 =	simm.s32 $0x80  }
0x21: {  	[tilespmem:s16], [sflag:$0x2] =	stream.indirect.gather [hbm4b:s4+s14], $0x30, s1, s14, $0xb8;
	[tilespmem:$0x12800] =	vst v63  }
0x22: {  	s1 =	simm.s32 $0x100  }
0x23: {  	[tilespmem:s17], [sflag:$0x3] =	stream.indirect.gather [hbm4b:s4+s14], $0x30, s1, s14, $0xb8;
	[tilespmem:$0x12800] =	vst v63  }
0x24: {  	s1 =	simm.s32 $0x180  }
0x25: {  	[tilespmem:s18], [sflag:$0x4] =	stream.indirect.gather [hbm4b:s4+s14], $0x30, s1, s14, $0xb8;
	[tilespmem:$0x12800] =	vst v63  }
0x26: {  	_ =	swait.ge [sflag:s19], $0x1800  }
0x27: {  	[sflag:s19] =	ssyncset.done $0x0  }
0x28: {  	s1 =	simm.s32 $0x2800;
	[sflag:s19] =	ssyncadd.s32 $0xFFFFE800  }
0x29: {  	[spmem:s2] =	stream.indirect.scatter.add.f32 [tilespmem:s15], [sflag:$0x5], $0x30, s1, s14, $0xb8;
	[tilespmem:$0x12800] =	vst v63  }
0x2a: {  	_ =	swait.ge [sflag:s20], $0x1800  }
0x2b: {  	[sflag:s20] =	ssyncset.done $0x0  }
0x2c: {  	s1 =	simm.s32 $0x2880;
	[sflag:s20] =	ssyncadd.s32 $0xFFFFE800  }
0x2d: {  	[spmem:s2] =	stream.indirect.scatter.add.f32 [tilespmem:s16], [sflag:$0x6], $0x30, s1, s14, $0xb8;
	[tilespmem:$0x12800] =	vst v63  }
0x2e: {  	_ =	swait.ge [sflag:s21], $0x1800  }
0x2f: {  	[sflag:s21] =	ssyncset.done $0x0  }
0x30: {  	s1 =	simm.s32 $0x2900;
	[sflag:s21] =	ssyncadd.s32 $0xFFFFE800  }
0x31: {  	[spmem:s2] =	stream.indirect.scatter.add.f32 [tilespmem:s17], [sflag:$0x7], $0x30, s1, s14, $0xb8;
	[tilespmem:$0x12800] =	vst v63  }
0x32: {  	_ =	swait.ge [sflag:s22], $0x1800  }
0x33: {  	[sflag:s22] =	ssyncset.done $0x0  }
0x34: {  	s1 =	simm.s32 $0x2980;
	[sflag:s22] =	ssyncadd.s32 $0xFFFFE800  }
0x35: {  	[spmem:s2] =	stream.indirect.scatter.add.f32 [tilespmem:s18], [sflag:$0x8], $0x30, s1, s14, $0xb8;
	[tilespmem:$0x12800] =	vst v63  }
0x36: {  	_ =	swait.ge [sflag:s23], $0x1800  }
0x37: {  	[sflag:s23] =	ssyncset.done $0x0  }
0x38: {  	s1 =	simm.s32 $0x200;
	[sflag:s23] =	ssyncadd.s32 $0xFFFFE800  }
0x39: {  	[tilespmem:s15], [sflag:$0x1] =	stream.indirect.gather [hbm4b:s4+s14], $0x30, s1, s14, $0xb8;
	[tilespmem:$0x12800] =	vst v63  }
0x3a: {  	_ =	swait.ge [sflag:s24], $0x1800  }
0x3b: {  	[sflag:s24] =	ssyncset.done $0x0  }
0x3c: {  	s1 =	simm.s32 $0x280;
	[sflag:s24] =	ssyncadd.s32 $0xFFFFE800  }
0x3d: {  	[tilespmem:s16], [sflag:$0x2] =	stream.indirect.gather [hbm4b:s4+s14], $0x30, s1, s14, $0xb8;
	[tilespmem:$0x12800] =	vst v63  }
0x3e: {  	_ =	swait.ge [sflag:s25], $0x1800  }
0x3f: {  	[sflag:s25] =	ssyncset.done $0x0  }
0x40: {  	s1 =	simm.s32 $0x300;
	[sflag:s25] =	ssyncadd.s32 $0xFFFFE800  }
0x41: {  	[tilespmem:s17], [sflag:$0x3] =	stream.indirect.gather [hbm4b:s4+s14], $0x30, s1, s14, $0xb8;
	[tilespmem:$0x12800] =	vst v63  }
0x42: {  	_ =	swait.ge [sflag:s26], $0x1800  }
0x43: {  	[sflag:s26] =	ssyncset.done $0x0  }
0x44: {  	s1 =	simm.s32 $0x380;
	[sflag:s26] =	ssyncadd.s32 $0xFFFFE800  }
0x45: {  	[tilespmem:s18], [sflag:$0x4] =	stream.indirect.gather [hbm4b:s4+s14], $0x30, s1, s14, $0xb8;
	[tilespmem:$0x12800] =	vst v63  }
0x46: {  	_ =	swait.ge [sflag:s19], $0x1800  }
0x47: {  	[sflag:s19] =	ssyncset.done $0x0  }
0x48: {  	s1 =	simm.s32 $0x2A00;
	[sflag:s19] =	ssyncadd.s32 $0xFFFFE800  }
0x49: {  	[spmem:s2] =	stream.indirect.scatter.add.f32 [tilespmem:s15], [sflag:$0x5], $0x30, s1, s14, $0xb8;
	[tilespmem:$0x12800] =	vst v63  }
0x4a: {  	_ =	swait.ge [sflag:s20], $0x1800  }
0x4b: {  	[sflag:s20] =	ssyncset.done $0x0  }
0x4c: {  	s1 =	simm.s32 $0x2A80;
	[sflag:s20] =	ssyncadd.s32 $0xFFFFE800  }
0x4d: {  	[spmem:s2] =	stream.indirect.scatter.add.f32 [tilespmem:s16], [sflag:$0x6], $0x30, s1, s14, $0xb8;
	[tilespmem:$0x12800] =	vst v63  }
0x4e: {  	_ =	swait.ge [sflag:s21], $0x1800  }
0x4f: {  	[sflag:s21] =	ssyncset.done $0x0  }
0x50: {  	s1 =	simm.s32 $0x2B00;
	[sflag:s21] =	ssyncadd.s32 $0xFFFFE800  }
0x51: {  	[spmem:s2] =	stream.indirect.scatter.add.f32 [tilespmem:s17], [sflag:$0x7], $0x30, s1, s14, $0xb8;
	[tilespmem:$0x12800] =	vst v63  }
0x52: {  	_ =	swait.ge [sflag:s22], $0x1800  }
0x53: {  	[sflag:s22] =	ssyncset.done $0x0  }
0x54: {  	s1 =	simm.s32 $0x2B80;
	[sflag:s22] =	ssyncadd.s32 $0xFFFFE800  }
0x55: {  	[spmem:s2] =	stream.indirect.scatter.add.f32 [tilespmem:s18], [sflag:$0x8], $0x30, s1, s14, $0xb8;
	[tilespmem:$0x12800] =	vst v63  }
0x56: {  	_ =	swait.ge [sflag:s23], $0x1800  }
0x57: {  	[sflag:s23] =	ssyncset.done $0x0  }
0x58: {  	[sflag:s23] =	ssyncadd.s32 $0xFFFFE800  }
0x59: {  	_ =	swait.ge [sflag:s24], $0x1800  }
0x5a: {  	[sflag:s24] =	ssyncset.done $0x0  }
0x5b: {  	[sflag:s24] =	ssyncadd.s32 $0xFFFFE800  }
0x5c: {  	_ =	swait.ge [sflag:s25], $0x1800  }
0x5d: {  	[sflag:s25] =	ssyncset.done $0x0  }
0x5e: {  	[sflag:s25] =	ssyncadd.s32 $0xFFFFE800  }
0x5f: {  	_ =	swait.ge [sflag:s26], $0x1800  }
0x60: {  	s30 =	simm.s32 $0x1000;
	s31 =	simm.s32 $0x2000;
	[sflag:s26] =	ssyncset.done $0x0  }
.LBB2_2:
0x61: {  	s1 =	sshra.s32 s30, $0x2  }
0x62: {  	[sflag:s26] =	ssyncadd.s32 $0xFFFFE800;
	s30 =	smov.u32 s31;
	s0 =	sadd.s32 $0x1000, s31  }
0x63: {  	[tilespmem:s15], [sflag:$0x1] =	stream.indirect.gather [hbm4b:s4+s14], $0x30, s1, s14, $0xb8;
	[tilespmem:$0x12800] =	vst v63  }
0x64: {  	p0 =	sne.s32 s31, $0x9000;
	s31 =	sadd.s32 $0x80, s1  }
0x65: {  	[tilespmem:s16], [sflag:$0x2] =	stream.indirect.gather [hbm4b:s4+s14], $0x30, s31, s14, $0xb8;
	[tilespmem:$0x12800] =	vst v63  }
0x66: {  	s31 =	sadd.s32 $0x100, s1  }
0x67: {  	[tilespmem:s17], [sflag:$0x3] =	stream.indirect.gather [hbm4b:s4+s14], $0x30, s31, s14, $0xb8;
	[tilespmem:$0x12800] =	vst v63  }
0x68: {  	s31 =	sadd.s32 $0x180, s1  }
0x69: {  	[tilespmem:s18], [sflag:$0x4] =	stream.indirect.gather [hbm4b:s4+s14], $0x30, s31, s14, $0xb8;
	[tilespmem:$0x12800] =	vst v63  }
0x6a: {  	_ =	swait.ge [sflag:s19], $0x1800  }
0x6b: {  	[sflag:s19] =	ssyncset.done $0x0  }
0x6c: {  	s31 =	sadd.s32 $0x2800, s1;
	[sflag:s19] =	ssyncadd.s32 $0xFFFFE800  }
0x6d: {  	[spmem:s2] =	stream.indirect.scatter.add.f32 [tilespmem:s15], [sflag:$0x5], $0x30, s31, s14, $0xb8;
	[tilespmem:$0x12800] =	vst v63  }
0x6e: {  	_ =	swait.ge [sflag:s20], $0x1800  }
0x6f: {  	[sflag:s20] =	ssyncset.done $0x0  }
0x70: {  	s31 =	sadd.s32 $0x2880, s1;
	[sflag:s20] =	ssyncadd.s32 $0xFFFFE800  }
0x71: {  	[spmem:s2] =	stream.indirect.scatter.add.f32 [tilespmem:s16], [sflag:$0x6], $0x30, s31, s14, $0xb8;
	[tilespmem:$0x12800] =	vst v63  }
0x72: {  	_ =	swait.ge [sflag:s21], $0x1800  }
0x73: {  	[sflag:s21] =	ssyncset.done $0x0  }
0x74: {  	s31 =	sadd.s32 $0x2900, s1;
	[sflag:s21] =	ssyncadd.s32 $0xFFFFE800  }
0x75: {  	[spmem:s2] =	stream.indirect.scatter.add.f32 [tilespmem:s17], [sflag:$0x7], $0x30, s31, s14, $0xb8;
	[tilespmem:$0x12800] =	vst v63  }
0x76: {  	_ =	swait.ge [sflag:s22], $0x1800  }
0x77: {  	[sflag:s22] =	ssyncset.done $0x0  }
0x78: {  	s31 =	sadd.s32 $0x2980, s1;
	[sflag:s22] =	ssyncadd.s32 $0xFFFFE800  }
0x79: {  	[spmem:s2] =	stream.indirect.scatter.add.f32 [tilespmem:s18], [sflag:$0x8], $0x30, s31, s14, $0xb8;
	[tilespmem:$0x12800] =	vst v63  }
0x7a: {  	_ =	swait.ge [sflag:s23], $0x1800  }
0x7b: {  	[sflag:s23] =	ssyncset.done $0x0  }
0x7c: {  	s31 =	sadd.s32 $0x200, s1;
	[sflag:s23] =	ssyncadd.s32 $0xFFFFE800  }
0x7d: {  	[tilespmem:s15], [sflag:$0x1] =	stream.indirect.gather [hbm4b:s4+s14], $0x30, s31, s14, $0xb8;
	[tilespmem:$0x12800] =	vst v63  }
0x7e: {  	_ =	swait.ge [sflag:s24], $0x1800  }
0x7f: {  	[sflag:s24] =	ssyncset.done $0x0  }
0x80: {  	s31 =	sadd.s32 $0x280, s1;
	[sflag:s24] =	ssyncadd.s32 $0xFFFFE800  }
0x81: {  	[tilespmem:s16], [sflag:$0x2] =	stream.indirect.gather [hbm4b:s4+s14], $0x30, s31, s14, $0xb8;
	[tilespmem:$0x12800] =	vst v63  }
0x82: {  	_ =	swait.ge [sflag:s25], $0x1800  }
0x83: {  	[sflag:s25] =	ssyncset.done $0x0  }
0x84: {  	s31 =	sadd.s32 $0x300, s1;
	[sflag:s25] =	ssyncadd.s32 $0xFFFFE800  }
0x85: {  	[tilespmem:s17], [sflag:$0x3] =	stream.indirect.gather [hbm4b:s4+s14], $0x30, s31, s14, $0xb8;
	[tilespmem:$0x12800] =	vst v63  }
0x86: {  	_ =	swait.ge [sflag:s26], $0x1800  }
0x87: {  	[sflag:s26] =	ssyncset.done $0x0  }
0x88: {  	s31 =	sadd.s32 $0x380, s1;
	[sflag:s26] =	ssyncadd.s32 $0xFFFFE800  }
0x89: {  	[tilespmem:s18], [sflag:$0x4] =	stream.indirect.gather [hbm4b:s4+s14], $0x30, s31, s14, $0xb8;
	[tilespmem:$0x12800] =	vst v63  }
0x8a: {  	_ =	swait.ge [sflag:s19], $0x1800  }
0x8b: {  	[sflag:s19] =	ssyncset.done $0x0  }
0x8c: {  	s31 =	sadd.s32 $0x2A00, s1;
	[sflag:s19] =	ssyncadd.s32 $0xFFFFE800  }
0x8d: {  	[spmem:s2] =	stream.indirect.scatter.add.f32 [tilespmem:s15], [sflag:$0x5], $0x30, s31, s14, $0xb8;
	[tilespmem:$0x12800] =	vst v63  }
0x8e: {  	_ =	swait.ge [sflag:s20], $0x1800  }
0x8f: {  	[sflag:s20] =	ssyncset.done $0x0  }
0x90: {  	s31 =	sadd.s32 $0x2A80, s1;
	[sflag:s20] =	ssyncadd.s32 $0xFFFFE800  }
0x91: {  	[spmem:s2] =	stream.indirect.scatter.add.f32 [tilespmem:s16], [sflag:$0x6], $0x30, s31, s14, $0xb8;
	[tilespmem:$0x12800] =	vst v63  }
0x92: {  	_ =	swait.ge [sflag:s21], $0x1800  }
0x93: {  	[sflag:s21] =	ssyncset.done $0x0  }
0x94: {  	s31 =	sadd.s32 $0x2B00, s1;
	[sflag:s21] =	ssyncadd.s32 $0xFFFFE800  }
0x95: {  	[spmem:s2] =	stream.indirect.scatter.add.f32 [tilespmem:s17], [sflag:$0x7], $0x30, s31, s14, $0xb8;
	[tilespmem:$0x12800] =	vst v63  }
0x96: {  	_ =	swait.ge [sflag:s22], $0x1800  }
0x97: {  	[sflag:s22] =	ssyncset.done $0x0  }
0x98: {  	s1 =	sadd.s32 $0x2B80, s1;
	[sflag:s22] =	ssyncadd.s32 $0xFFFFE800  }
0x99: {  	[spmem:s2] =	stream.indirect.scatter.add.f32 [tilespmem:s18], [sflag:$0x8], $0x30, s1, s14, $0xb8;
	[tilespmem:$0x12800] =	vst v63  }
0x9a: {  	_ =	swait.ge [sflag:s23], $0x1800  }
0x9b: {  	[sflag:s23] =	ssyncset.done $0x0  }
0x9c: {  	[sflag:s23] =	ssyncadd.s32 $0xFFFFE800  }
0x9d: {  	_ =	swait.ge [sflag:s24], $0x1800  }
0x9e: {  	[sflag:s24] =	ssyncset.done $0x0  }
0x9f: {  	[sflag:s24] =	ssyncadd.s32 $0xFFFFE800  }
.Ltmp0:
0xa0: {  	_ =	swait.ge [sflag:s25], $0x1800;
	(pc) =	sbr.rel @p0 .LBB2_2-.Ltmp0, $4  }
0xa1: {  	[sflag:s25] =	ssyncset.done $0x0  }
0xa2: {  	[sflag:s25] =	ssyncadd.s32 $0xFFFFE800  }
0xa3: {  	_ =	swait.ge [sflag:s26], $0x1800  }
0xa4: {  	s31 =	smov.u32 s0;
	[sflag:s26] =	ssyncset.done $0x0  }
0xa5: {  	s1 =	sshra.s32 s30, $0x2;
	[sflag:s26] =	ssyncadd.s32 $0xFFFFE800  }
0xa6: {  	[tilespmem:s15], [sflag:$0x1] =	stream.indirect.gather [hbm4b:s4+s14], $0x30, s1, s14, $0xb8;
	[tilespmem:$0x12800] =	vst v63  }
0xa7: {  	s0 =	sadd.s32 $0x80, s1  }
0xa8: {  	[tilespmem:s16], [sflag:$0x2] =	stream.indirect.gather [hbm4b:s4+s14], $0x30, s0, s14, $0xb8;
	[tilespmem:$0x12800] =	vst v63  }
0xa9: {  	s30 =	sadd.s32 $0x100, s1  }
0xaa: {  	[tilespmem:s17], [sflag:$0x3] =	stream.indirect.gather [hbm4b:s4+s14], $0x30, s30, s14, $0xb8;
	[tilespmem:$0x12800] =	vst v63  }
0xab: {  	s31 =	sadd.s32 $0x180, s1  }
0xac: {  	[tilespmem:s18], [sflag:$0x4] =	stream.indirect.gather [hbm4b:s4+s14], $0x30, s31, s14, $0xb8;
	[tilespmem:$0x12800] =	vst v63  }
0xad: {  	_ =	swait.ge [sflag:s19], $0x1800  }
0xae: {  	[sflag:s19] =	ssyncset.done $0x0  }
0xaf: {  	s30 =	sadd.s32 $0x2800, s1;
	[sflag:s19] =	ssyncadd.s32 $0xFFFFE800  }
0xb0: {  	[spmem:s2] =	stream.indirect.scatter.add.f32 [tilespmem:s15], [sflag:$0x5], $0x30, s30, s14, $0xb8;
	[tilespmem:$0x12800] =	vst v63  }
0xb1: {  	_ =	swait.ge [sflag:s20], $0x1800  }
0xb2: {  	[sflag:s20] =	ssyncset.done $0x0  }
0xb3: {  	s31 =	sadd.s32 $0x2880, s1;
	[sflag:s20] =	ssyncadd.s32 $0xFFFFE800  }
0xb4: {  	[spmem:s2] =	stream.indirect.scatter.add.f32 [tilespmem:s16], [sflag:$0x6], $0x30, s31, s14, $0xb8;
	[tilespmem:$0x12800] =	vst v63  }
0xb5: {  	_ =	swait.ge [sflag:s21], $0x1800  }
0xb6: {  	[sflag:s21] =	ssyncset.done $0x0  }
0xb7: {  	s30 =	sadd.s32 $0x2900, s1;
	[sflag:s21] =	ssyncadd.s32 $0xFFFFE800  }
0xb8: {  	[spmem:s2] =	stream.indirect.scatter.add.f32 [tilespmem:s17], [sflag:$0x7], $0x30, s30, s14, $0xb8;
	[tilespmem:$0x12800] =	vst v63  }
0xb9: {  	_ =	swait.ge [sflag:s22], $0x1800  }
0xba: {  	[sflag:s22] =	ssyncset.done $0x0  }
0xbb: {  	s31 =	sadd.s32 $0x2980, s1;
	[sflag:s22] =	ssyncadd.s32 $0xFFFFE800  }
0xbc: {  	[spmem:s2] =	stream.indirect.scatter.add.f32 [tilespmem:s18], [sflag:$0x8], $0x30, s31, s14, $0xb8;
	[tilespmem:$0x12800] =	vst v63  }
0xbd: {  	_ =	swait.ge [sflag:s23], $0x1800  }
0xbe: {  	[sflag:s23] =	ssyncset.done $0x0  }
0xbf: {  	s30 =	sadd.s32 $0x200, s1;
	[sflag:s23] =	ssyncadd.s32 $0xFFFFE800  }
0xc0: {  	[tilespmem:s15], [sflag:$0x1] =	stream.indirect.gather [hbm4b:s4+s14], $0x30, s30, s14, $0xb8;
	[tilespmem:$0x12800] =	vst v63  }
0xc1: {  	_ =	swait.ge [sflag:s24], $0x1800  }
0xc2: {  	[sflag:s24] =	ssyncset.done $0x0  }
0xc3: {  	s31 =	sadd.s32 $0x280, s1;
	[sflag:s24] =	ssyncadd.s32 $0xFFFFE800  }
0xc4: {  	[tilespmem:s16], [sflag:$0x2] =	stream.indirect.gather [hbm4b:s4+s14], $0x30, s31, s14, $0xb8;
	[tilespmem:$0x12800] =	vst v63  }
0xc5: {  	_ =	swait.ge [sflag:s25], $0x1800  }
0xc6: {  	[sflag:s25] =	ssyncset.done $0x0  }
0xc7: {  	s30 =	sadd.s32 $0x300, s1;
	[sflag:s25] =	ssyncadd.s32 $0xFFFFE800  }
0xc8: {  	[tilespmem:s17], [sflag:$0x3] =	stream.indirect.gather [hbm4b:s4+s14], $0x30, s30, s14, $0xb8;
	[tilespmem:$0x12800] =	vst v63  }
0xc9: {  	_ =	swait.ge [sflag:s26], $0x1800  }
0xca: {  	[sflag:s26] =	ssyncset.done $0x0  }
0xcb: {  	s31 =	sadd.s32 $0x380, s1;
	[sflag:s26] =	ssyncadd.s32 $0xFFFFE800  }
0xcc: {  	[tilespmem:s18], [sflag:$0x4] =	stream.indirect.gather [hbm4b:s4+s14], $0x30, s31, s14, $0xb8;
	[tilespmem:$0x12800] =	vst v63  }
0xcd: {  	_ =	swait.ge [sflag:s19], $0x1800  }
0xce: {  	[sflag:s19] =	ssyncset.done $0x0  }
0xcf: {  	s30 =	sadd.s32 $0x2A00, s1;
	[sflag:s19] =	ssyncadd.s32 $0xFFFFE800  }
0xd0: {  	[spmem:s2] =	stream.indirect.scatter.add.f32 [tilespmem:s15], [sflag:$0x5], $0x30, s30, s14, $0xb8;
	[tilespmem:$0x12800] =	vst v63  }
0xd1: {  	_ =	swait.ge [sflag:s20], $0x1800  }
0xd2: {  	[sflag:s20] =	ssyncset.done $0x0  }
0xd3: {  	s31 =	sadd.s32 $0x2A80, s1;
	[sflag:s20] =	ssyncadd.s32 $0xFFFFE800  }
0xd4: {  	[spmem:s2] =	stream.indirect.scatter.add.f32 [tilespmem:s16], [sflag:$0x6], $0x30, s31, s14, $0xb8;
	[tilespmem:$0x12800] =	vst v63  }
0xd5: {  	_ =	swait.ge [sflag:s21], $0x1800  }
0xd6: {  	[sflag:s21] =	ssyncset.done $0x0  }
0xd7: {  	s30 =	sadd.s32 $0x2B00, s1;
	[sflag:s21] =	ssyncadd.s32 $0xFFFFE800  }
0xd8: {  	[spmem:s2] =	stream.indirect.scatter.add.f32 [tilespmem:s17], [sflag:$0x7], $0x30, s30, s14, $0xb8;
	[tilespmem:$0x12800] =	vst v63  }
0xd9: {  	_ =	swait.ge [sflag:s22], $0x1800  }
0xda: {  	[sflag:s22] =	ssyncset.done $0x0  }
0xdb: {  	s31 =	sadd.s32 $0x2B80, s1;
	[sflag:s22] =	ssyncadd.s32 $0xFFFFE800  }
0xdc: {  	[spmem:s2] =	stream.indirect.scatter.add.f32 [tilespmem:s18], [sflag:$0x8], $0x30, s31, s14, $0xb8;
	[tilespmem:$0x12800] =	vst v63  }
0xdd: {  	_ =	swait.ge [sflag:s23], $0x1800  }
0xde: {  	[sflag:s23] =	ssyncset.done $0x0  }
0xdf: {  	[sflag:s23] =	ssyncadd.s32 $0xFFFFE800  }
0xe0: {  	_ =	swait.ge [sflag:s24], $0x1800  }
0xe1: {  	[sflag:s24] =	ssyncset.done $0x0  }
0xe2: {  	[sflag:s24] =	ssyncadd.s32 $0xFFFFE800  }
0xe3: {  	_ =	swait.ge [sflag:s25], $0x1800  }
0xe4: {  	[sflag:s25] =	ssyncset.done $0x0  }
0xe5: {  	[sflag:s25] =	ssyncadd.s32 $0xFFFFE800  }
0xe6: {  	_ =	swait.ge [sflag:s26], $0x1800  }
0xe7: {  	s29 =	sadd.s32 $0x1, s29;
	[sflag:s26] =	ssyncset.done $0x0  }
0xe8: {  	p0 =	sne.s32 s29, s10;
	[sflag:s26] =	ssyncadd.s32 $0xFFFFE800  }
.Ltmp1:
0xe9: {  	[bflag:$0x0] =	sbarrier.arrive $0xFFFF;
	(pc) =	sbr.rel @p0 .LBB2_1-.Ltmp1, $4  }
0xea: {  	[hbm:s9@s28], [sflag:s6] =	dma.strided [spmem:s11@s24], $0xF00, s19, $0x6   }
0xeb: {  	_ =	swait.ge [sflag:s12], $0xF00  }
0xec: {  	[sflag:s12] =	ssyncset.done $0x0  }
0xed: {  	[sflag:s12] =	ssyncadd.s32 $0xFFFFF100  }
0xee: {  	_ =	sfence.sel $0x180000  }
0xef: {  	[bflag:$0x0] =	sbarrier.arrive $0xFFFF  }
0xf0: {  	_ =	strace $0x90000050  }
0xf1: {  	s0 =	stileid.u32;
	[bflag:$0x2] =	sbarrier.arrive $0xFFFF  }
0xf2: {  	p0 =	sne.s32 s0, $0x0;
	s0 =	rddreg [dreg:$0x2]  }
0xf3: {  	s0 =	sadd.s32 @!p0 $0x100000, s0  }
0xf4: {  	[sflag:s0] =	ssyncadd.tile.s32 @!p0 $0x1;
	_ =	shalt  }
.Lfunc_end2:
_tile_overlayer_lowered:
.L_overlay_start_2:
0xf5: {  	(tag) =	ssettag $0x2  }
0xf6: {  	s0 =	rddreg [dreg:$0x0];
	s2 =	stileid.u32  }
0xf7: {  	s1 =	rddreg [dreg:$0x1];
	p0 =	sne.s32 s2, $0x0  }
0xf8: {  	s3 =	rddreg [dreg:$0x2];
	[bflag:$0x3] =	sbarrier.arrive $0xFFFF;
	s2 =	simm.s32 @!p0 $0x1C09  }
0xf9: {  	[timem:s3], [sflag:s2] =	dma.local @!p0 [hbm:s0], s1  }
0xfa: {  	s0 =	simm.s32 @!p0 $0x9  }
0xfb: {  	_ =	swait.ge @!p0 [sflag:s0], s1  }
0xfc: {  	s1 =	ssub.s32 @!p0 $0x0, s1;
	[sflag:s0] =	ssyncset.done @!p0 $0x0  }
0xfd: {  	[sflag:s0] =	ssyncadd.s32 @!p0 s1  }
0xfe: {  	[bflag:$0x3] =	sbarrier.arrive $0xFFFF  }
0xff: {  	_ =	shalt  }

</sc_bundles>
